<compile_context>
chip_gen: v7x
topology: tpu7x:2x2x1
jax: 0.10.2.dev20260603
libtpu: 0.0.44.dev20260713+nightly
codegen_flags: <defaults>
</compile_context>

<pallas_src>
import jax
import jax.numpy as jnp
from jax import lax
from jax.experimental import pallas as pl
from jax.experimental.pallas import tpu as pltpu
from jax.experimental.pallas import tpu_sc as plsc

NUM_CODE = 8192
CODE_DIM = 256
COMMITMENT_COST = 0.25
NUM_TOK = 8192

BM = 8192
BN = 2048
BC = 512

SC_CORES = 2
SC_SUBCORES = 16
SC_WORKERS = SC_CORES * SC_SUBCORES
TOK_PER_WORKER = NUM_TOK // SC_WORKERS


def _argmax_body(enc_ref, cb_ref, idx_ref, sim_ref, cbq_ref,
                 enc_bf, cb_bf, m_scr, i_scr):
    n = pl.program_id(0)
    t = pl.program_id(1)

    @pl.when((n == 0) & (t == 0))
    def _():
        x = enc_ref[...]
        r = jnp.sqrt(jnp.sum(x * x, axis=1, keepdims=True))
        enc_bf[...] = (x / jnp.maximum(r, 1e-12)).astype(jnp.bfloat16)

    @pl.when(t == 0)
    def _():
        y = cb_ref[...]
        r = jnp.sqrt(jnp.sum(y * y, axis=1, keepdims=True))
        yb = (y / jnp.maximum(r, 1e-12)).astype(jnp.bfloat16)
        cb_bf[...] = yb
        cbq_ref[...] = yb.astype(jnp.float32)

    e = enc_bf[pl.ds(t * BM, BM), :]
    slab_iota = lax.broadcasted_iota(jnp.int32, (8, BM), 0)

    def chunk_dot(j):
        return lax.dot_general(
            cb_bf[pl.ds(j * BC, BC), :], e,
            (((1,), (1,)), ((), ())),
            preferred_element_type=jnp.float32,
        )

    def scan_slabs(s, base, acc):
        rm = lax.slice(s, (0, 0), (8, BM))
        ri = slab_iota + base
        for k in range(1, BC // 8):
            sk = lax.slice(s, (k * 8, 0), ((k + 1) * 8, BM))
            upd = sk > rm
            rm = jnp.where(upd, sk, rm)
            ri = jnp.where(upd, slab_iota + (base + k * 8), ri)
        if acc is None:
            return rm, ri
        acc_m, acc_i = acc
        upd = rm > acc_m
        return jnp.where(upd, rm, acc_m), jnp.where(upd, ri, acc_i)

    n_chunks = BN // BC
    acc = None
    s_prev = chunk_dot(0)
    for j in range(1, n_chunks):
        s_cur = chunk_dot(j)
        acc = scan_slabs(s_prev, n * BN + (j - 1) * BC, acc)
        s_prev = s_cur
    acc_m, acc_i = scan_slabs(s_prev, n * BN + (n_chunks - 1) * BC, acc)

    bm = jnp.max(acc_m, axis=0, keepdims=True)
    bi = jnp.min(jnp.where(acc_m == bm, acc_i, jnp.int32(2**30)),
                 axis=0, keepdims=True)

    row = pl.ds(t, 1)

    @pl.when(n == 0)
    def _():
        m_scr[row, :] = bm
        i_scr[row, :] = bi

    @pl.when(n > 0)
    def _():
        better = bm > m_scr[row, :]
        i_scr[row, :] = jnp.where(better, bi, i_scr[row, :])
        m_scr[row, :] = jnp.maximum(bm, m_scr[row, :])

    @pl.when(n == pl.num_programs(0) - 1)
    def _():
        idx_ref[...] = i_scr[row, :].reshape(1, 1, BM)
        sim_ref[...] = m_scr[row, :].reshape(1, 1, BM)


def _argmax_similarity(enc, cb):
    grid = (NUM_CODE // BN, NUM_TOK // BM)
    n_t = NUM_TOK // BM
    return pl.pallas_call(
        _argmax_body,
        grid=grid,
        in_specs=[
            pl.BlockSpec((NUM_TOK, CODE_DIM), lambda n, t: (0, 0)),
            pl.BlockSpec((BN, CODE_DIM), lambda n, t: (n, 0)),
        ],
        out_specs=[
            pl.BlockSpec((1, 1, BM), lambda n, t: (t, 0, 0)),
            pl.BlockSpec((1, 1, BM), lambda n, t: (t, 0, 0)),
            pl.BlockSpec((BN, CODE_DIM), lambda n, t: (n, 0)),
        ],
        out_shape=[
            jax.ShapeDtypeStruct((n_t, 1, BM), jnp.int32),
            jax.ShapeDtypeStruct((n_t, 1, BM), jnp.float32),
            jax.ShapeDtypeStruct((NUM_CODE, CODE_DIM), jnp.float32),
        ],
        scratch_shapes=[
            pltpu.VMEM((NUM_TOK, CODE_DIM), jnp.bfloat16),
            pltpu.VMEM((BN, CODE_DIM), jnp.bfloat16),
            pltpu.VMEM((n_t, BM), jnp.float32),
            pltpu.VMEM((n_t, BM), jnp.int32),
        ],
        compiler_params=pltpu.CompilerParams(
            dimension_semantics=("arbitrary", "arbitrary"),
        ),
    )(enc, cb)


def _sc_gather_hist_body(cb_hbm, idx_hbm, quant_hbm, counts_hbm,
                         idx_v, rows_v, ones_v, zeros_v, hist_sh,
                         sem_g, sem_w):
    c = lax.axis_index("c")
    s = lax.axis_index("s")
    wid = s * SC_CORES + c
    base = wid * TOK_PER_WORKER
    z_per_sub = NUM_CODE // SC_SUBCORES

    pltpu.sync_copy(idx_hbm.at[pl.ds(base, TOK_PER_WORKER)], idx_v)
    gather = pltpu.async_copy(cb_hbm.at[idx_v], rows_v, sem_g)

    for i in range(z_per_sub // 16):
        zeros_v[pl.ds(i * 16, 16)] = jnp.zeros((16,), jnp.float32)
    for i in range(TOK_PER_WORKER // 16):
        ones_v[pl.ds(i * 16, 16)] = jnp.ones((16,), jnp.float32)
    pltpu.sync_copy(zeros_v, hist_sh.at[pl.ds(s * z_per_sub, z_per_sub)])
    plsc.subcore_barrier()
    pltpu.sync_copy(ones_v, hist_sh.at[idx_v], add=True)

    gather.wait()
    out_cp = pltpu.async_copy(
        rows_v, quant_hbm.at[pl.ds(base, TOK_PER_WORKER)], sem_w)

    plsc.subcore_barrier()

    @pl.when(s == 0)
    def _():
        pltpu.sync_copy(hist_sh, counts_hbm.at[c])

    out_cp.wait()


def _sc_gather_hist(cb_q, idx):
    return pl.kernel(
        _sc_gather_hist_body,
        out_type=[
            jax.ShapeDtypeStruct((NUM_TOK, CODE_DIM), jnp.float32),
            jax.ShapeDtypeStruct((SC_CORES, NUM_CODE), jnp.float32),
        ],
        mesh=plsc.VectorSubcoreMesh(core_axis_name="c", subcore_axis_name="s"),
        scratch_types=[
            pltpu.VMEM((TOK_PER_WORKER,), jnp.int32),
            pltpu.VMEM((TOK_PER_WORKER, CODE_DIM), jnp.float32),
            pltpu.VMEM((TOK_PER_WORKER,), jnp.float32),
            pltpu.VMEM((NUM_CODE // SC_SUBCORES,), jnp.float32),
            pltpu.VMEM_SHARED((NUM_CODE,), jnp.float32),
            pltpu.SemaphoreType.DMA,
            pltpu.SemaphoreType.DMA,
        ],
    )(cb_q, idx)


def _finalize_body(sim_ref, cnt_ref, loss_ref, perp_ref):
    s_sum = jnp.sum(sim_ref[...])
    denom = float(NUM_TOK) * float(CODE_DIM)
    loss = (1.0 + COMMITMENT_COST) * (2.0 * NUM_TOK - 2.0 * s_sum) / denom
    loss_ref[...] = loss.reshape(1, 1)

    cnt = cnt_ref[...]
    p = (cnt[0:1, :] + cnt[1:2, :]) * (1.0 / NUM_TOK)
    ent = -jnp.sum(p * jnp.log(p + 1e-10))
    perp_ref[...] = jnp.exp(ent).reshape(1, 1)


def _finalize(sim, counts):
    return pl.pallas_call(
        _finalize_body,
        out_shape=[
            jax.ShapeDtypeStruct((1, 1), jnp.float32),
            jax.ShapeDtypeStruct((1, 1), jnp.float32),
        ],
    )(sim, counts)


def kernel(encoded_patch_input, codebook_weight):
    enc = encoded_patch_input.reshape(NUM_TOK, CODE_DIM)
    idx, sim, cb_q = _argmax_similarity(enc, codebook_weight)
    idx_flat = idx.reshape(NUM_TOK)
    quant, counts = _sc_gather_hist(cb_q, idx_flat)
    loss, perp = _finalize(sim.reshape(64, 128), counts)

    B, C, Tn = encoded_patch_input.shape[:3]
    return (
        loss.reshape(()),
        quant.reshape(B, C, Tn, CODE_DIM),
        perp.reshape(()),
        codebook_weight,
        idx_flat.reshape(B, C, Tn),
    )

# --- scband reference (transcript-rebuilt; emitter-appended) ---
"""Pipeline reference for scband-my-vector-quantizer-45157286150844 (READ-ONLY COPY).

The authoritative reference and input builder live on the scoring server;
editing this copy changes nothing except your own understanding.
"""

import jax, jax.numpy as jnp
import numpy as np

NUM_CODE = 8192
CODE_DIM = 256
COMMITMENT_COST = 0.25


def _l2_normalize(x, eps=1e-12):
    n = jnp.sqrt(jnp.sum(x * x, axis=-1, keepdims=True))
    return x / jnp.maximum(n, eps)


def setup_inputs(seed: int = 0) -> dict:
    key = jax.random.key(seed)
    k1, k2 = jax.random.split(key)
    encoded_patch_input = jax.random.normal(k1, (16, 8, 64, CODE_DIM), dtype=jnp.float32)
    codebook_weight = jax.random.uniform(
        k2, (NUM_CODE, CODE_DIM), dtype=jnp.float32,
        minval=-1.0 / NUM_CODE, maxval=1.0 / NUM_CODE)
    return {"encoded_patch_input": encoded_patch_input, "codebook_weight": codebook_weight}


def reference(encoded_patch_input, codebook_weight):
    enc = _l2_normalize(encoded_patch_input)
    cb = _l2_normalize(codebook_weight)
    similarity = jnp.einsum('bctd,nd->bctn', enc, cb)
    code_indices = jnp.argmax(similarity, axis=-1)
    one_hot = jax.nn.one_hot(code_indices, NUM_CODE, dtype=jnp.float32)
    quantized = jnp.einsum('bctn,nd->bctd', one_hot, cb)
    e_latent_loss = jnp.mean((jax.lax.stop_gradient(quantized) - enc) ** 2)
    q_latent_loss = jnp.mean((quantized - jax.lax.stop_gradient(enc)) ** 2)
    loss = q_latent_loss + COMMITMENT_COST * e_latent_loss
    quantized_st = enc + jax.lax.stop_gradient(quantized - enc)
    avg_probs = jnp.mean(one_hot, axis=(0, 1, 2))
    perplexity = jnp.exp(-jnp.sum(avg_probs * jnp.log(avg_probs + 1e-10)))
    return (loss, quantized_st, perplexity, codebook_weight, code_indices)

if __name__ == "__main__":
    import jax
    _d = setup_inputs()
    print(jax.jit(kernel)(*tuple(_d.values())))

</pallas_src>

<mosaic_0001>
#map = affine_map<(d0, d1) -> (0, 0)>
#map1 = affine_map<(d0, d1) -> (0)>
module attributes {stable_mosaic.version = 14 : i64} {
  func.func @_sc_gather_hist_body(%arg0: i32, %arg1: i32, %arg2: memref<8192x256xf32, #tpu.memory_space<hbm>>, %arg3: memref<8192xi32, #tpu.memory_space<hbm>>, %arg4: memref<8192x256xf32, #tpu.memory_space<hbm>>, %arg5: memref<2x8192xf32, #tpu.memory_space<hbm>>, %arg6: memref<256xi32, #tpu.memory_space<vmem>>, %arg7: memref<256x256xf32, #tpu.memory_space<vmem>>, %arg8: memref<256xf32, #tpu.memory_space<vmem>>, %arg9: memref<512xf32, #tpu.memory_space<vmem>>, %arg10: memref<8192xf32, #tpu.memory_space<vmem_shared>>, %arg11: memref<!tpu.dma_semaphore, #tpu.memory_space<semaphore_mem>>, %arg12: memref<!tpu.dma_semaphore, #tpu.memory_space<semaphore_mem>>) attributes {dimension_semantics = [#tpu.dimension_semantics<core_parallel>, #tpu.dimension_semantics<subcore_parallel>], iteration_bounds = array<i64: 2, 16>, scalar_prefetch = 0 : i64, scratch_operands = 7 : i64, tpu.core_type = #tpu.core_type<sc_vector_subcore>, window_params = [{transform_indices = #map}, {transform_indices = #map1}, {transform_indices = #map}, {transform_indices = #map}]} {
    %mul3A = arith.constant 2 : i32
    %mul3A_0 = arith.muli %arg1, %mul3A : i32
    %add3A = arith.addi %mul3A_0, %arg0 : i32
    %mul3A_1 = arith.constant 256 : i32
    %mul3A_2 = arith.muli %add3A, %mul3A_1 : i32
    "tpu.region"() ({
      %run_scoped3A = tpu.sem_alloc : memref<!tpu.dma_semaphore, #tpu.memory_space<semaphore_mem>>
      %dma_start3A_306 = tpu.memref_slice %arg3[%mul3A_2] : memref<8192xi32, #tpu.memory_space<hbm>> -> memref<256xi32, #tpu.memory_space<hbm>>
      %dma_start3A_307 = tpu.memref_slice %arg3[%mul3A_2] : memref<8192xi32, #tpu.memory_space<hbm>> -> memref<256xi32, #tpu.memory_space<hbm>>
      tpu.enqueue_dma source(%dma_start3A_307 : memref<256xi32, #tpu.memory_space<hbm>>) target(%arg6 : memref<256xi32, #tpu.memory_space<vmem>>) target_semaphore(%run_scoped3A : memref<!tpu.dma_semaphore, #tpu.memory_space<semaphore_mem>>)
      %dma_wait3A_308 = tpu.memref_slice %arg3[%mul3A_2] : memref<8192xi32, #tpu.memory_space<hbm>> -> memref<256xi32, #tpu.memory_space<hbm>>
      %dma_wait3A_309 = tpu.memref_slice %arg3[%mul3A_2] : memref<8192xi32, #tpu.memory_space<hbm>> -> memref<256xi32, #tpu.memory_space<hbm>>
      tpu.wait_dma2 semaphore(%run_scoped3A : memref<!tpu.dma_semaphore, #tpu.memory_space<semaphore_mem>>) src(%dma_wait3A_309 : memref<256xi32, #tpu.memory_space<hbm>>) dst(%arg6 : memref<256xi32, #tpu.memory_space<vmem>>)
      tpu.yield
    }) : () -> ()
    %dma_start3A = arith.constant 0 : i32
    %dma_start3A_3 = arith.constant 0 : i32
    %dma_start3A_4 = tpu.memref_slice %arg2[%dma_start3A, %dma_start3A_3] : memref<8192x256xf32, #tpu.memory_space<hbm>> -> memref<8192x256xf32, #tpu.memory_space<hbm>>
    tpu.enqueue_indirect_dma source(%dma_start3A_4 : memref<8192x256xf32, #tpu.memory_space<hbm>>) target(%arg7 : memref<256x256xf32, #tpu.memory_space<vmem>>) offsets(%arg6 : memref<256xi32, #tpu.memory_space<vmem>>) semaphore(%arg11 : memref<!tpu.dma_semaphore, #tpu.memory_space<semaphore_mem>>)
    %broadcast_in_dim3A = arith.constant 0.000000e+00 : f32
    %broadcast_in_dim3A_5 = vector.broadcast %broadcast_in_dim3A : f32 to vector<16xf32>
    %swap3A = arith.constant 0 : index
    %swap3A_6 = tpu.vector_load %arg9[%swap3A] {strides = array<i32>} : memref<512xf32, #tpu.memory_space<vmem>>, vector<16xf32>,
    %swap3A_7 = vector.shape_cast %swap3A_6 : vector<16xf32> to vector<16xf32>
    %swap3A_8 = vector.shape_cast %broadcast_in_dim3A_5 : vector<16xf32> to vector<16xf32>
    tpu.vector_store %arg9[%swap3A], %swap3A_8 {strides = array<i32>} : memref<512xf32, #tpu.memory_space<vmem>>, vector<16xf32>,
    %broadcast_in_dim3A_9 = arith.constant 0.000000e+00 : f32
    %broadcast_in_dim3A_10 = vector.broadcast %broadcast_in_dim3A_9 : f32 to vector<16xf32>
    %swap3A_11 = arith.constant 16 : index
    %swap3A_12 = tpu.vector_load %arg9[%swap3A_11] {strides = array<i32>} : memref<512xf32, #tpu.memory_space<vmem>>, vector<16xf32>,
    %swap3A_13 = vector.shape_cast %swap3A_12 : vector<16xf32> to vector<16xf32>
    %swap3A_14 = vector.shape_cast %broadcast_in_dim3A_10 : vector<16xf32> to vector<16xf32>
    tpu.vector_store %arg9[%swap3A_11], %swap3A_14 {strides = array<i32>} : memref<512xf32, #tpu.memory_space<vmem>>, vector<16xf32>,
    %broadcast_in_dim3A_15 = arith.constant 0.000000e+00 : f32
    %broadcast_in_dim3A_16 = vector.broadcast %broadcast_in_dim3A_15 : f32 to vector<16xf32>
    %swap3A_17 = arith.constant 32 : index
    %swap3A_18 = tpu.vector_load %arg9[%swap3A_17] {strides = array<i32>} : memref<512xf32, #tpu.memory_space<vmem>>, vector<16xf32>,
    %swap3A_19 = vector.shape_cast %swap3A_18 : vector<16xf32> to vector<16xf32>
    %swap3A_20 = vector.shape_cast %broadcast_in_dim3A_16 : vector<16xf32> to vector<16xf32>
    tpu.vector_store %arg9[%swap3A_17], %swap3A_20 {strides = array<i32>} : memref<512xf32, #tpu.memory_space<vmem>>, vector<16xf32>,
    %broadcast_in_dim3A_21 = arith.constant 0.000000e+00 : f32
    %broadcast_in_dim3A_22 = vector.broadcast %broadcast_in_dim3A_21 : f32 to vector<16xf32>
    %swap3A_23 = arith.constant 48 : index
    %swap3A_24 = tpu.vector_load %arg9[%swap3A_23] {strides = array<i32>} : memref<512xf32, #tpu.memory_space<vmem>>, vector<16xf32>,
    %swap3A_25 = vector.shape_cast %swap3A_24 : vector<16xf32> to vector<16xf32>
    %swap3A_26 = vector.shape_cast %broadcast_in_dim3A_22 : vector<16xf32> to vector<16xf32>
    tpu.vector_store %arg9[%swap3A_23], %swap3A_26 {strides = array<i32>} : memref<512xf32, #tpu.memory_space<vmem>>, vector<16xf32>,
    %broadcast_in_dim3A_27 = arith.constant 0.000000e+00 : f32
    %broadcast_in_dim3A_28 = vector.broadcast %broadcast_in_dim3A_27 : f32 to vector<16xf32>
    %swap3A_29 = arith.constant 64 : index
    %swap3A_30 = tpu.vector_load %arg9[%swap3A_29] {strides = array<i32>} : memref<512xf32, #tpu.memory_space<vmem>>, vector<16xf32>,
    %swap3A_31 = vector.shape_cast %swap3A_30 : vector<16xf32> to vector<16xf32>
    %swap3A_32 = vector.shape_cast %broadcast_in_dim3A_28 : vector<16xf32> to vector<16xf32>
    tpu.vector_store %arg9[%swap3A_29], %swap3A_32 {strides = array<i32>} : memref<512xf32, #tpu.memory_space<vmem>>, vector<16xf32>,
    %broadcast_in_dim3A_33 = arith.constant 0.000000e+00 : f32
    %broadcast_in_dim3A_34 = vector.broadcast %broadcast_in_dim3A_33 : f32 to vector<16xf32>
    %swap3A_35 = arith.constant 80 : index
    %swap3A_36 = tpu.vector_load %arg9[%swap3A_35] {strides = array<i32>} : memref<512xf32, #tpu.memory_space<vmem>>, vector<16xf32>,
    %swap3A_37 = vector.shape_cast %swap3A_36 : vector<16xf32> to vector<16xf32>
    %swap3A_38 = vector.shape_cast %broadcast_in_dim3A_34 : vector<16xf32> to vector<16xf32>
    tpu.vector_store %arg9[%swap3A_35], %swap3A_38 {strides = array<i32>} : memref<512xf32, #tpu.memory_space<vmem>>, vector<16xf32>,
    %broadcast_in_dim3A_39 = arith.constant 0.000000e+00 : f32
    %broadcast_in_dim3A_40 = vector.broadcast %broadcast_in_dim3A_39 : f32 to vector<16xf32>
    %swap3A_41 = arith.constant 96 : index
    %swap3A_42 = tpu.vector_load %arg9[%swap3A_41] {strides = array<i32>} : memref<512xf32, #tpu.memory_space<vmem>>, vector<16xf32>,
    %swap3A_43 = vector.shape_cast %swap3A_42 : vector<16xf32> to vector<16xf32>
    %swap3A_44 = vector.shape_cast %broadcast_in_dim3A_40 : vector<16xf32> to vector<16xf32>
    tpu.vector_store %arg9[%swap3A_41], %swap3A_44 {strides = array<i32>} : memref<512xf32, #tpu.memory_space<vmem>>, vector<16xf32>,
    %broadcast_in_dim3A_45 = arith.constant 0.000000e+00 : f32
    %broadcast_in_dim3A_46 = vector.broadcast %broadcast_in_dim3A_45 : f32 to vector<16xf32>
    %swap3A_47 = arith.constant 112 : index
    %swap3A_48 = tpu.vector_load %arg9[%swap3A_47] {strides = array<i32>} : memref<512xf32, #tpu.memory_space<vmem>>, vector<16xf32>,
    %swap3A_49 = vector.shape_cast %swap3A_48 : vector<16xf32> to vector<16xf32>
    %swap3A_50 = vector.shape_cast %broadcast_in_dim3A_46 : vector<16xf32> to vector<16xf32>
    tpu.vector_store %arg9[%swap3A_47], %swap3A_50 {strides = array<i32>} : memref<512xf32, #tpu.memory_space<vmem>>, vector<16xf32>,
    %broadcast_in_dim3A_51 = arith.constant 0.000000e+00 : f32
    %broadcast_in_dim3A_52 = vector.broadcast %broadcast_in_dim3A_51 : f32 to vector<16xf32>
    %swap3A_53 = arith.constant 128 : index
    %swap3A_54 = tpu.vector_load %arg9[%swap3A_53] {strides = array<i32>} : memref<512xf32, #tpu.memory_space<vmem>>, vector<16xf32>,
    %swap3A_55 = vector.shape_cast %swap3A_54 : vector<16xf32> to vector<16xf32>
    %swap3A_56 = vector.shape_cast %broadcast_in_dim3A_52 : vector<16xf32> to vector<16xf32>
    tpu.vector_store %arg9[%swap3A_53], %swap3A_56 {strides = array<i32>} : memref<512xf32, #tpu.memory_space<vmem>>, vector<16xf32>,
    %broadcast_in_dim3A_57 = arith.constant 0.000000e+00 : f32
    %broadcast_in_dim3A_58 = vector.broadcast %broadcast_in_dim3A_57 : f32 to vector<16xf32>
    %swap3A_59 = arith.constant 144 : index
    %swap3A_60 = tpu.vector_load %arg9[%swap3A_59] {strides = array<i32>} : memref<512xf32, #tpu.memory_space<vmem>>, vector<16xf32>,
    %swap3A_61 = vector.shape_cast %swap3A_60 : vector<16xf32> to vector<16xf32>
    %swap3A_62 = vector.shape_cast %broadcast_in_dim3A_58 : vector<16xf32> to vector<16xf32>
    tpu.vector_store %arg9[%swap3A_59], %swap3A_62 {strides = array<i32>} : memref<512xf32, #tpu.memory_space<vmem>>, vector<16xf32>,
    %broadcast_in_dim3A_63 = arith.constant 0.000000e+00 : f32
    %broadcast_in_dim3A_64 = vector.broadcast %broadcast_in_dim3A_63 : f32 to vector<16xf32>
    %swap3A_65 = arith.constant 160 : index
    %swap3A_66 = tpu.vector_load %arg9[%swap3A_65] {strides = array<i32>} : memref<512xf32, #tpu.memory_space<vmem>>, vector<16xf32>,
    %swap3A_67 = vector.shape_cast %swap3A_66 : vector<16xf32> to vector<16xf32>
    %swap3A_68 = vector.shape_cast %broadcast_in_dim3A_64 : vector<16xf32> to vector<16xf32>
    tpu.vector_store %arg9[%swap3A_65], %swap3A_68 {strides = array<i32>} : memref<512xf32, #tpu.memory_space<vmem>>, vector<16xf32>,
    %broadcast_in_dim3A_69 = arith.constant 0.000000e+00 : f32
    %broadcast_in_dim3A_70 = vector.broadcast %broadcast_in_dim3A_69 : f32 to vector<16xf32>
    %swap3A_71 = arith.constant 176 : index
    %swap3A_72 = tpu.vector_load %arg9[%swap3A_71] {strides = array<i32>} : memref<512xf32, #tpu.memory_space<vmem>>, vector<16xf32>,
    %swap3A_73 = vector.shape_cast %swap3A_72 : vector<16xf32> to vector<16xf32>
    %swap3A_74 = vector.shape_cast %broadcast_in_dim3A_70 : vector<16xf32> to vector<16xf32>
    tpu.vector_store %arg9[%swap3A_71], %swap3A_74 {strides = array<i32>} : memref<512xf32, #tpu.memory_space<vmem>>, vector<16xf32>,
    %broadcast_in_dim3A_75 = arith.constant 0.000000e+00 : f32
    %broadcast_in_dim3A_76 = vector.broadcast %broadcast_in_dim3A_75 : f32 to vector<16xf32>
    %swap3A_77 = arith.constant 192 : index
    %swap3A_78 = tpu.vector_load %arg9[%swap3A_77] {strides = array<i32>} : memref<512xf32, #tpu.memory_space<vmem>>, vector<16xf32>,
    %swap3A_79 = vector.shape_cast %swap3A_78 : vector<16xf32> to vector<16xf32>
    %swap3A_80 = vector.shape_cast %broadcast_in_dim3A_76 : vector<16xf32> to vector<16xf32>
    tpu.vector_store %arg9[%swap3A_77], %swap3A_80 {strides = array<i32>} : memref<512xf32, #tpu.memory_space<vmem>>, vector<16xf32>,
    %broadcast_in_dim3A_81 = arith.constant 0.000000e+00 : f32
    %broadcast_in_dim3A_82 = vector.broadcast %broadcast_in_dim3A_81 : f32 to vector<16xf32>
    %swap3A_83 = arith.constant 208 : index
    %swap3A_84 = tpu.vector_load %arg9[%swap3A_83] {strides = array<i32>} : memref<512xf32, #tpu.memory_space<vmem>>, vector<16xf32>,
    %swap3A_85 = vector.shape_cast %swap3A_84 : vector<16xf32> to vector<16xf32>
    %swap3A_86 = vector.shape_cast %broadcast_in_dim3A_82 : vector<16xf32> to vector<16xf32>
    tpu.vector_store %arg9[%swap3A_83], %swap3A_86 {strides = array<i32>} : memref<512xf32, #tpu.memory_space<vmem>>, vector<16xf32>,
    %broadcast_in_dim3A_87 = arith.constant 0.000000e+00 : f32
    %broadcast_in_dim3A_88 = vector.broadcast %broadcast_in_dim3A_87 : f32 to vector<16xf32>
    %swap3A_89 = arith.constant 224 : index
    %swap3A_90 = tpu.vector_load %arg9[%swap3A_89] {strides = array<i32>} : memref<512xf32, #tpu.memory_space<vmem>>, vector<16xf32>,
    %swap3A_91 = vector.shape_cast %swap3A_90 : vector<16xf32> to vector<16xf32>
    %swap3A_92 = vector.shape_cast %broadcast_in_dim3A_88 : vector<16xf32> to vector<16xf32>
    tpu.vector_store %arg9[%swap3A_89], %swap3A_92 {strides = array<i32>} : memref<512xf32, #tpu.memory_space<vmem>>, vector<16xf32>,
    %broadcast_in_dim3A_93 = arith.constant 0.000000e+00 : f32
    %broadcast_in_dim3A_94 = vector.broadcast %broadcast_in_dim3A_93 : f32 to vector<16xf32>
    %swap3A_95 = arith.constant 240 : index
    %swap3A_96 = tpu.vector_load %arg9[%swap3A_95] {strides = array<i32>} : memref<512xf32, #tpu.memory_space<vmem>>, vector<16xf32>,
    %swap3A_97 = vector.shape_cast %swap3A_96 : vector<16xf32> to vector<16xf32>
    %swap3A_98 = vector.shape_cast %broadcast_in_dim3A_94 : vector<16xf32> to vector<16xf32>
    tpu.vector_store %arg9[%swap3A_95], %swap3A_98 {strides = array<i32>} : memref<512xf32, #tpu.memory_space<vmem>>, vector<16xf32>,
    %broadcast_in_dim3A_99 = arith.constant 0.000000e+00 : f32
    %broadcast_in_dim3A_100 = vector.broadcast %broadcast_in_dim3A_99 : f32 to vector<16xf32>
    %swap3A_101 = arith.constant 256 : index
    %swap3A_102 = tpu.vector_load %arg9[%swap3A_101] {strides = array<i32>} : memref<512xf32, #tpu.memory_space<vmem>>, vector<16xf32>,
    %swap3A_103 = vector.shape_cast %swap3A_102 : vector<16xf32> to vector<16xf32>
    %swap3A_104 = vector.shape_cast %broadcast_in_dim3A_100 : vector<16xf32> to vector<16xf32>
    tpu.vector_store %arg9[%swap3A_101], %swap3A_104 {strides = array<i32>} : memref<512xf32, #tpu.memory_space<vmem>>, vector<16xf32>,
    %broadcast_in_dim3A_105 = arith.constant 0.000000e+00 : f32
    %broadcast_in_dim3A_106 = vector.broadcast %broadcast_in_dim3A_105 : f32 to vector<16xf32>
    %swap3A_107 = arith.constant 272 : index
    %swap3A_108 = tpu.vector_load %arg9[%swap3A_107] {strides = array<i32>} : memref<512xf32, #tpu.memory_space<vmem>>, vector<16xf32>,
    %swap3A_109 = vector.shape_cast %swap3A_108 : vector<16xf32> to vector<16xf32>
    %swap3A_110 = vector.shape_cast %broadcast_in_dim3A_106 : vector<16xf32> to vector<16xf32>
    tpu.vector_store %arg9[%swap3A_107], %swap3A_110 {strides = array<i32>} : memref<512xf32, #tpu.memory_space<vmem>>, vector<16xf32>,
    %broadcast_in_dim3A_111 = arith.constant 0.000000e+00 : f32
    %broadcast_in_dim3A_112 = vector.broadcast %broadcast_in_dim3A_111 : f32 to vector<16xf32>
    %swap3A_113 = arith.constant 288 : index
    %swap3A_114 = tpu.vector_load %arg9[%swap3A_113] {strides = array<i32>} : memref<512xf32, #tpu.memory_space<vmem>>, vector<16xf32>,
    %swap3A_115 = vector.shape_cast %swap3A_114 : vector<16xf32> to vector<16xf32>
    %swap3A_116 = vector.shape_cast %broadcast_in_dim3A_112 : vector<16xf32> to vector<16xf32>
    tpu.vector_store %arg9[%swap3A_113], %swap3A_116 {strides = array<i32>} : memref<512xf32, #tpu.memory_space<vmem>>, vector<16xf32>,
    %broadcast_in_dim3A_117 = arith.constant 0.000000e+00 : f32
    %broadcast_in_dim3A_118 = vector.broadcast %broadcast_in_dim3A_117 : f32 to vector<16xf32>
    %swap3A_119 = arith.constant 304 : index
    %swap3A_120 = tpu.vector_load %arg9[%swap3A_119] {strides = array<i32>} : memref<512xf32, #tpu.memory_space<vmem>>, vector<16xf32>,
    %swap3A_121 = vector.shape_cast %swap3A_120 : vector<16xf32> to vector<16xf32>
    %swap3A_122 = vector.shape_cast %broadcast_in_dim3A_118 : vector<16xf32> to vector<16xf32>
    tpu.vector_store %arg9[%swap3A_119], %swap3A_122 {strides = array<i32>} : memref<512xf32, #tpu.memory_space<vmem>>, vector<16xf32>,
    %broadcast_in_dim3A_123 = arith.constant 0.000000e+00 : f32
    %broadcast_in_dim3A_124 = vector.broadcast %broadcast_in_dim3A_123 : f32 to vector<16xf32>
    %swap3A_125 = arith.constant 320 : index
    %swap3A_126 = tpu.vector_load %arg9[%swap3A_125] {strides = array<i32>} : memref<512xf32, #tpu.memory_space<vmem>>, vector<16xf32>,
    %swap3A_127 = vector.shape_cast %swap3A_126 : vector<16xf32> to vector<16xf32>
    %swap3A_128 = vector.shape_cast %broadcast_in_dim3A_124 : vector<16xf32> to vector<16xf32>
    tpu.vector_store %arg9[%swap3A_125], %swap3A_128 {strides = array<i32>} : memref<512xf32, #tpu.memory_space<vmem>>, vector<16xf32>,
    %broadcast_in_dim3A_129 = arith.constant 0.000000e+00 : f32
    %broadcast_in_dim3A_130 = vector.broadcast %broadcast_in_dim3A_129 : f32 to vector<16xf32>
    %swap3A_131 = arith.constant 336 : index
    %swap3A_132 = tpu.vector_load %arg9[%swap3A_131] {strides = array<i32>} : memref<512xf32, #tpu.memory_space<vmem>>, vector<16xf32>,
    %swap3A_133 = vector.shape_cast %swap3A_132 : vector<16xf32> to vector<16xf32>
    %swap3A_134 = vector.shape_cast %broadcast_in_dim3A_130 : vector<16xf32> to vector<16xf32>
    tpu.vector_store %arg9[%swap3A_131], %swap3A_134 {strides = array<i32>} : memref<512xf32, #tpu.memory_space<vmem>>, vector<16xf32>,
    %broadcast_in_dim3A_135 = arith.constant 0.000000e+00 : f32
    %broadcast_in_dim3A_136 = vector.broadcast %broadcast_in_dim3A_135 : f32 to vector<16xf32>
    %swap3A_137 = arith.constant 352 : index
    %swap3A_138 = tpu.vector_load %arg9[%swap3A_137] {strides = array<i32>} : memref<512xf32, #tpu.memory_space<vmem>>, vector<16xf32>,
    %swap3A_139 = vector.shape_cast %swap3A_138 : vector<16xf32> to vector<16xf32>
    %swap3A_140 = vector.shape_cast %broadcast_in_dim3A_136 : vector<16xf32> to vector<16xf32>
    tpu.vector_store %arg9[%swap3A_137], %swap3A_140 {strides = array<i32>} : memref<512xf32, #tpu.memory_space<vmem>>, vector<16xf32>,
    %broadcast_in_dim3A_141 = arith.constant 0.000000e+00 : f32
    %broadcast_in_dim3A_142 = vector.broadcast %broadcast_in_dim3A_141 : f32 to vector<16xf32>
    %swap3A_143 = arith.constant 368 : index
    %swap3A_144 = tpu.vector_load %arg9[%swap3A_143] {strides = array<i32>} : memref<512xf32, #tpu.memory_space<vmem>>, vector<16xf32>,
    %swap3A_145 = vector.shape_cast %swap3A_144 : vector<16xf32> to vector<16xf32>
    %swap3A_146 = vector.shape_cast %broadcast_in_dim3A_142 : vector<16xf32> to vector<16xf32>
    tpu.vector_store %arg9[%swap3A_143], %swap3A_146 {strides = array<i32>} : memref<512xf32, #tpu.memory_space<vmem>>, vector<16xf32>,
    %broadcast_in_dim3A_147 = arith.constant 0.000000e+00 : f32
    %broadcast_in_dim3A_148 = vector.broadcast %broadcast_in_dim3A_147 : f32 to vector<16xf32>
    %swap3A_149 = arith.constant 384 : index
    %swap3A_150 = tpu.vector_load %arg9[%swap3A_149] {strides = array<i32>} : memref<512xf32, #tpu.memory_space<vmem>>, vector<16xf32>,
    %swap3A_151 = vector.shape_cast %swap3A_150 : vector<16xf32> to vector<16xf32>
    %swap3A_152 = vector.shape_cast %broadcast_in_dim3A_148 : vector<16xf32> to vector<16xf32>
    tpu.vector_store %arg9[%swap3A_149], %swap3A_152 {strides = array<i32>} : memref<512xf32, #tpu.memory_space<vmem>>, vector<16xf32>,
    %broadcast_in_dim3A_153 = arith.constant 0.000000e+00 : f32
    %broadcast_in_dim3A_154 = vector.broadcast %broadcast_in_dim3A_153 : f32 to vector<16xf32>
    %swap3A_155 = arith.constant 400 : index
    %swap3A_156 = tpu.vector_load %arg9[%swap3A_155] {strides = array<i32>} : memref<512xf32, #tpu.memory_space<vmem>>, vector<16xf32>,
    %swap3A_157 = vector.shape_cast %swap3A_156 : vector<16xf32> to vector<16xf32>
    %swap3A_158 = vector.shape_cast %broadcast_in_dim3A_154 : vector<16xf32> to vector<16xf32>
    tpu.vector_store %arg9[%swap3A_155], %swap3A_158 {strides = array<i32>} : memref<512xf32, #tpu.memory_space<vmem>>, vector<16xf32>,
    %broadcast_in_dim3A_159 = arith.constant 0.000000e+00 : f32
    %broadcast_in_dim3A_160 = vector.broadcast %broadcast_in_dim3A_159 : f32 to vector<16xf32>
    %swap3A_161 = arith.constant 416 : index
    %swap3A_162 = tpu.vector_load %arg9[%swap3A_161] {strides = array<i32>} : memref<512xf32, #tpu.memory_space<vmem>>, vector<16xf32>,
    %swap3A_163 = vector.shape_cast %swap3A_162 : vector<16xf32> to vector<16xf32>
    %swap3A_164 = vector.shape_cast %broadcast_in_dim3A_160 : vector<16xf32> to vector<16xf32>
    tpu.vector_store %arg9[%swap3A_161], %swap3A_164 {strides = array<i32>} : memref<512xf32, #tpu.memory_space<vmem>>, vector<16xf32>,
    %broadcast_in_dim3A_165 = arith.constant 0.000000e+00 : f32
    %broadcast_in_dim3A_166 = vector.broadcast %broadcast_in_dim3A_165 : f32 to vector<16xf32>
    %swap3A_167 = arith.constant 432 : index
    %swap3A_168 = tpu.vector_load %arg9[%swap3A_167] {strides = array<i32>} : memref<512xf32, #tpu.memory_space<vmem>>, vector<16xf32>,
    %swap3A_169 = vector.shape_cast %swap3A_168 : vector<16xf32> to vector<16xf32>
    %swap3A_170 = vector.shape_cast %broadcast_in_dim3A_166 : vector<16xf32> to vector<16xf32>
    tpu.vector_store %arg9[%swap3A_167], %swap3A_170 {strides = array<i32>} : memref<512xf32, #tpu.memory_space<vmem>>, vector<16xf32>,
    %broadcast_in_dim3A_171 = arith.constant 0.000000e+00 : f32
    %broadcast_in_dim3A_172 = vector.broadcast %broadcast_in_dim3A_171 : f32 to vector<16xf32>
    %swap3A_173 = arith.constant 448 : index
    %swap3A_174 = tpu.vector_load %arg9[%swap3A_173] {strides = array<i32>} : memref<512xf32, #tpu.memory_space<vmem>>, vector<16xf32>,
    %swap3A_175 = vector.shape_cast %swap3A_174 : vector<16xf32> to vector<16xf32>
    %swap3A_176 = vector.shape_cast %broadcast_in_dim3A_172 : vector<16xf32> to vector<16xf32>
    tpu.vector_store %arg9[%swap3A_173], %swap3A_176 {strides = array<i32>} : memref<512xf32, #tpu.memory_space<vmem>>, vector<16xf32>,
    %broadcast_in_dim3A_177 = arith.constant 0.000000e+00 : f32
    %broadcast_in_dim3A_178 = vector.broadcast %broadcast_in_dim3A_177 : f32 to vector<16xf32>
    %swap3A_179 = arith.constant 464 : index
    %swap3A_180 = tpu.vector_load %arg9[%swap3A_179] {strides = array<i32>} : memref<512xf32, #tpu.memory_space<vmem>>, vector<16xf32>,
    %swap3A_181 = vector.shape_cast %swap3A_180 : vector<16xf32> to vector<16xf32>
    %swap3A_182 = vector.shape_cast %broadcast_in_dim3A_178 : vector<16xf32> to vector<16xf32>
    tpu.vector_store %arg9[%swap3A_179], %swap3A_182 {strides = array<i32>} : memref<512xf32, #tpu.memory_space<vmem>>, vector<16xf32>,
    %broadcast_in_dim3A_183 = arith.constant 0.000000e+00 : f32
    %broadcast_in_dim3A_184 = vector.broadcast %broadcast_in_dim3A_183 : f32 to vector<16xf32>
    %swap3A_185 = arith.constant 480 : index
    %swap3A_186 = tpu.vector_load %arg9[%swap3A_185] {strides = array<i32>} : memref<512xf32, #tpu.memory_space<vmem>>, vector<16xf32>,
    %swap3A_187 = vector.shape_cast %swap3A_186 : vector<16xf32> to vector<16xf32>
    %swap3A_188 = vector.shape_cast %broadcast_in_dim3A_184 : vector<16xf32> to vector<16xf32>
    tpu.vector_store %arg9[%swap3A_185], %swap3A_188 {strides = array<i32>} : memref<512xf32, #tpu.memory_space<vmem>>, vector<16xf32>,
    %broadcast_in_dim3A_189 = arith.constant 0.000000e+00 : f32
    %broadcast_in_dim3A_190 = vector.broadcast %broadcast_in_dim3A_189 : f32 to vector<16xf32>
    %swap3A_191 = arith.constant 496 : index
    %swap3A_192 = tpu.vector_load %arg9[%swap3A_191] {strides = array<i32>} : memref<512xf32, #tpu.memory_space<vmem>>, vector<16xf32>,
    %swap3A_193 = vector.shape_cast %swap3A_192 : vector<16xf32> to vector<16xf32>
    %swap3A_194 = vector.shape_cast %broadcast_in_dim3A_190 : vector<16xf32> to vector<16xf32>
    tpu.vector_store %arg9[%swap3A_191], %swap3A_194 {strides = array<i32>} : memref<512xf32, #tpu.memory_space<vmem>>, vector<16xf32>,
    %broadcast_in_dim3A_195 = arith.constant 1.000000e+00 : f32
    %broadcast_in_dim3A_196 = vector.broadcast %broadcast_in_dim3A_195 : f32 to vector<16xf32>
    %swap3A_197 = arith.constant 0 : index
    %swap3A_198 = tpu.vector_load %arg8[%swap3A_197] {strides = array<i32>} : memref<256xf32, #tpu.memory_space<vmem>>, vector<16xf32>,
    %swap3A_199 = vector.shape_cast %swap3A_198 : vector<16xf32> to vector<16xf32>
    %swap3A_200 = vector.shape_cast %broadcast_in_dim3A_196 : vector<16xf32> to vector<16xf32>
    tpu.vector_store %arg8[%swap3A_197], %swap3A_200 {strides = array<i32>} : memref<256xf32, #tpu.memory_space<vmem>>, vector<16xf32>,
    %broadcast_in_dim3A_201 = arith.constant 1.000000e+00 : f32
    %broadcast_in_dim3A_202 = vector.broadcast %broadcast_in_dim3A_201 : f32 to vector<16xf32>
    %swap3A_203 = arith.constant 16 : index
    %swap3A_204 = tpu.vector_load %arg8[%swap3A_203] {strides = array<i32>} : memref<256xf32, #tpu.memory_space<vmem>>, vector<16xf32>,
    %swap3A_205 = vector.shape_cast %swap3A_204 : vector<16xf32> to vector<16xf32>
    %swap3A_206 = vector.shape_cast %broadcast_in_dim3A_202 : vector<16xf32> to vector<16xf32>
    tpu.vector_store %arg8[%swap3A_203], %swap3A_206 {strides = array<i32>} : memref<256xf32, #tpu.memory_space<vmem>>, vector<16xf32>,
    %broadcast_in_dim3A_207 = arith.constant 1.000000e+00 : f32
    %broadcast_in_dim3A_208 = vector.broadcast %broadcast_in_dim3A_207 : f32 to vector<16xf32>
    %swap3A_209 = arith.constant 32 : index
    %swap3A_210 = tpu.vector_load %arg8[%swap3A_209] {strides = array<i32>} : memref<256xf32, #tpu.memory_space<vmem>>, vector<16xf32>,
    %swap3A_211 = vector.shape_cast %swap3A_210 : vector<16xf32> to vector<16xf32>
    %swap3A_212 = vector.shape_cast %broadcast_in_dim3A_208 : vector<16xf32> to vector<16xf32>
    tpu.vector_store %arg8[%swap3A_209], %swap3A_212 {strides = array<i32>} : memref<256xf32, #tpu.memory_space<vmem>>, vector<16xf32>,
    %broadcast_in_dim3A_213 = arith.constant 1.000000e+00 : f32
    %broadcast_in_dim3A_214 = vector.broadcast %broadcast_in_dim3A_213 : f32 to vector<16xf32>
    %swap3A_215 = arith.constant 48 : index
    %swap3A_216 = tpu.vector_load %arg8[%swap3A_215] {strides = array<i32>} : memref<256xf32, #tpu.memory_space<vmem>>, vector<16xf32>,
    %swap3A_217 = vector.shape_cast %swap3A_216 : vector<16xf32> to vector<16xf32>
    %swap3A_218 = vector.shape_cast %broadcast_in_dim3A_214 : vector<16xf32> to vector<16xf32>
    tpu.vector_store %arg8[%swap3A_215], %swap3A_218 {strides = array<i32>} : memref<256xf32, #tpu.memory_space<vmem>>, vector<16xf32>,
    %broadcast_in_dim3A_219 = arith.constant 1.000000e+00 : f32
    %broadcast_in_dim3A_220 = vector.broadcast %broadcast_in_dim3A_219 : f32 to vector<16xf32>
    %swap3A_221 = arith.constant 64 : index
    %swap3A_222 = tpu.vector_load %arg8[%swap3A_221] {strides = array<i32>} : memref<256xf32, #tpu.memory_space<vmem>>, vector<16xf32>,
    %swap3A_223 = vector.shape_cast %swap3A_222 : vector<16xf32> to vector<16xf32>
    %swap3A_224 = vector.shape_cast %broadcast_in_dim3A_220 : vector<16xf32> to vector<16xf32>
    tpu.vector_store %arg8[%swap3A_221], %swap3A_224 {strides = array<i32>} : memref<256xf32, #tpu.memory_space<vmem>>, vector<16xf32>,
    %broadcast_in_dim3A_225 = arith.constant 1.000000e+00 : f32
    %broadcast_in_dim3A_226 = vector.broadcast %broadcast_in_dim3A_225 : f32 to vector<16xf32>
    %swap3A_227 = arith.constant 80 : index
    %swap3A_228 = tpu.vector_load %arg8[%swap3A_227] {strides = array<i32>} : memref<256xf32, #tpu.memory_space<vmem>>, vector<16xf32>,
    %swap3A_229 = vector.shape_cast %swap3A_228 : vector<16xf32> to vector<16xf32>
    %swap3A_230 = vector.shape_cast %broadcast_in_dim3A_226 : vector<16xf32> to vector<16xf32>
    tpu.vector_store %arg8[%swap3A_227], %swap3A_230 {strides = array<i32>} : memref<256xf32, #tpu.memory_space<vmem>>, vector<16xf32>,
    %broadcast_in_dim3A_231 = arith.constant 1.000000e+00 : f32
    %broadcast_in_dim3A_232 = vector.broadcast %broadcast_in_dim3A_231 : f32 to vector<16xf32>
    %swap3A_233 = arith.constant 96 : index
    %swap3A_234 = tpu.vector_load %arg8[%swap3A_233] {strides = array<i32>} : memref<256xf32, #tpu.memory_space<vmem>>, vector<16xf32>,
    %swap3A_235 = vector.shape_cast %swap3A_234 : vector<16xf32> to vector<16xf32>
    %swap3A_236 = vector.shape_cast %broadcast_in_dim3A_232 : vector<16xf32> to vector<16xf32>
    tpu.vector_store %arg8[%swap3A_233], %swap3A_236 {strides = array<i32>} : memref<256xf32, #tpu.memory_space<vmem>>, vector<16xf32>,
    %broadcast_in_dim3A_237 = arith.constant 1.000000e+00 : f32
    %broadcast_in_dim3A_238 = vector.broadcast %broadcast_in_dim3A_237 : f32 to vector<16xf32>
    %swap3A_239 = arith.constant 112 : index
    %swap3A_240 = tpu.vector_load %arg8[%swap3A_239] {strides = array<i32>} : memref<256xf32, #tpu.memory_space<vmem>>, vector<16xf32>,
    %swap3A_241 = vector.shape_cast %swap3A_240 : vector<16xf32> to vector<16xf32>
    %swap3A_242 = vector.shape_cast %broadcast_in_dim3A_238 : vector<16xf32> to vector<16xf32>
    tpu.vector_store %arg8[%swap3A_239], %swap3A_242 {strides = array<i32>} : memref<256xf32, #tpu.memory_space<vmem>>, vector<16xf32>,
    %broadcast_in_dim3A_243 = arith.constant 1.000000e+00 : f32
    %broadcast_in_dim3A_244 = vector.broadcast %broadcast_in_dim3A_243 : f32 to vector<16xf32>
    %swap3A_245 = arith.constant 128 : index
    %swap3A_246 = tpu.vector_load %arg8[%swap3A_245] {strides = array<i32>} : memref<256xf32, #tpu.memory_space<vmem>>, vector<16xf32>,
    %swap3A_247 = vector.shape_cast %swap3A_246 : vector<16xf32> to vector<16xf32>
    %swap3A_248 = vector.shape_cast %broadcast_in_dim3A_244 : vector<16xf32> to vector<16xf32>
    tpu.vector_store %arg8[%swap3A_245], %swap3A_248 {strides = array<i32>} : memref<256xf32, #tpu.memory_space<vmem>>, vector<16xf32>,
    %broadcast_in_dim3A_249 = arith.constant 1.000000e+00 : f32
    %broadcast_in_dim3A_250 = vector.broadcast %broadcast_in_dim3A_249 : f32 to vector<16xf32>
    %swap3A_251 = arith.constant 144 : index
    %swap3A_252 = tpu.vector_load %arg8[%swap3A_251] {strides = array<i32>} : memref<256xf32, #tpu.memory_space<vmem>>, vector<16xf32>,
    %swap3A_253 = vector.shape_cast %swap3A_252 : vector<16xf32> to vector<16xf32>
    %swap3A_254 = vector.shape_cast %broadcast_in_dim3A_250 : vector<16xf32> to vector<16xf32>
    tpu.vector_store %arg8[%swap3A_251], %swap3A_254 {strides = array<i32>} : memref<256xf32, #tpu.memory_space<vmem>>, vector<16xf32>,
    %broadcast_in_dim3A_255 = arith.constant 1.000000e+00 : f32
    %broadcast_in_dim3A_256 = vector.broadcast %broadcast_in_dim3A_255 : f32 to vector<16xf32>
    %swap3A_257 = arith.constant 160 : index
    %swap3A_258 = tpu.vector_load %arg8[%swap3A_257] {strides = array<i32>} : memref<256xf32, #tpu.memory_space<vmem>>, vector<16xf32>,
    %swap3A_259 = vector.shape_cast %swap3A_258 : vector<16xf32> to vector<16xf32>
    %swap3A_260 = vector.shape_cast %broadcast_in_dim3A_256 : vector<16xf32> to vector<16xf32>
    tpu.vector_store %arg8[%swap3A_257], %swap3A_260 {strides = array<i32>} : memref<256xf32, #tpu.memory_space<vmem>>, vector<16xf32>,
    %broadcast_in_dim3A_261 = arith.constant 1.000000e+00 : f32
    %broadcast_in_dim3A_262 = vector.broadcast %broadcast_in_dim3A_261 : f32 to vector<16xf32>
    %swap3A_263 = arith.constant 176 : index
    %swap3A_264 = tpu.vector_load %arg8[%swap3A_263] {strides = array<i32>} : memref<256xf32, #tpu.memory_space<vmem>>, vector<16xf32>,
    %swap3A_265 = vector.shape_cast %swap3A_264 : vector<16xf32> to vector<16xf32>
    %swap3A_266 = vector.shape_cast %broadcast_in_dim3A_262 : vector<16xf32> to vector<16xf32>
    tpu.vector_store %arg8[%swap3A_263], %swap3A_266 {strides = array<i32>} : memref<256xf32, #tpu.memory_space<vmem>>, vector<16xf32>,
    %broadcast_in_dim3A_267 = arith.constant 1.000000e+00 : f32
    %broadcast_in_dim3A_268 = vector.broadcast %broadcast_in_dim3A_267 : f32 to vector<16xf32>
    %swap3A_269 = arith.constant 192 : index
    %swap3A_270 = tpu.vector_load %arg8[%swap3A_269] {strides = array<i32>} : memref<256xf32, #tpu.memory_space<vmem>>, vector<16xf32>,
    %swap3A_271 = vector.shape_cast %swap3A_270 : vector<16xf32> to vector<16xf32>
    %swap3A_272 = vector.shape_cast %broadcast_in_dim3A_268 : vector<16xf32> to vector<16xf32>
    tpu.vector_store %arg8[%swap3A_269], %swap3A_272 {strides = array<i32>} : memref<256xf32, #tpu.memory_space<vmem>>, vector<16xf32>,
    %broadcast_in_dim3A_273 = arith.constant 1.000000e+00 : f32
    %broadcast_in_dim3A_274 = vector.broadcast %broadcast_in_dim3A_273 : f32 to vector<16xf32>
    %swap3A_275 = arith.constant 208 : index
    %swap3A_276 = tpu.vector_load %arg8[%swap3A_275] {strides = array<i32>} : memref<256xf32, #tpu.memory_space<vmem>>, vector<16xf32>,
    %swap3A_277 = vector.shape_cast %swap3A_276 : vector<16xf32> to vector<16xf32>
    %swap3A_278 = vector.shape_cast %broadcast_in_dim3A_274 : vector<16xf32> to vector<16xf32>
    tpu.vector_store %arg8[%swap3A_275], %swap3A_278 {strides = array<i32>} : memref<256xf32, #tpu.memory_space<vmem>>, vector<16xf32>,
    %broadcast_in_dim3A_279 = arith.constant 1.000000e+00 : f32
    %broadcast_in_dim3A_280 = vector.broadcast %broadcast_in_dim3A_279 : f32 to vector<16xf32>
    %swap3A_281 = arith.constant 224 : index
    %swap3A_282 = tpu.vector_load %arg8[%swap3A_281] {strides = array<i32>} : memref<256xf32, #tpu.memory_space<vmem>>, vector<16xf32>,
    %swap3A_283 = vector.shape_cast %swap3A_282 : vector<16xf32> to vector<16xf32>
    %swap3A_284 = vector.shape_cast %broadcast_in_dim3A_280 : vector<16xf32> to vector<16xf32>
    tpu.vector_store %arg8[%swap3A_281], %swap3A_284 {strides = array<i32>} : memref<256xf32, #tpu.memory_space<vmem>>, vector<16xf32>,
    %broadcast_in_dim3A_285 = arith.constant 1.000000e+00 : f32
    %broadcast_in_dim3A_286 = vector.broadcast %broadcast_in_dim3A_285 : f32 to vector<16xf32>
    %swap3A_287 = arith.constant 240 : index
    %swap3A_288 = tpu.vector_load %arg8[%swap3A_287] {strides = array<i32>} : memref<256xf32, #tpu.memory_space<vmem>>, vector<16xf32>,
    %swap3A_289 = vector.shape_cast %swap3A_288 : vector<16xf32> to vector<16xf32>
    %swap3A_290 = vector.shape_cast %broadcast_in_dim3A_286 : vector<16xf32> to vector<16xf32>
    tpu.vector_store %arg8[%swap3A_287], %swap3A_290 {strides = array<i32>} : memref<256xf32, #tpu.memory_space<vmem>>, vector<16xf32>,
    %mul3A_291 = arith.constant 512 : i32
    %mul3A_292 = arith.muli %arg1, %mul3A_291 : i32
    "tpu.region"() ({
      %run_scoped3A = tpu.sem_alloc : memref<!tpu.dma_semaphore, #tpu.memory_space<semaphore_mem>>
      %dma_start3A_306 = tpu.memref_slice %arg10[%mul3A_292] : memref<8192xf32, #tpu.memory_space<vmem_shared>> -> memref<512xf32, #tpu.memory_space<vmem_shared>>
      %dma_start3A_307 = tpu.memref_slice %arg10[%mul3A_292] : memref<8192xf32, #tpu.memory_space<vmem_shared>> -> memref<512xf32, #tpu.memory_space<vmem_shared>>
      tpu.enqueue_dma source(%arg9 : memref<512xf32, #tpu.memory_space<vmem>>) target(%dma_start3A_307 : memref<512xf32, #tpu.memory_space<vmem_shared>>) target_semaphore(%run_scoped3A : memref<!tpu.dma_semaphore, #tpu.memory_space<semaphore_mem>>)
      %dma_wait3A_308 = tpu.memref_slice %arg10[%mul3A_292] : memref<8192xf32, #tpu.memory_space<vmem_shared>> -> memref<512xf32, #tpu.memory_space<vmem_shared>>
      %dma_wait3A_309 = tpu.memref_slice %arg10[%mul3A_292] : memref<8192xf32, #tpu.memory_space<vmem_shared>> -> memref<512xf32, #tpu.memory_space<vmem_shared>>
      tpu.wait_dma2 semaphore(%run_scoped3A : memref<!tpu.dma_semaphore, #tpu.memory_space<semaphore_mem>>) src(%arg9 : memref<512xf32, #tpu.memory_space<vmem>>) dst(%dma_wait3A_309 : memref<512xf32, #tpu.memory_space<vmem_shared>>)
      tpu.yield
    }) : () -> ()
    %barrier3A = arith.constant 0 : index
    tpu.barrier barrier_id(%barrier3A)
    "tpu.region"() ({
      %run_scoped3A = tpu.sem_alloc : memref<!tpu.dma_semaphore, #tpu.memory_space<semaphore_mem>>
      %dma_start3A_306 = arith.constant 0 : i32
      %dma_start3A_307 = tpu.memref_slice %arg10[%dma_start3A_306] : memref<8192xf32, #tpu.memory_space<vmem_shared>> -> memref<8192xf32, #tpu.memory_space<vmem_shared>>
      tpu.enqueue_indirect_dma source(%arg8 : memref<256xf32, #tpu.memory_space<vmem>>) target(%dma_start3A_307 : memref<8192xf32, #tpu.memory_space<vmem_shared>>) offsets(%arg6 : memref<256xi32, #tpu.memory_space<vmem>>) semaphore(%run_scoped3A : memref<!tpu.dma_semaphore, #tpu.memory_space<semaphore_mem>>) {add = true}
      %dma_wait3A_308 = arith.constant 0 : i32
      %dma_wait3A_309 = tpu.memref_slice %arg10[%dma_wait3A_308] : memref<8192xf32, #tpu.memory_space<vmem_shared>> -> memref<8192xf32, #tpu.memory_space<vmem_shared>>
      tpu.wait_indirect_dma semaphore(%run_scoped3A : memref<!tpu.dma_semaphore, #tpu.memory_space<semaphore_mem>>) src(%arg8 : memref<256xf32, #tpu.memory_space<vmem>>) dst(%dma_wait3A_309 : memref<8192xf32, #tpu.memory_space<vmem_shared>>)
      tpu.yield
    }) : () -> ()
    %dma_wait3A = arith.constant 0 : i32
    %dma_wait3A_293 = arith.constant 0 : i32
    %dma_wait3A_294 = tpu.memref_slice %arg2[%dma_wait3A, %dma_wait3A_293] : memref<8192x256xf32, #tpu.memory_space<hbm>> -> memref<8192x256xf32, #tpu.memory_space<hbm>>
    tpu.wait_indirect_dma semaphore(%arg11 : memref<!tpu.dma_semaphore, #tpu.memory_space<semaphore_mem>>) src(%dma_wait3A_294 : memref<8192x256xf32, #tpu.memory_space<hbm>>) dst(%arg7 : memref<256x256xf32, #tpu.memory_space<vmem>>)
    %dma_start3A_295 = arith.constant 0 : i32
    %dma_start3A_296 = tpu.memref_slice %arg4[%mul3A_2, %dma_start3A_295] : memref<8192x256xf32, #tpu.memory_space<hbm>> -> memref<256x256xf32, #tpu.memory_space<hbm>>
    %dma_start3A_297 = arith.constant 0 : i32
    %dma_start3A_298 = tpu.memref_slice %arg4[%mul3A_2, %dma_start3A_297] : memref<8192x256xf32, #tpu.memory_space<hbm>> -> memref<256x256xf32, #tpu.memory_space<hbm>>
    tpu.enqueue_dma source(%arg7 : memref<256x256xf32, #tpu.memory_space<vmem>>) target(%dma_start3A_298 : memref<256x256xf32, #tpu.memory_space<hbm>>) target_semaphore(%arg12 : memref<!tpu.dma_semaphore, #tpu.memory_space<semaphore_mem>>)
    %barrier3A_299 = arith.constant 0 : index
    tpu.barrier barrier_id(%barrier3A_299)
    %eq3A = arith.constant 0 : i32
    %eq3A_300 = arith.cmpi eq, %arg1, %eq3A : i32
    %convert_element_type3A = arith.extui %eq3A_300 : i1 to i32
    %cond3A = arith.constant 0 : i32
    %cond3A_301 = arith.cmpi ne, %convert_element_type3A, %cond3A : i32
    scf.if %cond3A_301 {
      "tpu.region"() ({
        %run_scoped3A = tpu.sem_alloc : memref<!tpu.dma_semaphore, #tpu.memory_space<semaphore_mem>>
        %dma_start3A_306 = arith.constant 0 : i32
        %dma_start3A_307 = tpu.memref_slice %arg5[%arg0, %dma_start3A_306] : memref<2x8192xf32, #tpu.memory_space<hbm>> -> memref<1x8192xf32, #tpu.memory_space<hbm>>
        %dma_start3A_308 = tpu.memref_squeeze %dma_start3A_307 : memref<1x8192xf32, #tpu.memory_space<hbm>> -> memref<8192xf32, #tpu.memory_space<hbm>>
        tpu.enqueue_dma source(%arg10 : memref<8192xf32, #tpu.memory_space<vmem_shared>>) target(%dma_start3A_308 : memref<8192xf32, #tpu.memory_space<hbm>>) target_semaphore(%run_scoped3A : memref<!tpu.dma_semaphore, #tpu.memory_space<semaphore_mem>>)
        %dma_wait3A_309 = arith.constant 0 : i32
        %dma_wait3A_310 = tpu.memref_slice %arg5[%arg0, %dma_wait3A_309] : memref<2x8192xf32, #tpu.memory_space<hbm>> -> memref<1x8192xf32, #tpu.memory_space<hbm>>
        %dma_wait3A_311 = tpu.memref_squeeze %dma_wait3A_310 : memref<1x8192xf32, #tpu.memory_space<hbm>> -> memref<8192xf32, #tpu.memory_space<hbm>>
        tpu.wait_dma2 semaphore(%run_scoped3A : memref<!tpu.dma_semaphore, #tpu.memory_space<semaphore_mem>>) src(%arg10 : memref<8192xf32, #tpu.memory_space<vmem_shared>>) dst(%dma_wait3A_311 : memref<8192xf32, #tpu.memory_space<hbm>>)
        tpu.yield
      }) : () -> ()
    } else {
    }
    %dma_wait3A_302 = arith.constant 0 : i32
    %dma_wait3A_303 = tpu.memref_slice %arg4[%mul3A_2, %dma_wait3A_302] : memref<8192x256xf32, #tpu.memory_space<hbm>> -> memref<256x256xf32, #tpu.memory_space<hbm>>
    %dma_wait3A_304 = arith.constant 0 : i32
    %dma_wait3A_305 = tpu.memref_slice %arg4[%mul3A_2, %dma_wait3A_304] : memref<8192x256xf32, #tpu.memory_space<hbm>> -> memref<256x256xf32, #tpu.memory_space<hbm>>
    tpu.wait_dma2 semaphore(%arg12 : memref<!tpu.dma_semaphore, #tpu.memory_space<semaphore_mem>>) src(%arg7 : memref<256x256xf32, #tpu.memory_space<vmem>>) dst(%dma_wait3A_305 : memref<256x256xf32, #tpu.memory_space<hbm>>)
    return
  }
}

module attributes {stable_mosaic.version = 14 : i64} {
  func.func @_finalize_body(%arg0: memref<64x128xf32, #tpu.memory_space<vmem>>, %arg1: memref<2x8192xf32, #tpu.memory_space<vmem>>, %arg2: memref<1x1xf32, #tpu.memory_space<vmem>>, %arg3: memref<1x1xf32, #tpu.memory_space<vmem>>) attributes {dimension_semantics = [], scalar_prefetch = 0 : i64, scratch_operands = 0 : i64, tpu.core_type = #tpu.core_type<tc>} {
    %get3A = arith.constant 0 : index
    %get3A_0 = arith.constant 0 : index
    %get3A_1 = vector.load %arg0[%get3A, %get3A_0] : memref<64x128xf32, #tpu.memory_space<vmem>>, vector<64x128xf32>
    %reduce_sum3A = vector.shape_cast %get3A_1 : vector<64x128xf32> to vector<1x64x128xf32>
    %reduce_sum3A_2 = arith.constant dense<0.000000e+00> : vector<1xf32>
    %reduce_sum3A_3 = vector.multi_reduction <add>, %reduce_sum3A, %reduce_sum3A_2 [1, 2] : vector<1x64x128xf32> to vector<1xf32>
    %reduce_sum3A_4 = vector.shape_cast %reduce_sum3A_3 : vector<1xf32> to vector<1x1x1xf32>
    %reduce_sum3A_5 = vector.extract %reduce_sum3A_4[0, 0, 0] : f32 from vector<1x1x1xf32>
    %mul3A = arith.constant 2.000000e+00 : f32
    %mul3A_6 = arith.mulf %mul3A, %reduce_sum3A_5 : f32
    %sub3A = arith.constant 1.638400e+04 : f32
    %sub3A_7 = arith.subf %sub3A, %mul3A_6 : f32
    %mul3A_8 = arith.constant 1.250000e+00 : f32
    %mul3A_9 = arith.mulf %mul3A_8, %sub3A_7 : f32
    %div3A = arith.constant 0x4A000000 : f32
    %div3A_10 = arith.divf %mul3A_9, %div3A : f32
    %reshape3A = vector.broadcast %div3A_10 : f32 to vector<1x1xf32>
    %swap3A = arith.constant 0 : index
    %swap3A_11 = arith.constant 0 : index
    %swap3A_12 = vector.load %arg2[%swap3A, %swap3A_11] : memref<1x1xf32, #tpu.memory_space<vmem>>, vector<1x1xf32>
    tpu.vector_store %arg2[%swap3A, %swap3A_11], %reshape3A {strides = array<i32>} : memref<1x1xf32, #tpu.memory_space<vmem>>, vector<1x1xf32>,
    %get3A_13 = arith.constant 0 : index
    %get3A_14 = arith.constant 0 : index
    %get3A_15 = vector.load %arg1[%get3A_13, %get3A_14] : memref<2x8192xf32, #tpu.memory_space<vmem>>, vector<2x8192xf32>
    %slice3A = vector.extract_strided_slice %get3A_15 {offsets = [0, 0], sizes = [1, 8192], strides = [1, 1]} : vector<2x8192xf32> to vector<1x8192xf32>
    %slice3A_16 = vector.extract_strided_slice %get3A_15 {offsets = [1, 0], sizes = [1, 8192], strides = [1, 1]} : vector<2x8192xf32> to vector<1x8192xf32>
    %add3A = arith.addf %slice3A, %slice3A_16 : vector<1x8192xf32>
    %mul3A_17 = arith.constant 1.22070313E-4 : f32
    %mul3A_18 = vector.broadcast %mul3A_17 : f32 to vector<1x8192xf32>
    %mul3A_19 = arith.mulf %add3A, %mul3A_18 : vector<1x8192xf32>
    %add3A_20 = arith.constant 1.000000e-10 : f32
    %add3A_21 = vector.broadcast %add3A_20 : f32 to vector<1x8192xf32>
    %add3A_22 = arith.addf %mul3A_19, %add3A_21 : vector<1x8192xf32>
    %log3A = math.log %add3A_22 : vector<1x8192xf32>
    %mul3A_23 = arith.mulf %mul3A_19, %log3A : vector<1x8192xf32>
    %reduce_sum3A_24 = vector.shape_cast %mul3A_23 : vector<1x8192xf32> to vector<1x1x8192xf32>
    %reduce_sum3A_25 = arith.constant dense<0.000000e+00> : vector<1xf32>
    %reduce_sum3A_26 = vector.multi_reduction <add>, %reduce_sum3A_24, %reduce_sum3A_25 [1, 2] : vector<1x1x8192xf32> to vector<1xf32>
    %reduce_sum3A_27 = vector.shape_cast %reduce_sum3A_26 : vector<1xf32> to vector<1x1x1xf32>
    %reduce_sum3A_28 = vector.extract %reduce_sum3A_27[0, 0, 0] : f32 from vector<1x1x1xf32>
    %neg3A = arith.constant 0.000000e+00 : f32
    %neg3A_29 = arith.subf %neg3A, %reduce_sum3A_28 : f32
    %exp3A = math.exp %neg3A_29 : f32
    %reshape3A_30 = vector.broadcast %exp3A : f32 to vector<1x1xf32>
    %swap3A_31 = arith.constant 0 : index
    %swap3A_32 = arith.constant 0 : index
    %swap3A_33 = vector.load %arg3[%swap3A_31, %swap3A_32] : memref<1x1xf32, #tpu.memory_space<vmem>>, vector<1x1xf32>
    tpu.vector_store %arg3[%swap3A_31, %swap3A_32], %reshape3A_30 {strides = array<i32>} : memref<1x1xf32, #tpu.memory_space<vmem>>, vector<1x1xf32>,
    return
  }
}

module attributes {stable_mosaic.version = 14 : i64} {
  func.func @_argmax_body(%arg0: i32, %arg1: i32, %arg2: memref<8192x256xf32, #tpu.memory_space<vmem>>, %arg3: memref<2048x256xf32, #tpu.memory_space<vmem>>, %arg4: memref<1x1x8192xi32, #tpu.memory_space<vmem>>, %arg5: memref<1x1x8192xf32, #tpu.memory_space<vmem>>, %arg6: memref<2048x256xf32, #tpu.memory_space<vmem>>, %arg7: memref<8192x256xbf16, #tpu.memory_space<vmem>>, %arg8: memref<2048x256xbf16, #tpu.memory_space<vmem>>, %arg9: memref<1x8192xf32, #tpu.memory_space<vmem>>, %arg10: memref<1x8192xi32, #tpu.memory_space<vmem>>) attributes {dimension_semantics = [#tpu.dimension_semantics<arbitrary>, #tpu.dimension_semantics<arbitrary>], iteration_bounds = array<i64: 4, 1>, scalar_prefetch = 0 : i64, scratch_operands = 4 : i64, tpu.core_type = #tpu.core_type<tc>, window_params = [{pipeline_mode = #tpu.pipeline_mode<synchronous>, transform_indices = @transform_0, window_bounds = array<i64: 8192, 256>}, {transform_indices = @transform_1, window_bounds = array<i64: 2048, 256>}, {transform_indices = @transform_2, window_bounds = array<i64: 1, 1, 8192>}, {transform_indices = @transform_3, window_bounds = array<i64: 1, 1, 8192>}, {transform_indices = @transform_4, window_bounds = array<i64: 2048, 256>}]} {
    %eq3A = arith.constant 0 : i32
    %eq3A_0 = arith.cmpi eq, %arg0, %eq3A : i32
    %eq3A_1 = arith.constant 0 : i32
    %eq3A_2 = arith.cmpi eq, %arg1, %eq3A_1 : i32
    %and3A = arith.andi %eq3A_0, %eq3A_2 : i1
    %convert_element_type3A = arith.extui %and3A : i1 to i32
    %cond3A = arith.constant 0 : i32
    %cond3A_3 = arith.cmpi ne, %convert_element_type3A, %cond3A : i32
    scf.if %cond3A_3 {
      %get3A_2102 = arith.constant 0 : index
      %get3A_2103 = arith.constant 0 : index
      %get3A_2104 = vector.load %arg2[%get3A_2102, %get3A_2103] : memref<8192x256xf32, #tpu.memory_space<vmem>>, vector<8192x256xf32>
      %mul3A_2105 = arith.mulf %get3A_2104, %get3A_2104 : vector<8192x256xf32>
      %reduce_sum3A = arith.constant dense<0.000000e+00> : vector<8192xf32>
      %reduce_sum3A_2106 = vector.multi_reduction <add>, %mul3A_2105, %reduce_sum3A [1] : vector<8192x256xf32> to vector<8192xf32>
      %broadcast_in_dim3A_2107 = vector.shape_cast %reduce_sum3A_2106 : vector<8192xf32> to vector<8192x1xf32>
      %sqrt3A = math.sqrt %broadcast_in_dim3A_2107 : vector<8192x1xf32>
      %max3A = arith.constant 9.99999996E-13 : f32
      %max3A_2108 = vector.broadcast %max3A : f32 to vector<8192x1xf32>
      %max3A_2109 = arith.maximumf %sqrt3A, %max3A_2108 : vector<8192x1xf32>
      %div3A = vector.broadcast %max3A_2109 : vector<8192x1xf32> to vector<8192x256xf32>
      %div3A_2110 = arith.divf %get3A_2104, %div3A : vector<8192x256xf32>
      %convert_element_type3A_2111 = arith.truncf %div3A_2110 : vector<8192x256xf32> to vector<8192x256xbf16>
      %swap3A = arith.constant 0 : index
      %swap3A_2112 = arith.constant 0 : index
      %swap3A_2113 = vector.load %arg7[%swap3A, %swap3A_2112] : memref<8192x256xbf16, #tpu.memory_space<vmem>>, vector<8192x256xbf16>
      tpu.vector_store %arg7[%swap3A, %swap3A_2112], %convert_element_type3A_2111 {strides = array<i32>} : memref<8192x256xbf16, #tpu.memory_space<vmem>>, vector<8192x256xbf16>,
    } else {
    }
    %eq3A_4 = arith.constant 0 : i32
    %eq3A_5 = arith.cmpi eq, %arg1, %eq3A_4 : i32
    %convert_element_type3A_6 = arith.extui %eq3A_5 : i1 to i32
    %cond3A_7 = arith.constant 0 : i32
    %cond3A_8 = arith.cmpi ne, %convert_element_type3A_6, %cond3A_7 : i32
    scf.if %cond3A_8 {
      %get3A_2102 = arith.constant 0 : index
      %get3A_2103 = arith.constant 0 : index
      %get3A_2104 = vector.load %arg3[%get3A_2102, %get3A_2103] : memref<2048x256xf32, #tpu.memory_space<vmem>>, vector<2048x256xf32>
      %mul3A_2105 = arith.mulf %get3A_2104, %get3A_2104 : vector<2048x256xf32>
      %reduce_sum3A = arith.constant dense<0.000000e+00> : vector<2048xf32>
      %reduce_sum3A_2106 = vector.multi_reduction <add>, %mul3A_2105, %reduce_sum3A [1] : vector<2048x256xf32> to vector<2048xf32>
      %broadcast_in_dim3A_2107 = vector.shape_cast %reduce_sum3A_2106 : vector<2048xf32> to vector<2048x1xf32>
      %sqrt3A = math.sqrt %broadcast_in_dim3A_2107 : vector<2048x1xf32>
      %max3A = arith.constant 9.99999996E-13 : f32
      %max3A_2108 = vector.broadcast %max3A : f32 to vector<2048x1xf32>
      %max3A_2109 = arith.maximumf %sqrt3A, %max3A_2108 : vector<2048x1xf32>
      %div3A = vector.broadcast %max3A_2109 : vector<2048x1xf32> to vector<2048x256xf32>
      %div3A_2110 = arith.divf %get3A_2104, %div3A : vector<2048x256xf32>
      %convert_element_type3A_2111 = arith.truncf %div3A_2110 : vector<2048x256xf32> to vector<2048x256xbf16>
      %swap3A = arith.constant 0 : index
      %swap3A_2112 = arith.constant 0 : index
      %swap3A_2113 = vector.load %arg8[%swap3A, %swap3A_2112] : memref<2048x256xbf16, #tpu.memory_space<vmem>>, vector<2048x256xbf16>
      tpu.vector_store %arg8[%swap3A, %swap3A_2112], %convert_element_type3A_2111 {strides = array<i32>} : memref<2048x256xbf16, #tpu.memory_space<vmem>>, vector<2048x256xbf16>,
      %convert_element_type3A_2114 = arith.extf %convert_element_type3A_2111 : vector<2048x256xbf16> to vector<2048x256xf32>
      %swap3A_2115 = arith.constant 0 : index
      %swap3A_2116 = arith.constant 0 : index
      %swap3A_2117 = vector.load %arg6[%swap3A_2115, %swap3A_2116] : memref<2048x256xf32, #tpu.memory_space<vmem>>, vector<2048x256xf32>
      tpu.vector_store %arg6[%swap3A_2115, %swap3A_2116], %convert_element_type3A_2114 {strides = array<i32>} : memref<2048x256xf32, #tpu.memory_space<vmem>>, vector<2048x256xf32>,
    } else {
    }
    %mul3A = arith.constant 8192 : i32
    %mul3A_9 = arith.muli %arg1, %mul3A : i32
    %get3A = arith.index_cast %mul3A_9 : i32 to index
    %get3A_10 = arith.constant 0 : index
    %get3A_11 = vector.load %arg7[%get3A, %get3A_10] : memref<8192x256xbf16, #tpu.memory_space<vmem>>, vector<8192x256xbf16>
    %iota3A = tpu.iota {dimensions = array<i32: 0>} : vector<8x8192xi32>
    %get3A_12 = arith.constant 0 : index
    %get3A_13 = arith.constant 0 : index
    %get3A_14 = vector.load %arg8[%get3A_12, %get3A_13] : memref<2048x256xbf16, #tpu.memory_space<vmem>>, vector<512x256xbf16>
    %dot_general3A = arith.constant dense<0.000000e+00> : vector<512x8192xf32>
    %dot_general3A_15 = tpu.matmul %get3A_14, %get3A_11, %dot_general3A {dimension_numbers = #tpu.dot_dimension_numbers<[1], [1], [0], [0], [0, 0, 1, 0], [], []>, transpose_lhs_hint = false} : vector<512x256xbf16>, vector<8192x256xbf16>, vector<512x8192xf32> -> vector<512x8192xf32>
    %get3A_16 = arith.constant 512 : index
    %get3A_17 = arith.constant 0 : index
    %get3A_18 = vector.load %arg8[%get3A_16, %get3A_17] : memref<2048x256xbf16, #tpu.memory_space<vmem>>, vector<512x256xbf16>
    %dot_general3A_19 = arith.constant dense<0.000000e+00> : vector<512x8192xf32>
    %dot_general3A_20 = tpu.matmul %get3A_18, %get3A_11, %dot_general3A_19 {dimension_numbers = #tpu.dot_dimension_numbers<[1], [1], [0], [0], [0, 0, 1, 0], [], []>, transpose_lhs_hint = false} : vector<512x256xbf16>, vector<8192x256xbf16>, vector<512x8192xf32> -> vector<512x8192xf32>
    %mul3A_21 = arith.constant 2048 : i32
    %mul3A_22 = arith.muli %arg0, %mul3A_21 : i32
    %add3A = arith.constant 0 : i32
    %add3A_23 = arith.addi %mul3A_22, %add3A : i32
    %slice3A = vector.extract_strided_slice %dot_general3A_15 {offsets = [0, 0], sizes = [8, 8192], strides = [1, 1]} : vector<512x8192xf32> to vector<8x8192xf32>
    %add3A_24 = vector.broadcast %add3A_23 : i32 to vector<8x8192xi32>
    %add3A_25 = arith.addi %iota3A, %add3A_24 : vector<8x8192xi32>
    %slice3A_26 = vector.extract_strided_slice %dot_general3A_15 {offsets = [8, 0], sizes = [8, 8192], strides = [1, 1]} : vector<512x8192xf32> to vector<8x8192xf32>
    %gt3A = arith.cmpf ogt, %slice3A_26, %slice3A : vector<8x8192xf32>
    %select_n3A = arith.select %gt3A, %slice3A_26, %slice3A : vector<8x8192xi1>, vector<8x8192xf32>
    %add3A_27 = arith.constant 8 : i32
    %add3A_28 = arith.addi %add3A_23, %add3A_27 : i32
    %add3A_29 = vector.broadcast %add3A_28 : i32 to vector<8x8192xi32>
    %add3A_30 = arith.addi %iota3A, %add3A_29 : vector<8x8192xi32>
    %select_n3A_31 = arith.select %gt3A, %add3A_30, %add3A_25 : vector<8x8192xi1>, vector<8x8192xi32>
    %slice3A_32 = vector.extract_strided_slice %dot_general3A_15 {offsets = [16, 0], sizes = [8, 8192], strides = [1, 1]} : vector<512x8192xf32> to vector<8x8192xf32>
    %gt3A_33 = arith.cmpf ogt, %slice3A_32, %select_n3A : vector<8x8192xf32>
    %select_n3A_34 = arith.select %gt3A_33, %slice3A_32, %select_n3A : vector<8x8192xi1>, vector<8x8192xf32>
    %add3A_35 = arith.constant 16 : i32
    %add3A_36 = arith.addi %add3A_23, %add3A_35 : i32
    %add3A_37 = vector.broadcast %add3A_36 : i32 to vector<8x8192xi32>
    %add3A_38 = arith.addi %iota3A, %add3A_37 : vector<8x8192xi32>
    %select_n3A_39 = arith.select %gt3A_33, %add3A_38, %select_n3A_31 : vector<8x8192xi1>, vector<8x8192xi32>
    %slice3A_40 = vector.extract_strided_slice %dot_general3A_15 {offsets = [24, 0], sizes = [8, 8192], strides = [1, 1]} : vector<512x8192xf32> to vector<8x8192xf32>
    %gt3A_41 = arith.cmpf ogt, %slice3A_40, %select_n3A_34 : vector<8x8192xf32>
    %select_n3A_42 = arith.select %gt3A_41, %slice3A_40, %select_n3A_34 : vector<8x8192xi1>, vector<8x8192xf32>
    %add3A_43 = arith.constant 24 : i32
    %add3A_44 = arith.addi %add3A_23, %add3A_43 : i32
    %add3A_45 = vector.broadcast %add3A_44 : i32 to vector<8x8192xi32>
    %add3A_46 = arith.addi %iota3A, %add3A_45 : vector<8x8192xi32>
    %select_n3A_47 = arith.select %gt3A_41, %add3A_46, %select_n3A_39 : vector<8x8192xi1>, vector<8x8192xi32>
    %slice3A_48 = vector.extract_strided_slice %dot_general3A_15 {offsets = [32, 0], sizes = [8, 8192], strides = [1, 1]} : vector<512x8192xf32> to vector<8x8192xf32>
    %gt3A_49 = arith.cmpf ogt, %slice3A_48, %select_n3A_42 : vector<8x8192xf32>
    %select_n3A_50 = arith.select %gt3A_49, %slice3A_48, %select_n3A_42 : vector<8x8192xi1>, vector<8x8192xf32>
    %add3A_51 = arith.constant 32 : i32
    %add3A_52 = arith.addi %add3A_23, %add3A_51 : i32
    %add3A_53 = vector.broadcast %add3A_52 : i32 to vector<8x8192xi32>
    %add3A_54 = arith.addi %iota3A, %add3A_53 : vector<8x8192xi32>
    %select_n3A_55 = arith.select %gt3A_49, %add3A_54, %select_n3A_47 : vector<8x8192xi1>, vector<8x8192xi32>
    %slice3A_56 = vector.extract_strided_slice %dot_general3A_15 {offsets = [40, 0], sizes = [8, 8192], strides = [1, 1]} : vector<512x8192xf32> to vector<8x8192xf32>
    %gt3A_57 = arith.cmpf ogt, %slice3A_56, %select_n3A_50 : vector<8x8192xf32>
    %select_n3A_58 = arith.select %gt3A_57, %slice3A_56, %select_n3A_50 : vector<8x8192xi1>, vector<8x8192xf32>
    %add3A_59 = arith.constant 40 : i32
    %add3A_60 = arith.addi %add3A_23, %add3A_59 : i32
    %add3A_61 = vector.broadcast %add3A_60 : i32 to vector<8x8192xi32>
    %add3A_62 = arith.addi %iota3A, %add3A_61 : vector<8x8192xi32>
    %select_n3A_63 = arith.select %gt3A_57, %add3A_62, %select_n3A_55 : vector<8x8192xi1>, vector<8x8192xi32>
    %slice3A_64 = vector.extract_strided_slice %dot_general3A_15 {offsets = [48, 0], sizes = [8, 8192], strides = [1, 1]} : vector<512x8192xf32> to vector<8x8192xf32>
    %gt3A_65 = arith.cmpf ogt, %slice3A_64, %select_n3A_58 : vector<8x8192xf32>
    %select_n3A_66 = arith.select %gt3A_65, %slice3A_64, %select_n3A_58 : vector<8x8192xi1>, vector<8x8192xf32>
    %add3A_67 = arith.constant 48 : i32
    %add3A_68 = arith.addi %add3A_23, %add3A_67 : i32
    %add3A_69 = vector.broadcast %add3A_68 : i32 to vector<8x8192xi32>
    %add3A_70 = arith.addi %iota3A, %add3A_69 : vector<8x8192xi32>
    %select_n3A_71 = arith.select %gt3A_65, %add3A_70, %select_n3A_63 : vector<8x8192xi1>, vector<8x8192xi32>
    %slice3A_72 = vector.extract_strided_slice %dot_general3A_15 {offsets = [56, 0], sizes = [8, 8192], strides = [1, 1]} : vector<512x8192xf32> to vector<8x8192xf32>
    %gt3A_73 = arith.cmpf ogt, %slice3A_72, %select_n3A_66 : vector<8x8192xf32>
    %select_n3A_74 = arith.select %gt3A_73, %slice3A_72, %select_n3A_66 : vector<8x8192xi1>, vector<8x8192xf32>
    %add3A_75 = arith.constant 56 : i32
    %add3A_76 = arith.addi %add3A_23, %add3A_75 : i32
    %add3A_77 = vector.broadcast %add3A_76 : i32 to vector<8x8192xi32>
    %add3A_78 = arith.addi %iota3A, %add3A_77 : vector<8x8192xi32>
    %select_n3A_79 = arith.select %gt3A_73, %add3A_78, %select_n3A_71 : vector<8x8192xi1>, vector<8x8192xi32>
    %slice3A_80 = vector.extract_strided_slice %dot_general3A_15 {offsets = [64, 0], sizes = [8, 8192], strides = [1, 1]} : vector<512x8192xf32> to vector<8x8192xf32>
    %gt3A_81 = arith.cmpf ogt, %slice3A_80, %select_n3A_74 : vector<8x8192xf32>
    %select_n3A_82 = arith.select %gt3A_81, %slice3A_80, %select_n3A_74 : vector<8x8192xi1>, vector<8x8192xf32>
    %add3A_83 = arith.constant 64 : i32
    %add3A_84 = arith.addi %add3A_23, %add3A_83 : i32
    %add3A_85 = vector.broadcast %add3A_84 : i32 to vector<8x8192xi32>
    %add3A_86 = arith.addi %iota3A, %add3A_85 : vector<8x8192xi32>
    %select_n3A_87 = arith.select %gt3A_81, %add3A_86, %select_n3A_79 : vector<8x8192xi1>, vector<8x8192xi32>
    %slice3A_88 = vector.extract_strided_slice %dot_general3A_15 {offsets = [72, 0], sizes = [8, 8192], strides = [1, 1]} : vector<512x8192xf32> to vector<8x8192xf32>
    %gt3A_89 = arith.cmpf ogt, %slice3A_88, %select_n3A_82 : vector<8x8192xf32>
    %select_n3A_90 = arith.select %gt3A_89, %slice3A_88, %select_n3A_82 : vector<8x8192xi1>, vector<8x8192xf32>
    %add3A_91 = arith.constant 72 : i32
    %add3A_92 = arith.addi %add3A_23, %add3A_91 : i32
    %add3A_93 = vector.broadcast %add3A_92 : i32 to vector<8x8192xi32>
    %add3A_94 = arith.addi %iota3A, %add3A_93 : vector<8x8192xi32>
    %select_n3A_95 = arith.select %gt3A_89, %add3A_94, %select_n3A_87 : vector<8x8192xi1>, vector<8x8192xi32>
    %slice3A_96 = vector.extract_strided_slice %dot_general3A_15 {offsets = [80, 0], sizes = [8, 8192], strides = [1, 1]} : vector<512x8192xf32> to vector<8x8192xf32>
    %gt3A_97 = arith.cmpf ogt, %slice3A_96, %select_n3A_90 : vector<8x8192xf32>
    %select_n3A_98 = arith.select %gt3A_97, %slice3A_96, %select_n3A_90 : vector<8x8192xi1>, vector<8x8192xf32>
    %add3A_99 = arith.constant 80 : i32
    %add3A_100 = arith.addi %add3A_23, %add3A_99 : i32
    %add3A_101 = vector.broadcast %add3A_100 : i32 to vector<8x8192xi32>
    %add3A_102 = arith.addi %iota3A, %add3A_101 : vector<8x8192xi32>
    %select_n3A_103 = arith.select %gt3A_97, %add3A_102, %select_n3A_95 : vector<8x8192xi1>, vector<8x8192xi32>
    %slice3A_104 = vector.extract_strided_slice %dot_general3A_15 {offsets = [88, 0], sizes = [8, 8192], strides = [1, 1]} : vector<512x8192xf32> to vector<8x8192xf32>
    %gt3A_105 = arith.cmpf ogt, %slice3A_104, %select_n3A_98 : vector<8x8192xf32>
    %select_n3A_106 = arith.select %gt3A_105, %slice3A_104, %select_n3A_98 : vector<8x8192xi1>, vector<8x8192xf32>
    %add3A_107 = arith.constant 88 : i32
    %add3A_108 = arith.addi %add3A_23, %add3A_107 : i32
    %add3A_109 = vector.broadcast %add3A_108 : i32 to vector<8x8192xi32>
    %add3A_110 = arith.addi %iota3A, %add3A_109 : vector<8x8192xi32>
    %select_n3A_111 = arith.select %gt3A_105, %add3A_110, %select_n3A_103 : vector<8x8192xi1>, vector<8x8192xi32>
    %slice3A_112 = vector.extract_strided_slice %dot_general3A_15 {offsets = [96, 0], sizes = [8, 8192], strides = [1, 1]} : vector<512x8192xf32> to vector<8x8192xf32>
    %gt3A_113 = arith.cmpf ogt, %slice3A_112, %select_n3A_106 : vector<8x8192xf32>
    %select_n3A_114 = arith.select %gt3A_113, %slice3A_112, %select_n3A_106 : vector<8x8192xi1>, vector<8x8192xf32>
    %add3A_115 = arith.constant 96 : i32
    %add3A_116 = arith.addi %add3A_23, %add3A_115 : i32
    %add3A_117 = vector.broadcast %add3A_116 : i32 to vector<8x8192xi32>
    %add3A_118 = arith.addi %iota3A, %add3A_117 : vector<8x8192xi32>
    %select_n3A_119 = arith.select %gt3A_113, %add3A_118, %select_n3A_111 : vector<8x8192xi1>, vector<8x8192xi32>
    %slice3A_120 = vector.extract_strided_slice %dot_general3A_15 {offsets = [104, 0], sizes = [8, 8192], strides = [1, 1]} : vector<512x8192xf32> to vector<8x8192xf32>
    %gt3A_121 = arith.cmpf ogt, %slice3A_120, %select_n3A_114 : vector<8x8192xf32>
    %select_n3A_122 = arith.select %gt3A_121, %slice3A_120, %select_n3A_114 : vector<8x8192xi1>, vector<8x8192xf32>
    %add3A_123 = arith.constant 104 : i32
    %add3A_124 = arith.addi %add3A_23, %add3A_123 : i32
    %add3A_125 = vector.broadcast %add3A_124 : i32 to vector<8x8192xi32>
    %add3A_126 = arith.addi %iota3A, %add3A_125 : vector<8x8192xi32>
    %select_n3A_127 = arith.select %gt3A_121, %add3A_126, %select_n3A_119 : vector<8x8192xi1>, vector<8x8192xi32>
    %slice3A_128 = vector.extract_strided_slice %dot_general3A_15 {offsets = [112, 0], sizes = [8, 8192], strides = [1, 1]} : vector<512x8192xf32> to vector<8x8192xf32>
    %gt3A_129 = arith.cmpf ogt, %slice3A_128, %select_n3A_122 : vector<8x8192xf32>
    %select_n3A_130 = arith.select %gt3A_129, %slice3A_128, %select_n3A_122 : vector<8x8192xi1>, vector<8x8192xf32>
    %add3A_131 = arith.constant 112 : i32
    %add3A_132 = arith.addi %add3A_23, %add3A_131 : i32
    %add3A_133 = vector.broadcast %add3A_132 : i32 to vector<8x8192xi32>
    %add3A_134 = arith.addi %iota3A, %add3A_133 : vector<8x8192xi32>
    %select_n3A_135 = arith.select %gt3A_129, %add3A_134, %select_n3A_127 : vector<8x8192xi1>, vector<8x8192xi32>
    %slice3A_136 = vector.extract_strided_slice %dot_general3A_15 {offsets = [120, 0], sizes = [8, 8192], strides = [1, 1]} : vector<512x8192xf32> to vector<8x8192xf32>
    %gt3A_137 = arith.cmpf ogt, %slice3A_136, %select_n3A_130 : vector<8x8192xf32>
    %select_n3A_138 = arith.select %gt3A_137, %slice3A_136, %select_n3A_130 : vector<8x8192xi1>, vector<8x8192xf32>
    %add3A_139 = arith.constant 120 : i32
    %add3A_140 = arith.addi %add3A_23, %add3A_139 : i32
    %add3A_141 = vector.broadcast %add3A_140 : i32 to vector<8x8192xi32>
    %add3A_142 = arith.addi %iota3A, %add3A_141 : vector<8x8192xi32>
    %select_n3A_143 = arith.select %gt3A_137, %add3A_142, %select_n3A_135 : vector<8x8192xi1>, vector<8x8192xi32>
    %slice3A_144 = vector.extract_strided_slice %dot_general3A_15 {offsets = [128, 0], sizes = [8, 8192], strides = [1, 1]} : vector<512x8192xf32> to vector<8x8192xf32>
    %gt3A_145 = arith.cmpf ogt, %slice3A_144, %select_n3A_138 : vector<8x8192xf32>
    %select_n3A_146 = arith.select %gt3A_145, %slice3A_144, %select_n3A_138 : vector<8x8192xi1>, vector<8x8192xf32>
    %add3A_147 = arith.constant 128 : i32
    %add3A_148 = arith.addi %add3A_23, %add3A_147 : i32
    %add3A_149 = vector.broadcast %add3A_148 : i32 to vector<8x8192xi32>
    %add3A_150 = arith.addi %iota3A, %add3A_149 : vector<8x8192xi32>
    %select_n3A_151 = arith.select %gt3A_145, %add3A_150, %select_n3A_143 : vector<8x8192xi1>, vector<8x8192xi32>
    %slice3A_152 = vector.extract_strided_slice %dot_general3A_15 {offsets = [136, 0], sizes = [8, 8192], strides = [1, 1]} : vector<512x8192xf32> to vector<8x8192xf32>
    %gt3A_153 = arith.cmpf ogt, %slice3A_152, %select_n3A_146 : vector<8x8192xf32>
    %select_n3A_154 = arith.select %gt3A_153, %slice3A_152, %select_n3A_146 : vector<8x8192xi1>, vector<8x8192xf32>
    %add3A_155 = arith.constant 136 : i32
    %add3A_156 = arith.addi %add3A_23, %add3A_155 : i32
    %add3A_157 = vector.broadcast %add3A_156 : i32 to vector<8x8192xi32>
    %add3A_158 = arith.addi %iota3A, %add3A_157 : vector<8x8192xi32>
    %select_n3A_159 = arith.select %gt3A_153, %add3A_158, %select_n3A_151 : vector<8x8192xi1>, vector<8x8192xi32>
    %slice3A_160 = vector.extract_strided_slice %dot_general3A_15 {offsets = [144, 0], sizes = [8, 8192], strides = [1, 1]} : vector<512x8192xf32> to vector<8x8192xf32>
    %gt3A_161 = arith.cmpf ogt, %slice3A_160, %select_n3A_154 : vector<8x8192xf32>
    %select_n3A_162 = arith.select %gt3A_161, %slice3A_160, %select_n3A_154 : vector<8x8192xi1>, vector<8x8192xf32>
    %add3A_163 = arith.constant 144 : i32
    %add3A_164 = arith.addi %add3A_23, %add3A_163 : i32
    %add3A_165 = vector.broadcast %add3A_164 : i32 to vector<8x8192xi32>
    %add3A_166 = arith.addi %iota3A, %add3A_165 : vector<8x8192xi32>
    %select_n3A_167 = arith.select %gt3A_161, %add3A_166, %select_n3A_159 : vector<8x8192xi1>, vector<8x8192xi32>
    %slice3A_168 = vector.extract_strided_slice %dot_general3A_15 {offsets = [152, 0], sizes = [8, 8192], strides = [1, 1]} : vector<512x8192xf32> to vector<8x8192xf32>
    %gt3A_169 = arith.cmpf ogt, %slice3A_168, %select_n3A_162 : vector<8x8192xf32>
    %select_n3A_170 = arith.select %gt3A_169, %slice3A_168, %select_n3A_162 : vector<8x8192xi1>, vector<8x8192xf32>
    %add3A_171 = arith.constant 152 : i32
    %add3A_172 = arith.addi %add3A_23, %add3A_171 : i32
    %add3A_173 = vector.broadcast %add3A_172 : i32 to vector<8x8192xi32>
    %add3A_174 = arith.addi %iota3A, %add3A_173 : vector<8x8192xi32>
    %select_n3A_175 = arith.select %gt3A_169, %add3A_174, %select_n3A_167 : vector<8x8192xi1>, vector<8x8192xi32>
    %slice3A_176 = vector.extract_strided_slice %dot_general3A_15 {offsets = [160, 0], sizes = [8, 8192], strides = [1, 1]} : vector<512x8192xf32> to vector<8x8192xf32>
    %gt3A_177 = arith.cmpf ogt, %slice3A_176, %select_n3A_170 : vector<8x8192xf32>
    %select_n3A_178 = arith.select %gt3A_177, %slice3A_176, %select_n3A_170 : vector<8x8192xi1>, vector<8x8192xf32>
    %add3A_179 = arith.constant 160 : i32
    %add3A_180 = arith.addi %add3A_23, %add3A_179 : i32
    %add3A_181 = vector.broadcast %add3A_180 : i32 to vector<8x8192xi32>
    %add3A_182 = arith.addi %iota3A, %add3A_181 : vector<8x8192xi32>
    %select_n3A_183 = arith.select %gt3A_177, %add3A_182, %select_n3A_175 : vector<8x8192xi1>, vector<8x8192xi32>
    %slice3A_184 = vector.extract_strided_slice %dot_general3A_15 {offsets = [168, 0], sizes = [8, 8192], strides = [1, 1]} : vector<512x8192xf32> to vector<8x8192xf32>
    %gt3A_185 = arith.cmpf ogt, %slice3A_184, %select_n3A_178 : vector<8x8192xf32>
    %select_n3A_186 = arith.select %gt3A_185, %slice3A_184, %select_n3A_178 : vector<8x8192xi1>, vector<8x8192xf32>
    %add3A_187 = arith.constant 168 : i32
    %add3A_188 = arith.addi %add3A_23, %add3A_187 : i32
    %add3A_189 = vector.broadcast %add3A_188 : i32 to vector<8x8192xi32>
    %add3A_190 = arith.addi %iota3A, %add3A_189 : vector<8x8192xi32>
    %select_n3A_191 = arith.select %gt3A_185, %add3A_190, %select_n3A_183 : vector<8x8192xi1>, vector<8x8192xi32>
    %slice3A_192 = vector.extract_strided_slice %dot_general3A_15 {offsets = [176, 0], sizes = [8, 8192], strides = [1, 1]} : vector<512x8192xf32> to vector<8x8192xf32>
    %gt3A_193 = arith.cmpf ogt, %slice3A_192, %select_n3A_186 : vector<8x8192xf32>
    %select_n3A_194 = arith.select %gt3A_193, %slice3A_192, %select_n3A_186 : vector<8x8192xi1>, vector<8x8192xf32>
    %add3A_195 = arith.constant 176 : i32
    %add3A_196 = arith.addi %add3A_23, %add3A_195 : i32
    %add3A_197 = vector.broadcast %add3A_196 : i32 to vector<8x8192xi32>
    %add3A_198 = arith.addi %iota3A, %add3A_197 : vector<8x8192xi32>
    %select_n3A_199 = arith.select %gt3A_193, %add3A_198, %select_n3A_191 : vector<8x8192xi1>, vector<8x8192xi32>
    %slice3A_200 = vector.extract_strided_slice %dot_general3A_15 {offsets = [184, 0], sizes = [8, 8192], strides = [1, 1]} : vector<512x8192xf32> to vector<8x8192xf32>
    %gt3A_201 = arith.cmpf ogt, %slice3A_200, %select_n3A_194 : vector<8x8192xf32>
    %select_n3A_202 = arith.select %gt3A_201, %slice3A_200, %select_n3A_194 : vector<8x8192xi1>, vector<8x8192xf32>
    %add3A_203 = arith.constant 184 : i32
    %add3A_204 = arith.addi %add3A_23, %add3A_203 : i32
    %add3A_205 = vector.broadcast %add3A_204 : i32 to vector<8x8192xi32>
    %add3A_206 = arith.addi %iota3A, %add3A_205 : vector<8x8192xi32>
    %select_n3A_207 = arith.select %gt3A_201, %add3A_206, %select_n3A_199 : vector<8x8192xi1>, vector<8x8192xi32>
    %slice3A_208 = vector.extract_strided_slice %dot_general3A_15 {offsets = [192, 0], sizes = [8, 8192], strides = [1, 1]} : vector<512x8192xf32> to vector<8x8192xf32>
    %gt3A_209 = arith.cmpf ogt, %slice3A_208, %select_n3A_202 : vector<8x8192xf32>
    %select_n3A_210 = arith.select %gt3A_209, %slice3A_208, %select_n3A_202 : vector<8x8192xi1>, vector<8x8192xf32>
    %add3A_211 = arith.constant 192 : i32
    %add3A_212 = arith.addi %add3A_23, %add3A_211 : i32
    %add3A_213 = vector.broadcast %add3A_212 : i32 to vector<8x8192xi32>
    %add3A_214 = arith.addi %iota3A, %add3A_213 : vector<8x8192xi32>
    %select_n3A_215 = arith.select %gt3A_209, %add3A_214, %select_n3A_207 : vector<8x8192xi1>, vector<8x8192xi32>
    %slice3A_216 = vector.extract_strided_slice %dot_general3A_15 {offsets = [200, 0], sizes = [8, 8192], strides = [1, 1]} : vector<512x8192xf32> to vector<8x8192xf32>
    %gt3A_217 = arith.cmpf ogt, %slice3A_216, %select_n3A_210 : vector<8x8192xf32>
    %select_n3A_218 = arith.select %gt3A_217, %slice3A_216, %select_n3A_210 : vector<8x8192xi1>, vector<8x8192xf32>
    %add3A_219 = arith.constant 200 : i32
    %add3A_220 = arith.addi %add3A_23, %add3A_219 : i32
    %add3A_221 = vector.broadcast %add3A_220 : i32 to vector<8x8192xi32>
    %add3A_222 = arith.addi %iota3A, %add3A_221 : vector<8x8192xi32>
    %select_n3A_223 = arith.select %gt3A_217, %add3A_222, %select_n3A_215 : vector<8x8192xi1>, vector<8x8192xi32>
    %slice3A_224 = vector.extract_strided_slice %dot_general3A_15 {offsets = [208, 0], sizes = [8, 8192], strides = [1, 1]} : vector<512x8192xf32> to vector<8x8192xf32>
    %gt3A_225 = arith.cmpf ogt, %slice3A_224, %select_n3A_218 : vector<8x8192xf32>
    %select_n3A_226 = arith.select %gt3A_225, %slice3A_224, %select_n3A_218 : vector<8x8192xi1>, vector<8x8192xf32>
    %add3A_227 = arith.constant 208 : i32
    %add3A_228 = arith.addi %add3A_23, %add3A_227 : i32
    %add3A_229 = vector.broadcast %add3A_228 : i32 to vector<8x8192xi32>
    %add3A_230 = arith.addi %iota3A, %add3A_229 : vector<8x8192xi32>
    %select_n3A_231 = arith.select %gt3A_225, %add3A_230, %select_n3A_223 : vector<8x8192xi1>, vector<8x8192xi32>
    %slice3A_232 = vector.extract_strided_slice %dot_general3A_15 {offsets = [216, 0], sizes = [8, 8192], strides = [1, 1]} : vector<512x8192xf32> to vector<8x8192xf32>
    %gt3A_233 = arith.cmpf ogt, %slice3A_232, %select_n3A_226 : vector<8x8192xf32>
    %select_n3A_234 = arith.select %gt3A_233, %slice3A_232, %select_n3A_226 : vector<8x8192xi1>, vector<8x8192xf32>
    %add3A_235 = arith.constant 216 : i32
    %add3A_236 = arith.addi %add3A_23, %add3A_235 : i32
    %add3A_237 = vector.broadcast %add3A_236 : i32 to vector<8x8192xi32>
    %add3A_238 = arith.addi %iota3A, %add3A_237 : vector<8x8192xi32>
    %select_n3A_239 = arith.select %gt3A_233, %add3A_238, %select_n3A_231 : vector<8x8192xi1>, vector<8x8192xi32>
    %slice3A_240 = vector.extract_strided_slice %dot_general3A_15 {offsets = [224, 0], sizes = [8, 8192], strides = [1, 1]} : vector<512x8192xf32> to vector<8x8192xf32>
    %gt3A_241 = arith.cmpf ogt, %slice3A_240, %select_n3A_234 : vector<8x8192xf32>
    %select_n3A_242 = arith.select %gt3A_241, %slice3A_240, %select_n3A_234 : vector<8x8192xi1>, vector<8x8192xf32>
    %add3A_243 = arith.constant 224 : i32
    %add3A_244 = arith.addi %add3A_23, %add3A_243 : i32
    %add3A_245 = vector.broadcast %add3A_244 : i32 to vector<8x8192xi32>
    %add3A_246 = arith.addi %iota3A, %add3A_245 : vector<8x8192xi32>
    %select_n3A_247 = arith.select %gt3A_241, %add3A_246, %select_n3A_239 : vector<8x8192xi1>, vector<8x8192xi32>
    %slice3A_248 = vector.extract_strided_slice %dot_general3A_15 {offsets = [232, 0], sizes = [8, 8192], strides = [1, 1]} : vector<512x8192xf32> to vector<8x8192xf32>
    %gt3A_249 = arith.cmpf ogt, %slice3A_248, %select_n3A_242 : vector<8x8192xf32>
    %select_n3A_250 = arith.select %gt3A_249, %slice3A_248, %select_n3A_242 : vector<8x8192xi1>, vector<8x8192xf32>
    %add3A_251 = arith.constant 232 : i32
    %add3A_252 = arith.addi %add3A_23, %add3A_251 : i32
    %add3A_253 = vector.broadcast %add3A_252 : i32 to vector<8x8192xi32>
    %add3A_254 = arith.addi %iota3A, %add3A_253 : vector<8x8192xi32>
    %select_n3A_255 = arith.select %gt3A_249, %add3A_254, %select_n3A_247 : vector<8x8192xi1>, vector<8x8192xi32>
    %slice3A_256 = vector.extract_strided_slice %dot_general3A_15 {offsets = [240, 0], sizes = [8, 8192], strides = [1, 1]} : vector<512x8192xf32> to vector<8x8192xf32>
    %gt3A_257 = arith.cmpf ogt, %slice3A_256, %select_n3A_250 : vector<8x8192xf32>
    %select_n3A_258 = arith.select %gt3A_257, %slice3A_256, %select_n3A_250 : vector<8x8192xi1>, vector<8x8192xf32>
    %add3A_259 = arith.constant 240 : i32
    %add3A_260 = arith.addi %add3A_23, %add3A_259 : i32
    %add3A_261 = vector.broadcast %add3A_260 : i32 to vector<8x8192xi32>
    %add3A_262 = arith.addi %iota3A, %add3A_261 : vector<8x8192xi32>
    %select_n3A_263 = arith.select %gt3A_257, %add3A_262, %select_n3A_255 : vector<8x8192xi1>, vector<8x8192xi32>
    %slice3A_264 = vector.extract_strided_slice %dot_general3A_15 {offsets = [248, 0], sizes = [8, 8192], strides = [1, 1]} : vector<512x8192xf32> to vector<8x8192xf32>
    %gt3A_265 = arith.cmpf ogt, %slice3A_264, %select_n3A_258 : vector<8x8192xf32>
    %select_n3A_266 = arith.select %gt3A_265, %slice3A_264, %select_n3A_258 : vector<8x8192xi1>, vector<8x8192xf32>
    %add3A_267 = arith.constant 248 : i32
    %add3A_268 = arith.addi %add3A_23, %add3A_267 : i32
    %add3A_269 = vector.broadcast %add3A_268 : i32 to vector<8x8192xi32>
    %add3A_270 = arith.addi %iota3A, %add3A_269 : vector<8x8192xi32>
    %select_n3A_271 = arith.select %gt3A_265, %add3A_270, %select_n3A_263 : vector<8x8192xi1>, vector<8x8192xi32>
    %slice3A_272 = vector.extract_strided_slice %dot_general3A_15 {offsets = [256, 0], sizes = [8, 8192], strides = [1, 1]} : vector<512x8192xf32> to vector<8x8192xf32>
    %gt3A_273 = arith.cmpf ogt, %slice3A_272, %select_n3A_266 : vector<8x8192xf32>
    %select_n3A_274 = arith.select %gt3A_273, %slice3A_272, %select_n3A_266 : vector<8x8192xi1>, vector<8x8192xf32>
    %add3A_275 = arith.constant 256 : i32
    %add3A_276 = arith.addi %add3A_23, %add3A_275 : i32
    %add3A_277 = vector.broadcast %add3A_276 : i32 to vector<8x8192xi32>
    %add3A_278 = arith.addi %iota3A, %add3A_277 : vector<8x8192xi32>
    %select_n3A_279 = arith.select %gt3A_273, %add3A_278, %select_n3A_271 : vector<8x8192xi1>, vector<8x8192xi32>
    %slice3A_280 = vector.extract_strided_slice %dot_general3A_15 {offsets = [264, 0], sizes = [8, 8192], strides = [1, 1]} : vector<512x8192xf32> to vector<8x8192xf32>
    %gt3A_281 = arith.cmpf ogt, %slice3A_280, %select_n3A_274 : vector<8x8192xf32>
    %select_n3A_282 = arith.select %gt3A_281, %slice3A_280, %select_n3A_274 : vector<8x8192xi1>, vector<8x8192xf32>
    %add3A_283 = arith.constant 264 : i32
    %add3A_284 = arith.addi %add3A_23, %add3A_283 : i32
    %add3A_285 = vector.broadcast %add3A_284 : i32 to vector<8x8192xi32>
    %add3A_286 = arith.addi %iota3A, %add3A_285 : vector<8x8192xi32>
    %select_n3A_287 = arith.select %gt3A_281, %add3A_286, %select_n3A_279 : vector<8x8192xi1>, vector<8x8192xi32>
    %slice3A_288 = vector.extract_strided_slice %dot_general3A_15 {offsets = [272, 0], sizes = [8, 8192], strides = [1, 1]} : vector<512x8192xf32> to vector<8x8192xf32>
    %gt3A_289 = arith.cmpf ogt, %slice3A_288, %select_n3A_282 : vector<8x8192xf32>
    %select_n3A_290 = arith.select %gt3A_289, %slice3A_288, %select_n3A_282 : vector<8x8192xi1>, vector<8x8192xf32>
    %add3A_291 = arith.constant 272 : i32
    %add3A_292 = arith.addi %add3A_23, %add3A_291 : i32
    %add3A_293 = vector.broadcast %add3A_292 : i32 to vector<8x8192xi32>
    %add3A_294 = arith.addi %iota3A, %add3A_293 : vector<8x8192xi32>
    %select_n3A_295 = arith.select %gt3A_289, %add3A_294, %select_n3A_287 : vector<8x8192xi1>, vector<8x8192xi32>
    %slice3A_296 = vector.extract_strided_slice %dot_general3A_15 {offsets = [280, 0], sizes = [8, 8192], strides = [1, 1]} : vector<512x8192xf32> to vector<8x8192xf32>
    %gt3A_297 = arith.cmpf ogt, %slice3A_296, %select_n3A_290 : vector<8x8192xf32>
    %select_n3A_298 = arith.select %gt3A_297, %slice3A_296, %select_n3A_290 : vector<8x8192xi1>, vector<8x8192xf32>
    %add3A_299 = arith.constant 280 : i32
    %add3A_300 = arith.addi %add3A_23, %add3A_299 : i32
    %add3A_301 = vector.broadcast %add3A_300 : i32 to vector<8x8192xi32>
    %add3A_302 = arith.addi %iota3A, %add3A_301 : vector<8x8192xi32>
    %select_n3A_303 = arith.select %gt3A_297, %add3A_302, %select_n3A_295 : vector<8x8192xi1>, vector<8x8192xi32>
    %slice3A_304 = vector.extract_strided_slice %dot_general3A_15 {offsets = [288, 0], sizes = [8, 8192], strides = [1, 1]} : vector<512x8192xf32> to vector<8x8192xf32>
    %gt3A_305 = arith.cmpf ogt, %slice3A_304, %select_n3A_298 : vector<8x8192xf32>
    %select_n3A_306 = arith.select %gt3A_305, %slice3A_304, %select_n3A_298 : vector<8x8192xi1>, vector<8x8192xf32>
    %add3A_307 = arith.constant 288 : i32
    %add3A_308 = arith.addi %add3A_23, %add3A_307 : i32
    %add3A_309 = vector.broadcast %add3A_308 : i32 to vector<8x8192xi32>
    %add3A_310 = arith.addi %iota3A, %add3A_309 : vector<8x8192xi32>
    %select_n3A_311 = arith.select %gt3A_305, %add3A_310, %select_n3A_303 : vector<8x8192xi1>, vector<8x8192xi32>
    %slice3A_312 = vector.extract_strided_slice %dot_general3A_15 {offsets = [296, 0], sizes = [8, 8192], strides = [1, 1]} : vector<512x8192xf32> to vector<8x8192xf32>
    %gt3A_313 = arith.cmpf ogt, %slice3A_312, %select_n3A_306 : vector<8x8192xf32>
    %select_n3A_314 = arith.select %gt3A_313, %slice3A_312, %select_n3A_306 : vector<8x8192xi1>, vector<8x8192xf32>
    %add3A_315 = arith.constant 296 : i32
    %add3A_316 = arith.addi %add3A_23, %add3A_315 : i32
    %add3A_317 = vector.broadcast %add3A_316 : i32 to vector<8x8192xi32>
    %add3A_318 = arith.addi %iota3A, %add3A_317 : vector<8x8192xi32>
    %select_n3A_319 = arith.select %gt3A_313, %add3A_318, %select_n3A_311 : vector<8x8192xi1>, vector<8x8192xi32>
    %slice3A_320 = vector.extract_strided_slice %dot_general3A_15 {offsets = [304, 0], sizes = [8, 8192], strides = [1, 1]} : vector<512x8192xf32> to vector<8x8192xf32>
    %gt3A_321 = arith.cmpf ogt, %slice3A_320, %select_n3A_314 : vector<8x8192xf32>
    %select_n3A_322 = arith.select %gt3A_321, %slice3A_320, %select_n3A_314 : vector<8x8192xi1>, vector<8x8192xf32>
    %add3A_323 = arith.constant 304 : i32
    %add3A_324 = arith.addi %add3A_23, %add3A_323 : i32
    %add3A_325 = vector.broadcast %add3A_324 : i32 to vector<8x8192xi32>
    %add3A_326 = arith.addi %iota3A, %add3A_325 : vector<8x8192xi32>
    %select_n3A_327 = arith.select %gt3A_321, %add3A_326, %select_n3A_319 : vector<8x8192xi1>, vector<8x8192xi32>
    %slice3A_328 = vector.extract_strided_slice %dot_general3A_15 {offsets = [312, 0], sizes = [8, 8192], strides = [1, 1]} : vector<512x8192xf32> to vector<8x8192xf32>
    %gt3A_329 = arith.cmpf ogt, %slice3A_328, %select_n3A_322 : vector<8x8192xf32>
    %select_n3A_330 = arith.select %gt3A_329, %slice3A_328, %select_n3A_322 : vector<8x8192xi1>, vector<8x8192xf32>
    %add3A_331 = arith.constant 312 : i32
    %add3A_332 = arith.addi %add3A_23, %add3A_331 : i32
    %add3A_333 = vector.broadcast %add3A_332 : i32 to vector<8x8192xi32>
    %add3A_334 = arith.addi %iota3A, %add3A_333 : vector<8x8192xi32>
    %select_n3A_335 = arith.select %gt3A_329, %add3A_334, %select_n3A_327 : vector<8x8192xi1>, vector<8x8192xi32>
    %slice3A_336 = vector.extract_strided_slice %dot_general3A_15 {offsets = [320, 0], sizes = [8, 8192], strides = [1, 1]} : vector<512x8192xf32> to vector<8x8192xf32>
    %gt3A_337 = arith.cmpf ogt, %slice3A_336, %select_n3A_330 : vector<8x8192xf32>
    %select_n3A_338 = arith.select %gt3A_337, %slice3A_336, %select_n3A_330 : vector<8x8192xi1>, vector<8x8192xf32>
    %add3A_339 = arith.constant 320 : i32
    %add3A_340 = arith.addi %add3A_23, %add3A_339 : i32
    %add3A_341 = vector.broadcast %add3A_340 : i32 to vector<8x8192xi32>
    %add3A_342 = arith.addi %iota3A, %add3A_341 : vector<8x8192xi32>
    %select_n3A_343 = arith.select %gt3A_337, %add3A_342, %select_n3A_335 : vector<8x8192xi1>, vector<8x8192xi32>
    %slice3A_344 = vector.extract_strided_slice %dot_general3A_15 {offsets = [328, 0], sizes = [8, 8192], strides = [1, 1]} : vector<512x8192xf32> to vector<8x8192xf32>
    %gt3A_345 = arith.cmpf ogt, %slice3A_344, %select_n3A_338 : vector<8x8192xf32>
    %select_n3A_346 = arith.select %gt3A_345, %slice3A_344, %select_n3A_338 : vector<8x8192xi1>, vector<8x8192xf32>
    %add3A_347 = arith.constant 328 : i32
    %add3A_348 = arith.addi %add3A_23, %add3A_347 : i32
    %add3A_349 = vector.broadcast %add3A_348 : i32 to vector<8x8192xi32>
    %add3A_350 = arith.addi %iota3A, %add3A_349 : vector<8x8192xi32>
    %select_n3A_351 = arith.select %gt3A_345, %add3A_350, %select_n3A_343 : vector<8x8192xi1>, vector<8x8192xi32>
    %slice3A_352 = vector.extract_strided_slice %dot_general3A_15 {offsets = [336, 0], sizes = [8, 8192], strides = [1, 1]} : vector<512x8192xf32> to vector<8x8192xf32>
    %gt3A_353 = arith.cmpf ogt, %slice3A_352, %select_n3A_346 : vector<8x8192xf32>
    %select_n3A_354 = arith.select %gt3A_353, %slice3A_352, %select_n3A_346 : vector<8x8192xi1>, vector<8x8192xf32>
    %add3A_355 = arith.constant 336 : i32
    %add3A_356 = arith.addi %add3A_23, %add3A_355 : i32
    %add3A_357 = vector.broadcast %add3A_356 : i32 to vector<8x8192xi32>
    %add3A_358 = arith.addi %iota3A, %add3A_357 : vector<8x8192xi32>
    %select_n3A_359 = arith.select %gt3A_353, %add3A_358, %select_n3A_351 : vector<8x8192xi1>, vector<8x8192xi32>
    %slice3A_360 = vector.extract_strided_slice %dot_general3A_15 {offsets = [344, 0], sizes = [8, 8192], strides = [1, 1]} : vector<512x8192xf32> to vector<8x8192xf32>
    %gt3A_361 = arith.cmpf ogt, %slice3A_360, %select_n3A_354 : vector<8x8192xf32>
    %select_n3A_362 = arith.select %gt3A_361, %slice3A_360, %select_n3A_354 : vector<8x8192xi1>, vector<8x8192xf32>
    %add3A_363 = arith.constant 344 : i32
    %add3A_364 = arith.addi %add3A_23, %add3A_363 : i32
    %add3A_365 = vector.broadcast %add3A_364 : i32 to vector<8x8192xi32>
    %add3A_366 = arith.addi %iota3A, %add3A_365 : vector<8x8192xi32>
    %select_n3A_367 = arith.select %gt3A_361, %add3A_366, %select_n3A_359 : vector<8x8192xi1>, vector<8x8192xi32>
    %slice3A_368 = vector.extract_strided_slice %dot_general3A_15 {offsets = [352, 0], sizes = [8, 8192], strides = [1, 1]} : vector<512x8192xf32> to vector<8x8192xf32>
    %gt3A_369 = arith.cmpf ogt, %slice3A_368, %select_n3A_362 : vector<8x8192xf32>
    %select_n3A_370 = arith.select %gt3A_369, %slice3A_368, %select_n3A_362 : vector<8x8192xi1>, vector<8x8192xf32>
    %add3A_371 = arith.constant 352 : i32
    %add3A_372 = arith.addi %add3A_23, %add3A_371 : i32
    %add3A_373 = vector.broadcast %add3A_372 : i32 to vector<8x8192xi32>
    %add3A_374 = arith.addi %iota3A, %add3A_373 : vector<8x8192xi32>
    %select_n3A_375 = arith.select %gt3A_369, %add3A_374, %select_n3A_367 : vector<8x8192xi1>, vector<8x8192xi32>
    %slice3A_376 = vector.extract_strided_slice %dot_general3A_15 {offsets = [360, 0], sizes = [8, 8192], strides = [1, 1]} : vector<512x8192xf32> to vector<8x8192xf32>
    %gt3A_377 = arith.cmpf ogt, %slice3A_376, %select_n3A_370 : vector<8x8192xf32>
    %select_n3A_378 = arith.select %gt3A_377, %slice3A_376, %select_n3A_370 : vector<8x8192xi1>, vector<8x8192xf32>
    %add3A_379 = arith.constant 360 : i32
    %add3A_380 = arith.addi %add3A_23, %add3A_379 : i32
    %add3A_381 = vector.broadcast %add3A_380 : i32 to vector<8x8192xi32>
    %add3A_382 = arith.addi %iota3A, %add3A_381 : vector<8x8192xi32>
    %select_n3A_383 = arith.select %gt3A_377, %add3A_382, %select_n3A_375 : vector<8x8192xi1>, vector<8x8192xi32>
    %slice3A_384 = vector.extract_strided_slice %dot_general3A_15 {offsets = [368, 0], sizes = [8, 8192], strides = [1, 1]} : vector<512x8192xf32> to vector<8x8192xf32>
    %gt3A_385 = arith.cmpf ogt, %slice3A_384, %select_n3A_378 : vector<8x8192xf32>
    %select_n3A_386 = arith.select %gt3A_385, %slice3A_384, %select_n3A_378 : vector<8x8192xi1>, vector<8x8192xf32>
    %add3A_387 = arith.constant 368 : i32
    %add3A_388 = arith.addi %add3A_23, %add3A_387 : i32
    %add3A_389 = vector.broadcast %add3A_388 : i32 to vector<8x8192xi32>
    %add3A_390 = arith.addi %iota3A, %add3A_389 : vector<8x8192xi32>
    %select_n3A_391 = arith.select %gt3A_385, %add3A_390, %select_n3A_383 : vector<8x8192xi1>, vector<8x8192xi32>
    %slice3A_392 = vector.extract_strided_slice %dot_general3A_15 {offsets = [376, 0], sizes = [8, 8192], strides = [1, 1]} : vector<512x8192xf32> to vector<8x8192xf32>
    %gt3A_393 = arith.cmpf ogt, %slice3A_392, %select_n3A_386 : vector<8x8192xf32>
    %select_n3A_394 = arith.select %gt3A_393, %slice3A_392, %select_n3A_386 : vector<8x8192xi1>, vector<8x8192xf32>
    %add3A_395 = arith.constant 376 : i32
    %add3A_396 = arith.addi %add3A_23, %add3A_395 : i32
    %add3A_397 = vector.broadcast %add3A_396 : i32 to vector<8x8192xi32>
    %add3A_398 = arith.addi %iota3A, %add3A_397 : vector<8x8192xi32>
    %select_n3A_399 = arith.select %gt3A_393, %add3A_398, %select_n3A_391 : vector<8x8192xi1>, vector<8x8192xi32>
    %slice3A_400 = vector.extract_strided_slice %dot_general3A_15 {offsets = [384, 0], sizes = [8, 8192], strides = [1, 1]} : vector<512x8192xf32> to vector<8x8192xf32>
    %gt3A_401 = arith.cmpf ogt, %slice3A_400, %select_n3A_394 : vector<8x8192xf32>
    %select_n3A_402 = arith.select %gt3A_401, %slice3A_400, %select_n3A_394 : vector<8x8192xi1>, vector<8x8192xf32>
    %add3A_403 = arith.constant 384 : i32
    %add3A_404 = arith.addi %add3A_23, %add3A_403 : i32
    %add3A_405 = vector.broadcast %add3A_404 : i32 to vector<8x8192xi32>
    %add3A_406 = arith.addi %iota3A, %add3A_405 : vector<8x8192xi32>
    %select_n3A_407 = arith.select %gt3A_401, %add3A_406, %select_n3A_399 : vector<8x8192xi1>, vector<8x8192xi32>
    %slice3A_408 = vector.extract_strided_slice %dot_general3A_15 {offsets = [392, 0], sizes = [8, 8192], strides = [1, 1]} : vector<512x8192xf32> to vector<8x8192xf32>
    %gt3A_409 = arith.cmpf ogt, %slice3A_408, %select_n3A_402 : vector<8x8192xf32>
    %select_n3A_410 = arith.select %gt3A_409, %slice3A_408, %select_n3A_402 : vector<8x8192xi1>, vector<8x8192xf32>
    %add3A_411 = arith.constant 392 : i32
    %add3A_412 = arith.addi %add3A_23, %add3A_411 : i32
    %add3A_413 = vector.broadcast %add3A_412 : i32 to vector<8x8192xi32>
    %add3A_414 = arith.addi %iota3A, %add3A_413 : vector<8x8192xi32>
    %select_n3A_415 = arith.select %gt3A_409, %add3A_414, %select_n3A_407 : vector<8x8192xi1>, vector<8x8192xi32>
    %slice3A_416 = vector.extract_strided_slice %dot_general3A_15 {offsets = [400, 0], sizes = [8, 8192], strides = [1, 1]} : vector<512x8192xf32> to vector<8x8192xf32>
    %gt3A_417 = arith.cmpf ogt, %slice3A_416, %select_n3A_410 : vector<8x8192xf32>
    %select_n3A_418 = arith.select %gt3A_417, %slice3A_416, %select_n3A_410 : vector<8x8192xi1>, vector<8x8192xf32>
    %add3A_419 = arith.constant 400 : i32
    %add3A_420 = arith.addi %add3A_23, %add3A_419 : i32
    %add3A_421 = vector.broadcast %add3A_420 : i32 to vector<8x8192xi32>
    %add3A_422 = arith.addi %iota3A, %add3A_421 : vector<8x8192xi32>
    %select_n3A_423 = arith.select %gt3A_417, %add3A_422, %select_n3A_415 : vector<8x8192xi1>, vector<8x8192xi32>
    %slice3A_424 = vector.extract_strided_slice %dot_general3A_15 {offsets = [408, 0], sizes = [8, 8192], strides = [1, 1]} : vector<512x8192xf32> to vector<8x8192xf32>
    %gt3A_425 = arith.cmpf ogt, %slice3A_424, %select_n3A_418 : vector<8x8192xf32>
    %select_n3A_426 = arith.select %gt3A_425, %slice3A_424, %select_n3A_418 : vector<8x8192xi1>, vector<8x8192xf32>
    %add3A_427 = arith.constant 408 : i32
    %add3A_428 = arith.addi %add3A_23, %add3A_427 : i32
    %add3A_429 = vector.broadcast %add3A_428 : i32 to vector<8x8192xi32>
    %add3A_430 = arith.addi %iota3A, %add3A_429 : vector<8x8192xi32>
    %select_n3A_431 = arith.select %gt3A_425, %add3A_430, %select_n3A_423 : vector<8x8192xi1>, vector<8x8192xi32>
    %slice3A_432 = vector.extract_strided_slice %dot_general3A_15 {offsets = [416, 0], sizes = [8, 8192], strides = [1, 1]} : vector<512x8192xf32> to vector<8x8192xf32>
    %gt3A_433 = arith.cmpf ogt, %slice3A_432, %select_n3A_426 : vector<8x8192xf32>
    %select_n3A_434 = arith.select %gt3A_433, %slice3A_432, %select_n3A_426 : vector<8x8192xi1>, vector<8x8192xf32>
    %add3A_435 = arith.constant 416 : i32
    %add3A_436 = arith.addi %add3A_23, %add3A_435 : i32
    %add3A_437 = vector.broadcast %add3A_436 : i32 to vector<8x8192xi32>
    %add3A_438 = arith.addi %iota3A, %add3A_437 : vector<8x8192xi32>
    %select_n3A_439 = arith.select %gt3A_433, %add3A_438, %select_n3A_431 : vector<8x8192xi1>, vector<8x8192xi32>
    %slice3A_440 = vector.extract_strided_slice %dot_general3A_15 {offsets = [424, 0], sizes = [8, 8192], strides = [1, 1]} : vector<512x8192xf32> to vector<8x8192xf32>
    %gt3A_441 = arith.cmpf ogt, %slice3A_440, %select_n3A_434 : vector<8x8192xf32>
    %select_n3A_442 = arith.select %gt3A_441, %slice3A_440, %select_n3A_434 : vector<8x8192xi1>, vector<8x8192xf32>
    %add3A_443 = arith.constant 424 : i32
    %add3A_444 = arith.addi %add3A_23, %add3A_443 : i32
    %add3A_445 = vector.broadcast %add3A_444 : i32 to vector<8x8192xi32>
    %add3A_446 = arith.addi %iota3A, %add3A_445 : vector<8x8192xi32>
    %select_n3A_447 = arith.select %gt3A_441, %add3A_446, %select_n3A_439 : vector<8x8192xi1>, vector<8x8192xi32>
    %slice3A_448 = vector.extract_strided_slice %dot_general3A_15 {offsets = [432, 0], sizes = [8, 8192], strides = [1, 1]} : vector<512x8192xf32> to vector<8x8192xf32>
    %gt3A_449 = arith.cmpf ogt, %slice3A_448, %select_n3A_442 : vector<8x8192xf32>
    %select_n3A_450 = arith.select %gt3A_449, %slice3A_448, %select_n3A_442 : vector<8x8192xi1>, vector<8x8192xf32>
    %add3A_451 = arith.constant 432 : i32
    %add3A_452 = arith.addi %add3A_23, %add3A_451 : i32
    %add3A_453 = vector.broadcast %add3A_452 : i32 to vector<8x8192xi32>
    %add3A_454 = arith.addi %iota3A, %add3A_453 : vector<8x8192xi32>
    %select_n3A_455 = arith.select %gt3A_449, %add3A_454, %select_n3A_447 : vector<8x8192xi1>, vector<8x8192xi32>
    %slice3A_456 = vector.extract_strided_slice %dot_general3A_15 {offsets = [440, 0], sizes = [8, 8192], strides = [1, 1]} : vector<512x8192xf32> to vector<8x8192xf32>
    %gt3A_457 = arith.cmpf ogt, %slice3A_456, %select_n3A_450 : vector<8x8192xf32>
    %select_n3A_458 = arith.select %gt3A_457, %slice3A_456, %select_n3A_450 : vector<8x8192xi1>, vector<8x8192xf32>
    %add3A_459 = arith.constant 440 : i32
    %add3A_460 = arith.addi %add3A_23, %add3A_459 : i32
    %add3A_461 = vector.broadcast %add3A_460 : i32 to vector<8x8192xi32>
    %add3A_462 = arith.addi %iota3A, %add3A_461 : vector<8x8192xi32>
    %select_n3A_463 = arith.select %gt3A_457, %add3A_462, %select_n3A_455 : vector<8x8192xi1>, vector<8x8192xi32>
    %slice3A_464 = vector.extract_strided_slice %dot_general3A_15 {offsets = [448, 0], sizes = [8, 8192], strides = [1, 1]} : vector<512x8192xf32> to vector<8x8192xf32>
    %gt3A_465 = arith.cmpf ogt, %slice3A_464, %select_n3A_458 : vector<8x8192xf32>
    %select_n3A_466 = arith.select %gt3A_465, %slice3A_464, %select_n3A_458 : vector<8x8192xi1>, vector<8x8192xf32>
    %add3A_467 = arith.constant 448 : i32
    %add3A_468 = arith.addi %add3A_23, %add3A_467 : i32
    %add3A_469 = vector.broadcast %add3A_468 : i32 to vector<8x8192xi32>
    %add3A_470 = arith.addi %iota3A, %add3A_469 : vector<8x8192xi32>
    %select_n3A_471 = arith.select %gt3A_465, %add3A_470, %select_n3A_463 : vector<8x8192xi1>, vector<8x8192xi32>
    %slice3A_472 = vector.extract_strided_slice %dot_general3A_15 {offsets = [456, 0], sizes = [8, 8192], strides = [1, 1]} : vector<512x8192xf32> to vector<8x8192xf32>
    %gt3A_473 = arith.cmpf ogt, %slice3A_472, %select_n3A_466 : vector<8x8192xf32>
    %select_n3A_474 = arith.select %gt3A_473, %slice3A_472, %select_n3A_466 : vector<8x8192xi1>, vector<8x8192xf32>
    %add3A_475 = arith.constant 456 : i32
    %add3A_476 = arith.addi %add3A_23, %add3A_475 : i32
    %add3A_477 = vector.broadcast %add3A_476 : i32 to vector<8x8192xi32>
    %add3A_478 = arith.addi %iota3A, %add3A_477 : vector<8x8192xi32>
    %select_n3A_479 = arith.select %gt3A_473, %add3A_478, %select_n3A_471 : vector<8x8192xi1>, vector<8x8192xi32>
    %slice3A_480 = vector.extract_strided_slice %dot_general3A_15 {offsets = [464, 0], sizes = [8, 8192], strides = [1, 1]} : vector<512x8192xf32> to vector<8x8192xf32>
    %gt3A_481 = arith.cmpf ogt, %slice3A_480, %select_n3A_474 : vector<8x8192xf32>
    %select_n3A_482 = arith.select %gt3A_481, %slice3A_480, %select_n3A_474 : vector<8x8192xi1>, vector<8x8192xf32>
    %add3A_483 = arith.constant 464 : i32
    %add3A_484 = arith.addi %add3A_23, %add3A_483 : i32
    %add3A_485 = vector.broadcast %add3A_484 : i32 to vector<8x8192xi32>
    %add3A_486 = arith.addi %iota3A, %add3A_485 : vector<8x8192xi32>
    %select_n3A_487 = arith.select %gt3A_481, %add3A_486, %select_n3A_479 : vector<8x8192xi1>, vector<8x8192xi32>
    %slice3A_488 = vector.extract_strided_slice %dot_general3A_15 {offsets = [472, 0], sizes = [8, 8192], strides = [1, 1]} : vector<512x8192xf32> to vector<8x8192xf32>
    %gt3A_489 = arith.cmpf ogt, %slice3A_488, %select_n3A_482 : vector<8x8192xf32>
    %select_n3A_490 = arith.select %gt3A_489, %slice3A_488, %select_n3A_482 : vector<8x8192xi1>, vector<8x8192xf32>
    %add3A_491 = arith.constant 472 : i32
    %add3A_492 = arith.addi %add3A_23, %add3A_491 : i32
    %add3A_493 = vector.broadcast %add3A_492 : i32 to vector<8x8192xi32>
    %add3A_494 = arith.addi %iota3A, %add3A_493 : vector<8x8192xi32>
    %select_n3A_495 = arith.select %gt3A_489, %add3A_494, %select_n3A_487 : vector<8x8192xi1>, vector<8x8192xi32>
    %slice3A_496 = vector.extract_strided_slice %dot_general3A_15 {offsets = [480, 0], sizes = [8, 8192], strides = [1, 1]} : vector<512x8192xf32> to vector<8x8192xf32>
    %gt3A_497 = arith.cmpf ogt, %slice3A_496, %select_n3A_490 : vector<8x8192xf32>
    %select_n3A_498 = arith.select %gt3A_497, %slice3A_496, %select_n3A_490 : vector<8x8192xi1>, vector<8x8192xf32>
    %add3A_499 = arith.constant 480 : i32
    %add3A_500 = arith.addi %add3A_23, %add3A_499 : i32
    %add3A_501 = vector.broadcast %add3A_500 : i32 to vector<8x8192xi32>
    %add3A_502 = arith.addi %iota3A, %add3A_501 : vector<8x8192xi32>
    %select_n3A_503 = arith.select %gt3A_497, %add3A_502, %select_n3A_495 : vector<8x8192xi1>, vector<8x8192xi32>
    %slice3A_504 = vector.extract_strided_slice %dot_general3A_15 {offsets = [488, 0], sizes = [8, 8192], strides = [1, 1]} : vector<512x8192xf32> to vector<8x8192xf32>
    %gt3A_505 = arith.cmpf ogt, %slice3A_504, %select_n3A_498 : vector<8x8192xf32>
    %select_n3A_506 = arith.select %gt3A_505, %slice3A_504, %select_n3A_498 : vector<8x8192xi1>, vector<8x8192xf32>
    %add3A_507 = arith.constant 488 : i32
    %add3A_508 = arith.addi %add3A_23, %add3A_507 : i32
    %add3A_509 = vector.broadcast %add3A_508 : i32 to vector<8x8192xi32>
    %add3A_510 = arith.addi %iota3A, %add3A_509 : vector<8x8192xi32>
    %select_n3A_511 = arith.select %gt3A_505, %add3A_510, %select_n3A_503 : vector<8x8192xi1>, vector<8x8192xi32>
    %slice3A_512 = vector.extract_strided_slice %dot_general3A_15 {offsets = [496, 0], sizes = [8, 8192], strides = [1, 1]} : vector<512x8192xf32> to vector<8x8192xf32>
    %gt3A_513 = arith.cmpf ogt, %slice3A_512, %select_n3A_506 : vector<8x8192xf32>
    %select_n3A_514 = arith.select %gt3A_513, %slice3A_512, %select_n3A_506 : vector<8x8192xi1>, vector<8x8192xf32>
    %add3A_515 = arith.constant 496 : i32
    %add3A_516 = arith.addi %add3A_23, %add3A_515 : i32
    %add3A_517 = vector.broadcast %add3A_516 : i32 to vector<8x8192xi32>
    %add3A_518 = arith.addi %iota3A, %add3A_517 : vector<8x8192xi32>
    %select_n3A_519 = arith.select %gt3A_513, %add3A_518, %select_n3A_511 : vector<8x8192xi1>, vector<8x8192xi32>
    %slice3A_520 = vector.extract_strided_slice %dot_general3A_15 {offsets = [504, 0], sizes = [8, 8192], strides = [1, 1]} : vector<512x8192xf32> to vector<8x8192xf32>
    %gt3A_521 = arith.cmpf ogt, %slice3A_520, %select_n3A_514 : vector<8x8192xf32>
    %select_n3A_522 = arith.select %gt3A_521, %slice3A_520, %select_n3A_514 : vector<8x8192xi1>, vector<8x8192xf32>
    %add3A_523 = arith.constant 504 : i32
    %add3A_524 = arith.addi %add3A_23, %add3A_523 : i32
    %add3A_525 = vector.broadcast %add3A_524 : i32 to vector<8x8192xi32>
    %add3A_526 = arith.addi %iota3A, %add3A_525 : vector<8x8192xi32>
    %select_n3A_527 = arith.select %gt3A_521, %add3A_526, %select_n3A_519 : vector<8x8192xi1>, vector<8x8192xi32>
    %get3A_528 = arith.constant 1024 : index
    %get3A_529 = arith.constant 0 : index
    %get3A_530 = vector.load %arg8[%get3A_528, %get3A_529] : memref<2048x256xbf16, #tpu.memory_space<vmem>>, vector<512x256xbf16>
    %dot_general3A_531 = arith.constant dense<0.000000e+00> : vector<512x8192xf32>
    %dot_general3A_532 = tpu.matmul %get3A_530, %get3A_11, %dot_general3A_531 {dimension_numbers = #tpu.dot_dimension_numbers<[1], [1], [0], [0], [0, 0, 1, 0], [], []>, transpose_lhs_hint = false} : vector<512x256xbf16>, vector<8192x256xbf16>, vector<512x8192xf32> -> vector<512x8192xf32>
    %mul3A_533 = arith.constant 2048 : i32
    %mul3A_534 = arith.muli %arg0, %mul3A_533 : i32
    %add3A_535 = arith.constant 512 : i32
    %add3A_536 = arith.addi %mul3A_534, %add3A_535 : i32
    %slice3A_537 = vector.extract_strided_slice %dot_general3A_20 {offsets = [0, 0], sizes = [8, 8192], strides = [1, 1]} : vector<512x8192xf32> to vector<8x8192xf32>
    %add3A_538 = vector.broadcast %add3A_536 : i32 to vector<8x8192xi32>
    %add3A_539 = arith.addi %iota3A, %add3A_538 : vector<8x8192xi32>
    %slice3A_540 = vector.extract_strided_slice %dot_general3A_20 {offsets = [8, 0], sizes = [8, 8192], strides = [1, 1]} : vector<512x8192xf32> to vector<8x8192xf32>
    %gt3A_541 = arith.cmpf ogt, %slice3A_540, %slice3A_537 : vector<8x8192xf32>
    %select_n3A_542 = arith.select %gt3A_541, %slice3A_540, %slice3A_537 : vector<8x8192xi1>, vector<8x8192xf32>
    %add3A_543 = arith.constant 8 : i32
    %add3A_544 = arith.addi %add3A_536, %add3A_543 : i32
    %add3A_545 = vector.broadcast %add3A_544 : i32 to vector<8x8192xi32>
    %add3A_546 = arith.addi %iota3A, %add3A_545 : vector<8x8192xi32>
    %select_n3A_547 = arith.select %gt3A_541, %add3A_546, %add3A_539 : vector<8x8192xi1>, vector<8x8192xi32>
    %slice3A_548 = vector.extract_strided_slice %dot_general3A_20 {offsets = [16, 0], sizes = [8, 8192], strides = [1, 1]} : vector<512x8192xf32> to vector<8x8192xf32>
    %gt3A_549 = arith.cmpf ogt, %slice3A_548, %select_n3A_542 : vector<8x8192xf32>
    %select_n3A_550 = arith.select %gt3A_549, %slice3A_548, %select_n3A_542 : vector<8x8192xi1>, vector<8x8192xf32>
    %add3A_551 = arith.constant 16 : i32
    %add3A_552 = arith.addi %add3A_536, %add3A_551 : i32
    %add3A_553 = vector.broadcast %add3A_552 : i32 to vector<8x8192xi32>
    %add3A_554 = arith.addi %iota3A, %add3A_553 : vector<8x8192xi32>
    %select_n3A_555 = arith.select %gt3A_549, %add3A_554, %select_n3A_547 : vector<8x8192xi1>, vector<8x8192xi32>
    %slice3A_556 = vector.extract_strided_slice %dot_general3A_20 {offsets = [24, 0], sizes = [8, 8192], strides = [1, 1]} : vector<512x8192xf32> to vector<8x8192xf32>
    %gt3A_557 = arith.cmpf ogt, %slice3A_556, %select_n3A_550 : vector<8x8192xf32>
    %select_n3A_558 = arith.select %gt3A_557, %slice3A_556, %select_n3A_550 : vector<8x8192xi1>, vector<8x8192xf32>
    %add3A_559 = arith.constant 24 : i32
    %add3A_560 = arith.addi %add3A_536, %add3A_559 : i32
    %add3A_561 = vector.broadcast %add3A_560 : i32 to vector<8x8192xi32>
    %add3A_562 = arith.addi %iota3A, %add3A_561 : vector<8x8192xi32>
    %select_n3A_563 = arith.select %gt3A_557, %add3A_562, %select_n3A_555 : vector<8x8192xi1>, vector<8x8192xi32>
    %slice3A_564 = vector.extract_strided_slice %dot_general3A_20 {offsets = [32, 0], sizes = [8, 8192], strides = [1, 1]} : vector<512x8192xf32> to vector<8x8192xf32>
    %gt3A_565 = arith.cmpf ogt, %slice3A_564, %select_n3A_558 : vector<8x8192xf32>
    %select_n3A_566 = arith.select %gt3A_565, %slice3A_564, %select_n3A_558 : vector<8x8192xi1>, vector<8x8192xf32>
    %add3A_567 = arith.constant 32 : i32
    %add3A_568 = arith.addi %add3A_536, %add3A_567 : i32
    %add3A_569 = vector.broadcast %add3A_568 : i32 to vector<8x8192xi32>
    %add3A_570 = arith.addi %iota3A, %add3A_569 : vector<8x8192xi32>
    %select_n3A_571 = arith.select %gt3A_565, %add3A_570, %select_n3A_563 : vector<8x8192xi1>, vector<8x8192xi32>
    %slice3A_572 = vector.extract_strided_slice %dot_general3A_20 {offsets = [40, 0], sizes = [8, 8192], strides = [1, 1]} : vector<512x8192xf32> to vector<8x8192xf32>
    %gt3A_573 = arith.cmpf ogt, %slice3A_572, %select_n3A_566 : vector<8x8192xf32>
    %select_n3A_574 = arith.select %gt3A_573, %slice3A_572, %select_n3A_566 : vector<8x8192xi1>, vector<8x8192xf32>
    %add3A_575 = arith.constant 40 : i32
    %add3A_576 = arith.addi %add3A_536, %add3A_575 : i32
    %add3A_577 = vector.broadcast %add3A_576 : i32 to vector<8x8192xi32>
    %add3A_578 = arith.addi %iota3A, %add3A_577 : vector<8x8192xi32>
    %select_n3A_579 = arith.select %gt3A_573, %add3A_578, %select_n3A_571 : vector<8x8192xi1>, vector<8x8192xi32>
    %slice3A_580 = vector.extract_strided_slice %dot_general3A_20 {offsets = [48, 0], sizes = [8, 8192], strides = [1, 1]} : vector<512x8192xf32> to vector<8x8192xf32>
    %gt3A_581 = arith.cmpf ogt, %slice3A_580, %select_n3A_574 : vector<8x8192xf32>
    %select_n3A_582 = arith.select %gt3A_581, %slice3A_580, %select_n3A_574 : vector<8x8192xi1>, vector<8x8192xf32>
    %add3A_583 = arith.constant 48 : i32
    %add3A_584 = arith.addi %add3A_536, %add3A_583 : i32
    %add3A_585 = vector.broadcast %add3A_584 : i32 to vector<8x8192xi32>
    %add3A_586 = arith.addi %iota3A, %add3A_585 : vector<8x8192xi32>
    %select_n3A_587 = arith.select %gt3A_581, %add3A_586, %select_n3A_579 : vector<8x8192xi1>, vector<8x8192xi32>
    %slice3A_588 = vector.extract_strided_slice %dot_general3A_20 {offsets = [56, 0], sizes = [8, 8192], strides = [1, 1]} : vector<512x8192xf32> to vector<8x8192xf32>
    %gt3A_589 = arith.cmpf ogt, %slice3A_588, %select_n3A_582 : vector<8x8192xf32>
    %select_n3A_590 = arith.select %gt3A_589, %slice3A_588, %select_n3A_582 : vector<8x8192xi1>, vector<8x8192xf32>
    %add3A_591 = arith.constant 56 : i32
    %add3A_592 = arith.addi %add3A_536, %add3A_591 : i32
    %add3A_593 = vector.broadcast %add3A_592 : i32 to vector<8x8192xi32>
    %add3A_594 = arith.addi %iota3A, %add3A_593 : vector<8x8192xi32>
    %select_n3A_595 = arith.select %gt3A_589, %add3A_594, %select_n3A_587 : vector<8x8192xi1>, vector<8x8192xi32>
    %slice3A_596 = vector.extract_strided_slice %dot_general3A_20 {offsets = [64, 0], sizes = [8, 8192], strides = [1, 1]} : vector<512x8192xf32> to vector<8x8192xf32>
    %gt3A_597 = arith.cmpf ogt, %slice3A_596, %select_n3A_590 : vector<8x8192xf32>
    %select_n3A_598 = arith.select %gt3A_597, %slice3A_596, %select_n3A_590 : vector<8x8192xi1>, vector<8x8192xf32>
    %add3A_599 = arith.constant 64 : i32
    %add3A_600 = arith.addi %add3A_536, %add3A_599 : i32
    %add3A_601 = vector.broadcast %add3A_600 : i32 to vector<8x8192xi32>
    %add3A_602 = arith.addi %iota3A, %add3A_601 : vector<8x8192xi32>
    %select_n3A_603 = arith.select %gt3A_597, %add3A_602, %select_n3A_595 : vector<8x8192xi1>, vector<8x8192xi32>
    %slice3A_604 = vector.extract_strided_slice %dot_general3A_20 {offsets = [72, 0], sizes = [8, 8192], strides = [1, 1]} : vector<512x8192xf32> to vector<8x8192xf32>
    %gt3A_605 = arith.cmpf ogt, %slice3A_604, %select_n3A_598 : vector<8x8192xf32>
    %select_n3A_606 = arith.select %gt3A_605, %slice3A_604, %select_n3A_598 : vector<8x8192xi1>, vector<8x8192xf32>
    %add3A_607 = arith.constant 72 : i32
    %add3A_608 = arith.addi %add3A_536, %add3A_607 : i32
    %add3A_609 = vector.broadcast %add3A_608 : i32 to vector<8x8192xi32>
    %add3A_610 = arith.addi %iota3A, %add3A_609 : vector<8x8192xi32>
    %select_n3A_611 = arith.select %gt3A_605, %add3A_610, %select_n3A_603 : vector<8x8192xi1>, vector<8x8192xi32>
    %slice3A_612 = vector.extract_strided_slice %dot_general3A_20 {offsets = [80, 0], sizes = [8, 8192], strides = [1, 1]} : vector<512x8192xf32> to vector<8x8192xf32>
    %gt3A_613 = arith.cmpf ogt, %slice3A_612, %select_n3A_606 : vector<8x8192xf32>
    %select_n3A_614 = arith.select %gt3A_613, %slice3A_612, %select_n3A_606 : vector<8x8192xi1>, vector<8x8192xf32>
    %add3A_615 = arith.constant 80 : i32
    %add3A_616 = arith.addi %add3A_536, %add3A_615 : i32
    %add3A_617 = vector.broadcast %add3A_616 : i32 to vector<8x8192xi32>
    %add3A_618 = arith.addi %iota3A, %add3A_617 : vector<8x8192xi32>
    %select_n3A_619 = arith.select %gt3A_613, %add3A_618, %select_n3A_611 : vector<8x8192xi1>, vector<8x8192xi32>
    %slice3A_620 = vector.extract_strided_slice %dot_general3A_20 {offsets = [88, 0], sizes = [8, 8192], strides = [1, 1]} : vector<512x8192xf32> to vector<8x8192xf32>
    %gt3A_621 = arith.cmpf ogt, %slice3A_620, %select_n3A_614 : vector<8x8192xf32>
    %select_n3A_622 = arith.select %gt3A_621, %slice3A_620, %select_n3A_614 : vector<8x8192xi1>, vector<8x8192xf32>
    %add3A_623 = arith.constant 88 : i32
    %add3A_624 = arith.addi %add3A_536, %add3A_623 : i32
    %add3A_625 = vector.broadcast %add3A_624 : i32 to vector<8x8192xi32>
    %add3A_626 = arith.addi %iota3A, %add3A_625 : vector<8x8192xi32>
    %select_n3A_627 = arith.select %gt3A_621, %add3A_626, %select_n3A_619 : vector<8x8192xi1>, vector<8x8192xi32>
    %slice3A_628 = vector.extract_strided_slice %dot_general3A_20 {offsets = [96, 0], sizes = [8, 8192], strides = [1, 1]} : vector<512x8192xf32> to vector<8x8192xf32>
    %gt3A_629 = arith.cmpf ogt, %slice3A_628, %select_n3A_622 : vector<8x8192xf32>
    %select_n3A_630 = arith.select %gt3A_629, %slice3A_628, %select_n3A_622 : vector<8x8192xi1>, vector<8x8192xf32>
    %add3A_631 = arith.constant 96 : i32
    %add3A_632 = arith.addi %add3A_536, %add3A_631 : i32
    %add3A_633 = vector.broadcast %add3A_632 : i32 to vector<8x8192xi32>
    %add3A_634 = arith.addi %iota3A, %add3A_633 : vector<8x8192xi32>
    %select_n3A_635 = arith.select %gt3A_629, %add3A_634, %select_n3A_627 : vector<8x8192xi1>, vector<8x8192xi32>
    %slice3A_636 = vector.extract_strided_slice %dot_general3A_20 {offsets = [104, 0], sizes = [8, 8192], strides = [1, 1]} : vector<512x8192xf32> to vector<8x8192xf32>
    %gt3A_637 = arith.cmpf ogt, %slice3A_636, %select_n3A_630 : vector<8x8192xf32>
    %select_n3A_638 = arith.select %gt3A_637, %slice3A_636, %select_n3A_630 : vector<8x8192xi1>, vector<8x8192xf32>
    %add3A_639 = arith.constant 104 : i32
    %add3A_640 = arith.addi %add3A_536, %add3A_639 : i32
    %add3A_641 = vector.broadcast %add3A_640 : i32 to vector<8x8192xi32>
    %add3A_642 = arith.addi %iota3A, %add3A_641 : vector<8x8192xi32>
    %select_n3A_643 = arith.select %gt3A_637, %add3A_642, %select_n3A_635 : vector<8x8192xi1>, vector<8x8192xi32>
    %slice3A_644 = vector.extract_strided_slice %dot_general3A_20 {offsets = [112, 0], sizes = [8, 8192], strides = [1, 1]} : vector<512x8192xf32> to vector<8x8192xf32>
    %gt3A_645 = arith.cmpf ogt, %slice3A_644, %select_n3A_638 : vector<8x8192xf32>
    %select_n3A_646 = arith.select %gt3A_645, %slice3A_644, %select_n3A_638 : vector<8x8192xi1>, vector<8x8192xf32>
    %add3A_647 = arith.constant 112 : i32
    %add3A_648 = arith.addi %add3A_536, %add3A_647 : i32
    %add3A_649 = vector.broadcast %add3A_648 : i32 to vector<8x8192xi32>
    %add3A_650 = arith.addi %iota3A, %add3A_649 : vector<8x8192xi32>
    %select_n3A_651 = arith.select %gt3A_645, %add3A_650, %select_n3A_643 : vector<8x8192xi1>, vector<8x8192xi32>
    %slice3A_652 = vector.extract_strided_slice %dot_general3A_20 {offsets = [120, 0], sizes = [8, 8192], strides = [1, 1]} : vector<512x8192xf32> to vector<8x8192xf32>
    %gt3A_653 = arith.cmpf ogt, %slice3A_652, %select_n3A_646 : vector<8x8192xf32>
    %select_n3A_654 = arith.select %gt3A_653, %slice3A_652, %select_n3A_646 : vector<8x8192xi1>, vector<8x8192xf32>
    %add3A_655 = arith.constant 120 : i32
    %add3A_656 = arith.addi %add3A_536, %add3A_655 : i32
    %add3A_657 = vector.broadcast %add3A_656 : i32 to vector<8x8192xi32>
    %add3A_658 = arith.addi %iota3A, %add3A_657 : vector<8x8192xi32>
    %select_n3A_659 = arith.select %gt3A_653, %add3A_658, %select_n3A_651 : vector<8x8192xi1>, vector<8x8192xi32>
    %slice3A_660 = vector.extract_strided_slice %dot_general3A_20 {offsets = [128, 0], sizes = [8, 8192], strides = [1, 1]} : vector<512x8192xf32> to vector<8x8192xf32>
    %gt3A_661 = arith.cmpf ogt, %slice3A_660, %select_n3A_654 : vector<8x8192xf32>
    %select_n3A_662 = arith.select %gt3A_661, %slice3A_660, %select_n3A_654 : vector<8x8192xi1>, vector<8x8192xf32>
    %add3A_663 = arith.constant 128 : i32
    %add3A_664 = arith.addi %add3A_536, %add3A_663 : i32
    %add3A_665 = vector.broadcast %add3A_664 : i32 to vector<8x8192xi32>
    %add3A_666 = arith.addi %iota3A, %add3A_665 : vector<8x8192xi32>
    %select_n3A_667 = arith.select %gt3A_661, %add3A_666, %select_n3A_659 : vector<8x8192xi1>, vector<8x8192xi32>
    %slice3A_668 = vector.extract_strided_slice %dot_general3A_20 {offsets = [136, 0], sizes = [8, 8192], strides = [1, 1]} : vector<512x8192xf32> to vector<8x8192xf32>
    %gt3A_669 = arith.cmpf ogt, %slice3A_668, %select_n3A_662 : vector<8x8192xf32>
    %select_n3A_670 = arith.select %gt3A_669, %slice3A_668, %select_n3A_662 : vector<8x8192xi1>, vector<8x8192xf32>
    %add3A_671 = arith.constant 136 : i32
    %add3A_672 = arith.addi %add3A_536, %add3A_671 : i32
    %add3A_673 = vector.broadcast %add3A_672 : i32 to vector<8x8192xi32>
    %add3A_674 = arith.addi %iota3A, %add3A_673 : vector<8x8192xi32>
    %select_n3A_675 = arith.select %gt3A_669, %add3A_674, %select_n3A_667 : vector<8x8192xi1>, vector<8x8192xi32>
    %slice3A_676 = vector.extract_strided_slice %dot_general3A_20 {offsets = [144, 0], sizes = [8, 8192], strides = [1, 1]} : vector<512x8192xf32> to vector<8x8192xf32>
    %gt3A_677 = arith.cmpf ogt, %slice3A_676, %select_n3A_670 : vector<8x8192xf32>
    %select_n3A_678 = arith.select %gt3A_677, %slice3A_676, %select_n3A_670 : vector<8x8192xi1>, vector<8x8192xf32>
    %add3A_679 = arith.constant 144 : i32
    %add3A_680 = arith.addi %add3A_536, %add3A_679 : i32
    %add3A_681 = vector.broadcast %add3A_680 : i32 to vector<8x8192xi32>
    %add3A_682 = arith.addi %iota3A, %add3A_681 : vector<8x8192xi32>
    %select_n3A_683 = arith.select %gt3A_677, %add3A_682, %select_n3A_675 : vector<8x8192xi1>, vector<8x8192xi32>
    %slice3A_684 = vector.extract_strided_slice %dot_general3A_20 {offsets = [152, 0], sizes = [8, 8192], strides = [1, 1]} : vector<512x8192xf32> to vector<8x8192xf32>
    %gt3A_685 = arith.cmpf ogt, %slice3A_684, %select_n3A_678 : vector<8x8192xf32>
    %select_n3A_686 = arith.select %gt3A_685, %slice3A_684, %select_n3A_678 : vector<8x8192xi1>, vector<8x8192xf32>
    %add3A_687 = arith.constant 152 : i32
    %add3A_688 = arith.addi %add3A_536, %add3A_687 : i32
    %add3A_689 = vector.broadcast %add3A_688 : i32 to vector<8x8192xi32>
    %add3A_690 = arith.addi %iota3A, %add3A_689 : vector<8x8192xi32>
    %select_n3A_691 = arith.select %gt3A_685, %add3A_690, %select_n3A_683 : vector<8x8192xi1>, vector<8x8192xi32>
    %slice3A_692 = vector.extract_strided_slice %dot_general3A_20 {offsets = [160, 0], sizes = [8, 8192], strides = [1, 1]} : vector<512x8192xf32> to vector<8x8192xf32>
    %gt3A_693 = arith.cmpf ogt, %slice3A_692, %select_n3A_686 : vector<8x8192xf32>
    %select_n3A_694 = arith.select %gt3A_693, %slice3A_692, %select_n3A_686 : vector<8x8192xi1>, vector<8x8192xf32>
    %add3A_695 = arith.constant 160 : i32
    %add3A_696 = arith.addi %add3A_536, %add3A_695 : i32
    %add3A_697 = vector.broadcast %add3A_696 : i32 to vector<8x8192xi32>
    %add3A_698 = arith.addi %iota3A, %add3A_697 : vector<8x8192xi32>
    %select_n3A_699 = arith.select %gt3A_693, %add3A_698, %select_n3A_691 : vector<8x8192xi1>, vector<8x8192xi32>
    %slice3A_700 = vector.extract_strided_slice %dot_general3A_20 {offsets = [168, 0], sizes = [8, 8192], strides = [1, 1]} : vector<512x8192xf32> to vector<8x8192xf32>
    %gt3A_701 = arith.cmpf ogt, %slice3A_700, %select_n3A_694 : vector<8x8192xf32>
    %select_n3A_702 = arith.select %gt3A_701, %slice3A_700, %select_n3A_694 : vector<8x8192xi1>, vector<8x8192xf32>
    %add3A_703 = arith.constant 168 : i32
    %add3A_704 = arith.addi %add3A_536, %add3A_703 : i32
    %add3A_705 = vector.broadcast %add3A_704 : i32 to vector<8x8192xi32>
    %add3A_706 = arith.addi %iota3A, %add3A_705 : vector<8x8192xi32>
    %select_n3A_707 = arith.select %gt3A_701, %add3A_706, %select_n3A_699 : vector<8x8192xi1>, vector<8x8192xi32>
    %slice3A_708 = vector.extract_strided_slice %dot_general3A_20 {offsets = [176, 0], sizes = [8, 8192], strides = [1, 1]} : vector<512x8192xf32> to vector<8x8192xf32>
    %gt3A_709 = arith.cmpf ogt, %slice3A_708, %select_n3A_702 : vector<8x8192xf32>
    %select_n3A_710 = arith.select %gt3A_709, %slice3A_708, %select_n3A_702 : vector<8x8192xi1>, vector<8x8192xf32>
    %add3A_711 = arith.constant 176 : i32
    %add3A_712 = arith.addi %add3A_536, %add3A_711 : i32
    %add3A_713 = vector.broadcast %add3A_712 : i32 to vector<8x8192xi32>
    %add3A_714 = arith.addi %iota3A, %add3A_713 : vector<8x8192xi32>
    %select_n3A_715 = arith.select %gt3A_709, %add3A_714, %select_n3A_707 : vector<8x8192xi1>, vector<8x8192xi32>
    %slice3A_716 = vector.extract_strided_slice %dot_general3A_20 {offsets = [184, 0], sizes = [8, 8192], strides = [1, 1]} : vector<512x8192xf32> to vector<8x8192xf32>
    %gt3A_717 = arith.cmpf ogt, %slice3A_716, %select_n3A_710 : vector<8x8192xf32>
    %select_n3A_718 = arith.select %gt3A_717, %slice3A_716, %select_n3A_710 : vector<8x8192xi1>, vector<8x8192xf32>
    %add3A_719 = arith.constant 184 : i32
    %add3A_720 = arith.addi %add3A_536, %add3A_719 : i32
    %add3A_721 = vector.broadcast %add3A_720 : i32 to vector<8x8192xi32>
    %add3A_722 = arith.addi %iota3A, %add3A_721 : vector<8x8192xi32>
    %select_n3A_723 = arith.select %gt3A_717, %add3A_722, %select_n3A_715 : vector<8x8192xi1>, vector<8x8192xi32>
    %slice3A_724 = vector.extract_strided_slice %dot_general3A_20 {offsets = [192, 0], sizes = [8, 8192], strides = [1, 1]} : vector<512x8192xf32> to vector<8x8192xf32>
    %gt3A_725 = arith.cmpf ogt, %slice3A_724, %select_n3A_718 : vector<8x8192xf32>
    %select_n3A_726 = arith.select %gt3A_725, %slice3A_724, %select_n3A_718 : vector<8x8192xi1>, vector<8x8192xf32>
    %add3A_727 = arith.constant 192 : i32
    %add3A_728 = arith.addi %add3A_536, %add3A_727 : i32
    %add3A_729 = vector.broadcast %add3A_728 : i32 to vector<8x8192xi32>
    %add3A_730 = arith.addi %iota3A, %add3A_729 : vector<8x8192xi32>
    %select_n3A_731 = arith.select %gt3A_725, %add3A_730, %select_n3A_723 : vector<8x8192xi1>, vector<8x8192xi32>
    %slice3A_732 = vector.extract_strided_slice %dot_general3A_20 {offsets = [200, 0], sizes = [8, 8192], strides = [1, 1]} : vector<512x8192xf32> to vector<8x8192xf32>
    %gt3A_733 = arith.cmpf ogt, %slice3A_732, %select_n3A_726 : vector<8x8192xf32>
    %select_n3A_734 = arith.select %gt3A_733, %slice3A_732, %select_n3A_726 : vector<8x8192xi1>, vector<8x8192xf32>
    %add3A_735 = arith.constant 200 : i32
    %add3A_736 = arith.addi %add3A_536, %add3A_735 : i32
    %add3A_737 = vector.broadcast %add3A_736 : i32 to vector<8x8192xi32>
    %add3A_738 = arith.addi %iota3A, %add3A_737 : vector<8x8192xi32>
    %select_n3A_739 = arith.select %gt3A_733, %add3A_738, %select_n3A_731 : vector<8x8192xi1>, vector<8x8192xi32>
    %slice3A_740 = vector.extract_strided_slice %dot_general3A_20 {offsets = [208, 0], sizes = [8, 8192], strides = [1, 1]} : vector<512x8192xf32> to vector<8x8192xf32>
    %gt3A_741 = arith.cmpf ogt, %slice3A_740, %select_n3A_734 : vector<8x8192xf32>
    %select_n3A_742 = arith.select %gt3A_741, %slice3A_740, %select_n3A_734 : vector<8x8192xi1>, vector<8x8192xf32>
    %add3A_743 = arith.constant 208 : i32
    %add3A_744 = arith.addi %add3A_536, %add3A_743 : i32
    %add3A_745 = vector.broadcast %add3A_744 : i32 to vector<8x8192xi32>
    %add3A_746 = arith.addi %iota3A, %add3A_745 : vector<8x8192xi32>
    %select_n3A_747 = arith.select %gt3A_741, %add3A_746, %select_n3A_739 : vector<8x8192xi1>, vector<8x8192xi32>
    %slice3A_748 = vector.extract_strided_slice %dot_general3A_20 {offsets = [216, 0], sizes = [8, 8192], strides = [1, 1]} : vector<512x8192xf32> to vector<8x8192xf32>
    %gt3A_749 = arith.cmpf ogt, %slice3A_748, %select_n3A_742 : vector<8x8192xf32>
    %select_n3A_750 = arith.select %gt3A_749, %slice3A_748, %select_n3A_742 : vector<8x8192xi1>, vector<8x8192xf32>
    %add3A_751 = arith.constant 216 : i32
    %add3A_752 = arith.addi %add3A_536, %add3A_751 : i32
    %add3A_753 = vector.broadcast %add3A_752 : i32 to vector<8x8192xi32>
    %add3A_754 = arith.addi %iota3A, %add3A_753 : vector<8x8192xi32>
    %select_n3A_755 = arith.select %gt3A_749, %add3A_754, %select_n3A_747 : vector<8x8192xi1>, vector<8x8192xi32>
    %slice3A_756 = vector.extract_strided_slice %dot_general3A_20 {offsets = [224, 0], sizes = [8, 8192], strides = [1, 1]} : vector<512x8192xf32> to vector<8x8192xf32>
    %gt3A_757 = arith.cmpf ogt, %slice3A_756, %select_n3A_750 : vector<8x8192xf32>
    %select_n3A_758 = arith.select %gt3A_757, %slice3A_756, %select_n3A_750 : vector<8x8192xi1>, vector<8x8192xf32>
    %add3A_759 = arith.constant 224 : i32
    %add3A_760 = arith.addi %add3A_536, %add3A_759 : i32
    %add3A_761 = vector.broadcast %add3A_760 : i32 to vector<8x8192xi32>
    %add3A_762 = arith.addi %iota3A, %add3A_761 : vector<8x8192xi32>
    %select_n3A_763 = arith.select %gt3A_757, %add3A_762, %select_n3A_755 : vector<8x8192xi1>, vector<8x8192xi32>
    %slice3A_764 = vector.extract_strided_slice %dot_general3A_20 {offsets = [232, 0], sizes = [8, 8192], strides = [1, 1]} : vector<512x8192xf32> to vector<8x8192xf32>
    %gt3A_765 = arith.cmpf ogt, %slice3A_764, %select_n3A_758 : vector<8x8192xf32>
    %select_n3A_766 = arith.select %gt3A_765, %slice3A_764, %select_n3A_758 : vector<8x8192xi1>, vector<8x8192xf32>
    %add3A_767 = arith.constant 232 : i32
    %add3A_768 = arith.addi %add3A_536, %add3A_767 : i32
    %add3A_769 = vector.broadcast %add3A_768 : i32 to vector<8x8192xi32>
    %add3A_770 = arith.addi %iota3A, %add3A_769 : vector<8x8192xi32>
    %select_n3A_771 = arith.select %gt3A_765, %add3A_770, %select_n3A_763 : vector<8x8192xi1>, vector<8x8192xi32>
    %slice3A_772 = vector.extract_strided_slice %dot_general3A_20 {offsets = [240, 0], sizes = [8, 8192], strides = [1, 1]} : vector<512x8192xf32> to vector<8x8192xf32>
    %gt3A_773 = arith.cmpf ogt, %slice3A_772, %select_n3A_766 : vector<8x8192xf32>
    %select_n3A_774 = arith.select %gt3A_773, %slice3A_772, %select_n3A_766 : vector<8x8192xi1>, vector<8x8192xf32>
    %add3A_775 = arith.constant 240 : i32
    %add3A_776 = arith.addi %add3A_536, %add3A_775 : i32
    %add3A_777 = vector.broadcast %add3A_776 : i32 to vector<8x8192xi32>
    %add3A_778 = arith.addi %iota3A, %add3A_777 : vector<8x8192xi32>
    %select_n3A_779 = arith.select %gt3A_773, %add3A_778, %select_n3A_771 : vector<8x8192xi1>, vector<8x8192xi32>
    %slice3A_780 = vector.extract_strided_slice %dot_general3A_20 {offsets = [248, 0], sizes = [8, 8192], strides = [1, 1]} : vector<512x8192xf32> to vector<8x8192xf32>
    %gt3A_781 = arith.cmpf ogt, %slice3A_780, %select_n3A_774 : vector<8x8192xf32>
    %select_n3A_782 = arith.select %gt3A_781, %slice3A_780, %select_n3A_774 : vector<8x8192xi1>, vector<8x8192xf32>
    %add3A_783 = arith.constant 248 : i32
    %add3A_784 = arith.addi %add3A_536, %add3A_783 : i32
    %add3A_785 = vector.broadcast %add3A_784 : i32 to vector<8x8192xi32>
    %add3A_786 = arith.addi %iota3A, %add3A_785 : vector<8x8192xi32>
    %select_n3A_787 = arith.select %gt3A_781, %add3A_786, %select_n3A_779 : vector<8x8192xi1>, vector<8x8192xi32>
    %slice3A_788 = vector.extract_strided_slice %dot_general3A_20 {offsets = [256, 0], sizes = [8, 8192], strides = [1, 1]} : vector<512x8192xf32> to vector<8x8192xf32>
    %gt3A_789 = arith.cmpf ogt, %slice3A_788, %select_n3A_782 : vector<8x8192xf32>
    %select_n3A_790 = arith.select %gt3A_789, %slice3A_788, %select_n3A_782 : vector<8x8192xi1>, vector<8x8192xf32>
    %add3A_791 = arith.constant 256 : i32
    %add3A_792 = arith.addi %add3A_536, %add3A_791 : i32
    %add3A_793 = vector.broadcast %add3A_792 : i32 to vector<8x8192xi32>
    %add3A_794 = arith.addi %iota3A, %add3A_793 : vector<8x8192xi32>
    %select_n3A_795 = arith.select %gt3A_789, %add3A_794, %select_n3A_787 : vector<8x8192xi1>, vector<8x8192xi32>
    %slice3A_796 = vector.extract_strided_slice %dot_general3A_20 {offsets = [264, 0], sizes = [8, 8192], strides = [1, 1]} : vector<512x8192xf32> to vector<8x8192xf32>
    %gt3A_797 = arith.cmpf ogt, %slice3A_796, %select_n3A_790 : vector<8x8192xf32>
    %select_n3A_798 = arith.select %gt3A_797, %slice3A_796, %select_n3A_790 : vector<8x8192xi1>, vector<8x8192xf32>
    %add3A_799 = arith.constant 264 : i32
    %add3A_800 = arith.addi %add3A_536, %add3A_799 : i32
    %add3A_801 = vector.broadcast %add3A_800 : i32 to vector<8x8192xi32>
    %add3A_802 = arith.addi %iota3A, %add3A_801 : vector<8x8192xi32>
    %select_n3A_803 = arith.select %gt3A_797, %add3A_802, %select_n3A_795 : vector<8x8192xi1>, vector<8x8192xi32>
    %slice3A_804 = vector.extract_strided_slice %dot_general3A_20 {offsets = [272, 0], sizes = [8, 8192], strides = [1, 1]} : vector<512x8192xf32> to vector<8x8192xf32>
    %gt3A_805 = arith.cmpf ogt, %slice3A_804, %select_n3A_798 : vector<8x8192xf32>
    %select_n3A_806 = arith.select %gt3A_805, %slice3A_804, %select_n3A_798 : vector<8x8192xi1>, vector<8x8192xf32>
    %add3A_807 = arith.constant 272 : i32
    %add3A_808 = arith.addi %add3A_536, %add3A_807 : i32
    %add3A_809 = vector.broadcast %add3A_808 : i32 to vector<8x8192xi32>
    %add3A_810 = arith.addi %iota3A, %add3A_809 : vector<8x8192xi32>
    %select_n3A_811 = arith.select %gt3A_805, %add3A_810, %select_n3A_803 : vector<8x8192xi1>, vector<8x8192xi32>
    %slice3A_812 = vector.extract_strided_slice %dot_general3A_20 {offsets = [280, 0], sizes = [8, 8192], strides = [1, 1]} : vector<512x8192xf32> to vector<8x8192xf32>
    %gt3A_813 = arith.cmpf ogt, %slice3A_812, %select_n3A_806 : vector<8x8192xf32>
    %select_n3A_814 = arith.select %gt3A_813, %slice3A_812, %select_n3A_806 : vector<8x8192xi1>, vector<8x8192xf32>
    %add3A_815 = arith.constant 280 : i32
    %add3A_816 = arith.addi %add3A_536, %add3A_815 : i32
    %add3A_817 = vector.broadcast %add3A_816 : i32 to vector<8x8192xi32>
    %add3A_818 = arith.addi %iota3A, %add3A_817 : vector<8x8192xi32>
    %select_n3A_819 = arith.select %gt3A_813, %add3A_818, %select_n3A_811 : vector<8x8192xi1>, vector<8x8192xi32>
    %slice3A_820 = vector.extract_strided_slice %dot_general3A_20 {offsets = [288, 0], sizes = [8, 8192], strides = [1, 1]} : vector<512x8192xf32> to vector<8x8192xf32>
    %gt3A_821 = arith.cmpf ogt, %slice3A_820, %select_n3A_814 : vector<8x8192xf32>
    %select_n3A_822 = arith.select %gt3A_821, %slice3A_820, %select_n3A_814 : vector<8x8192xi1>, vector<8x8192xf32>
    %add3A_823 = arith.constant 288 : i32
    %add3A_824 = arith.addi %add3A_536, %add3A_823 : i32
    %add3A_825 = vector.broadcast %add3A_824 : i32 to vector<8x8192xi32>
    %add3A_826 = arith.addi %iota3A, %add3A_825 : vector<8x8192xi32>
    %select_n3A_827 = arith.select %gt3A_821, %add3A_826, %select_n3A_819 : vector<8x8192xi1>, vector<8x8192xi32>
    %slice3A_828 = vector.extract_strided_slice %dot_general3A_20 {offsets = [296, 0], sizes = [8, 8192], strides = [1, 1]} : vector<512x8192xf32> to vector<8x8192xf32>
    %gt3A_829 = arith.cmpf ogt, %slice3A_828, %select_n3A_822 : vector<8x8192xf32>
    %select_n3A_830 = arith.select %gt3A_829, %slice3A_828, %select_n3A_822 : vector<8x8192xi1>, vector<8x8192xf32>
    %add3A_831 = arith.constant 296 : i32
    %add3A_832 = arith.addi %add3A_536, %add3A_831 : i32
    %add3A_833 = vector.broadcast %add3A_832 : i32 to vector<8x8192xi32>
    %add3A_834 = arith.addi %iota3A, %add3A_833 : vector<8x8192xi32>
    %select_n3A_835 = arith.select %gt3A_829, %add3A_834, %select_n3A_827 : vector<8x8192xi1>, vector<8x8192xi32>
    %slice3A_836 = vector.extract_strided_slice %dot_general3A_20 {offsets = [304, 0], sizes = [8, 8192], strides = [1, 1]} : vector<512x8192xf32> to vector<8x8192xf32>
    %gt3A_837 = arith.cmpf ogt, %slice3A_836, %select_n3A_830 : vector<8x8192xf32>
    %select_n3A_838 = arith.select %gt3A_837, %slice3A_836, %select_n3A_830 : vector<8x8192xi1>, vector<8x8192xf32>
    %add3A_839 = arith.constant 304 : i32
    %add3A_840 = arith.addi %add3A_536, %add3A_839 : i32
    %add3A_841 = vector.broadcast %add3A_840 : i32 to vector<8x8192xi32>
    %add3A_842 = arith.addi %iota3A, %add3A_841 : vector<8x8192xi32>
    %select_n3A_843 = arith.select %gt3A_837, %add3A_842, %select_n3A_835 : vector<8x8192xi1>, vector<8x8192xi32>
    %slice3A_844 = vector.extract_strided_slice %dot_general3A_20 {offsets = [312, 0], sizes = [8, 8192], strides = [1, 1]} : vector<512x8192xf32> to vector<8x8192xf32>
    %gt3A_845 = arith.cmpf ogt, %slice3A_844, %select_n3A_838 : vector<8x8192xf32>
    %select_n3A_846 = arith.select %gt3A_845, %slice3A_844, %select_n3A_838 : vector<8x8192xi1>, vector<8x8192xf32>
    %add3A_847 = arith.constant 312 : i32
    %add3A_848 = arith.addi %add3A_536, %add3A_847 : i32
    %add3A_849 = vector.broadcast %add3A_848 : i32 to vector<8x8192xi32>
    %add3A_850 = arith.addi %iota3A, %add3A_849 : vector<8x8192xi32>
    %select_n3A_851 = arith.select %gt3A_845, %add3A_850, %select_n3A_843 : vector<8x8192xi1>, vector<8x8192xi32>
    %slice3A_852 = vector.extract_strided_slice %dot_general3A_20 {offsets = [320, 0], sizes = [8, 8192], strides = [1, 1]} : vector<512x8192xf32> to vector<8x8192xf32>
    %gt3A_853 = arith.cmpf ogt, %slice3A_852, %select_n3A_846 : vector<8x8192xf32>
    %select_n3A_854 = arith.select %gt3A_853, %slice3A_852, %select_n3A_846 : vector<8x8192xi1>, vector<8x8192xf32>
    %add3A_855 = arith.constant 320 : i32
    %add3A_856 = arith.addi %add3A_536, %add3A_855 : i32
    %add3A_857 = vector.broadcast %add3A_856 : i32 to vector<8x8192xi32>
    %add3A_858 = arith.addi %iota3A, %add3A_857 : vector<8x8192xi32>
    %select_n3A_859 = arith.select %gt3A_853, %add3A_858, %select_n3A_851 : vector<8x8192xi1>, vector<8x8192xi32>
    %slice3A_860 = vector.extract_strided_slice %dot_general3A_20 {offsets = [328, 0], sizes = [8, 8192], strides = [1, 1]} : vector<512x8192xf32> to vector<8x8192xf32>
    %gt3A_861 = arith.cmpf ogt, %slice3A_860, %select_n3A_854 : vector<8x8192xf32>
    %select_n3A_862 = arith.select %gt3A_861, %slice3A_860, %select_n3A_854 : vector<8x8192xi1>, vector<8x8192xf32>
    %add3A_863 = arith.constant 328 : i32
    %add3A_864 = arith.addi %add3A_536, %add3A_863 : i32
    %add3A_865 = vector.broadcast %add3A_864 : i32 to vector<8x8192xi32>
    %add3A_866 = arith.addi %iota3A, %add3A_865 : vector<8x8192xi32>
    %select_n3A_867 = arith.select %gt3A_861, %add3A_866, %select_n3A_859 : vector<8x8192xi1>, vector<8x8192xi32>
    %slice3A_868 = vector.extract_strided_slice %dot_general3A_20 {offsets = [336, 0], sizes = [8, 8192], strides = [1, 1]} : vector<512x8192xf32> to vector<8x8192xf32>
    %gt3A_869 = arith.cmpf ogt, %slice3A_868, %select_n3A_862 : vector<8x8192xf32>
    %select_n3A_870 = arith.select %gt3A_869, %slice3A_868, %select_n3A_862 : vector<8x8192xi1>, vector<8x8192xf32>
    %add3A_871 = arith.constant 336 : i32
    %add3A_872 = arith.addi %add3A_536, %add3A_871 : i32
    %add3A_873 = vector.broadcast %add3A_872 : i32 to vector<8x8192xi32>
    %add3A_874 = arith.addi %iota3A, %add3A_873 : vector<8x8192xi32>
    %select_n3A_875 = arith.select %gt3A_869, %add3A_874, %select_n3A_867 : vector<8x8192xi1>, vector<8x8192xi32>
    %slice3A_876 = vector.extract_strided_slice %dot_general3A_20 {offsets = [344, 0], sizes = [8, 8192], strides = [1, 1]} : vector<512x8192xf32> to vector<8x8192xf32>
    %gt3A_877 = arith.cmpf ogt, %slice3A_876, %select_n3A_870 : vector<8x8192xf32>
    %select_n3A_878 = arith.select %gt3A_877, %slice3A_876, %select_n3A_870 : vector<8x8192xi1>, vector<8x8192xf32>
    %add3A_879 = arith.constant 344 : i32
    %add3A_880 = arith.addi %add3A_536, %add3A_879 : i32
    %add3A_881 = vector.broadcast %add3A_880 : i32 to vector<8x8192xi32>
    %add3A_882 = arith.addi %iota3A, %add3A_881 : vector<8x8192xi32>
    %select_n3A_883 = arith.select %gt3A_877, %add3A_882, %select_n3A_875 : vector<8x8192xi1>, vector<8x8192xi32>
    %slice3A_884 = vector.extract_strided_slice %dot_general3A_20 {offsets = [352, 0], sizes = [8, 8192], strides = [1, 1]} : vector<512x8192xf32> to vector<8x8192xf32>
    %gt3A_885 = arith.cmpf ogt, %slice3A_884, %select_n3A_878 : vector<8x8192xf32>
    %select_n3A_886 = arith.select %gt3A_885, %slice3A_884, %select_n3A_878 : vector<8x8192xi1>, vector<8x8192xf32>
    %add3A_887 = arith.constant 352 : i32
    %add3A_888 = arith.addi %add3A_536, %add3A_887 : i32
    %add3A_889 = vector.broadcast %add3A_888 : i32 to vector<8x8192xi32>
    %add3A_890 = arith.addi %iota3A, %add3A_889 : vector<8x8192xi32>
    %select_n3A_891 = arith.select %gt3A_885, %add3A_890, %select_n3A_883 : vector<8x8192xi1>, vector<8x8192xi32>
    %slice3A_892 = vector.extract_strided_slice %dot_general3A_20 {offsets = [360, 0], sizes = [8, 8192], strides = [1, 1]} : vector<512x8192xf32> to vector<8x8192xf32>
    %gt3A_893 = arith.cmpf ogt, %slice3A_892, %select_n3A_886 : vector<8x8192xf32>
    %select_n3A_894 = arith.select %gt3A_893, %slice3A_892, %select_n3A_886 : vector<8x8192xi1>, vector<8x8192xf32>
    %add3A_895 = arith.constant 360 : i32
    %add3A_896 = arith.addi %add3A_536, %add3A_895 : i32
    %add3A_897 = vector.broadcast %add3A_896 : i32 to vector<8x8192xi32>
    %add3A_898 = arith.addi %iota3A, %add3A_897 : vector<8x8192xi32>
    %select_n3A_899 = arith.select %gt3A_893, %add3A_898, %select_n3A_891 : vector<8x8192xi1>, vector<8x8192xi32>
    %slice3A_900 = vector.extract_strided_slice %dot_general3A_20 {offsets = [368, 0], sizes = [8, 8192], strides = [1, 1]} : vector<512x8192xf32> to vector<8x8192xf32>
    %gt3A_901 = arith.cmpf ogt, %slice3A_900, %select_n3A_894 : vector<8x8192xf32>
    %select_n3A_902 = arith.select %gt3A_901, %slice3A_900, %select_n3A_894 : vector<8x8192xi1>, vector<8x8192xf32>
    %add3A_903 = arith.constant 368 : i32
    %add3A_904 = arith.addi %add3A_536, %add3A_903 : i32
    %add3A_905 = vector.broadcast %add3A_904 : i32 to vector<8x8192xi32>
    %add3A_906 = arith.addi %iota3A, %add3A_905 : vector<8x8192xi32>
    %select_n3A_907 = arith.select %gt3A_901, %add3A_906, %select_n3A_899 : vector<8x8192xi1>, vector<8x8192xi32>
    %slice3A_908 = vector.extract_strided_slice %dot_general3A_20 {offsets = [376, 0], sizes = [8, 8192], strides = [1, 1]} : vector<512x8192xf32> to vector<8x8192xf32>
    %gt3A_909 = arith.cmpf ogt, %slice3A_908, %select_n3A_902 : vector<8x8192xf32>
    %select_n3A_910 = arith.select %gt3A_909, %slice3A_908, %select_n3A_902 : vector<8x8192xi1>, vector<8x8192xf32>
    %add3A_911 = arith.constant 376 : i32
    %add3A_912 = arith.addi %add3A_536, %add3A_911 : i32
    %add3A_913 = vector.broadcast %add3A_912 : i32 to vector<8x8192xi32>
    %add3A_914 = arith.addi %iota3A, %add3A_913 : vector<8x8192xi32>
    %select_n3A_915 = arith.select %gt3A_909, %add3A_914, %select_n3A_907 : vector<8x8192xi1>, vector<8x8192xi32>
    %slice3A_916 = vector.extract_strided_slice %dot_general3A_20 {offsets = [384, 0], sizes = [8, 8192], strides = [1, 1]} : vector<512x8192xf32> to vector<8x8192xf32>
    %gt3A_917 = arith.cmpf ogt, %slice3A_916, %select_n3A_910 : vector<8x8192xf32>
    %select_n3A_918 = arith.select %gt3A_917, %slice3A_916, %select_n3A_910 : vector<8x8192xi1>, vector<8x8192xf32>
    %add3A_919 = arith.constant 384 : i32
    %add3A_920 = arith.addi %add3A_536, %add3A_919 : i32
    %add3A_921 = vector.broadcast %add3A_920 : i32 to vector<8x8192xi32>
    %add3A_922 = arith.addi %iota3A, %add3A_921 : vector<8x8192xi32>
    %select_n3A_923 = arith.select %gt3A_917, %add3A_922, %select_n3A_915 : vector<8x8192xi1>, vector<8x8192xi32>
    %slice3A_924 = vector.extract_strided_slice %dot_general3A_20 {offsets = [392, 0], sizes = [8, 8192], strides = [1, 1]} : vector<512x8192xf32> to vector<8x8192xf32>
    %gt3A_925 = arith.cmpf ogt, %slice3A_924, %select_n3A_918 : vector<8x8192xf32>
    %select_n3A_926 = arith.select %gt3A_925, %slice3A_924, %select_n3A_918 : vector<8x8192xi1>, vector<8x8192xf32>
    %add3A_927 = arith.constant 392 : i32
    %add3A_928 = arith.addi %add3A_536, %add3A_927 : i32
    %add3A_929 = vector.broadcast %add3A_928 : i32 to vector<8x8192xi32>
    %add3A_930 = arith.addi %iota3A, %add3A_929 : vector<8x8192xi32>
    %select_n3A_931 = arith.select %gt3A_925, %add3A_930, %select_n3A_923 : vector<8x8192xi1>, vector<8x8192xi32>
    %slice3A_932 = vector.extract_strided_slice %dot_general3A_20 {offsets = [400, 0], sizes = [8, 8192], strides = [1, 1]} : vector<512x8192xf32> to vector<8x8192xf32>
    %gt3A_933 = arith.cmpf ogt, %slice3A_932, %select_n3A_926 : vector<8x8192xf32>
    %select_n3A_934 = arith.select %gt3A_933, %slice3A_932, %select_n3A_926 : vector<8x8192xi1>, vector<8x8192xf32>
    %add3A_935 = arith.constant 400 : i32
    %add3A_936 = arith.addi %add3A_536, %add3A_935 : i32
    %add3A_937 = vector.broadcast %add3A_936 : i32 to vector<8x8192xi32>
    %add3A_938 = arith.addi %iota3A, %add3A_937 : vector<8x8192xi32>
    %select_n3A_939 = arith.select %gt3A_933, %add3A_938, %select_n3A_931 : vector<8x8192xi1>, vector<8x8192xi32>
    %slice3A_940 = vector.extract_strided_slice %dot_general3A_20 {offsets = [408, 0], sizes = [8, 8192], strides = [1, 1]} : vector<512x8192xf32> to vector<8x8192xf32>
    %gt3A_941 = arith.cmpf ogt, %slice3A_940, %select_n3A_934 : vector<8x8192xf32>
    %select_n3A_942 = arith.select %gt3A_941, %slice3A_940, %select_n3A_934 : vector<8x8192xi1>, vector<8x8192xf32>
    %add3A_943 = arith.constant 408 : i32
    %add3A_944 = arith.addi %add3A_536, %add3A_943 : i32
    %add3A_945 = vector.broadcast %add3A_944 : i32 to vector<8x8192xi32>
    %add3A_946 = arith.addi %iota3A, %add3A_945 : vector<8x8192xi32>
    %select_n3A_947 = arith.select %gt3A_941, %add3A_946, %select_n3A_939 : vector<8x8192xi1>, vector<8x8192xi32>
    %slice3A_948 = vector.extract_strided_slice %dot_general3A_20 {offsets = [416, 0], sizes = [8, 8192], strides = [1, 1]} : vector<512x8192xf32> to vector<8x8192xf32>
    %gt3A_949 = arith.cmpf ogt, %slice3A_948, %select_n3A_942 : vector<8x8192xf32>
    %select_n3A_950 = arith.select %gt3A_949, %slice3A_948, %select_n3A_942 : vector<8x8192xi1>, vector<8x8192xf32>
    %add3A_951 = arith.constant 416 : i32
    %add3A_952 = arith.addi %add3A_536, %add3A_951 : i32
    %add3A_953 = vector.broadcast %add3A_952 : i32 to vector<8x8192xi32>
    %add3A_954 = arith.addi %iota3A, %add3A_953 : vector<8x8192xi32>
    %select_n3A_955 = arith.select %gt3A_949, %add3A_954, %select_n3A_947 : vector<8x8192xi1>, vector<8x8192xi32>
    %slice3A_956 = vector.extract_strided_slice %dot_general3A_20 {offsets = [424, 0], sizes = [8, 8192], strides = [1, 1]} : vector<512x8192xf32> to vector<8x8192xf32>
    %gt3A_957 = arith.cmpf ogt, %slice3A_956, %select_n3A_950 : vector<8x8192xf32>
    %select_n3A_958 = arith.select %gt3A_957, %slice3A_956, %select_n3A_950 : vector<8x8192xi1>, vector<8x8192xf32>
    %add3A_959 = arith.constant 424 : i32
    %add3A_960 = arith.addi %add3A_536, %add3A_959 : i32
    %add3A_961 = vector.broadcast %add3A_960 : i32 to vector<8x8192xi32>
    %add3A_962 = arith.addi %iota3A, %add3A_961 : vector<8x8192xi32>
    %select_n3A_963 = arith.select %gt3A_957, %add3A_962, %select_n3A_955 : vector<8x8192xi1>, vector<8x8192xi32>
    %slice3A_964 = vector.extract_strided_slice %dot_general3A_20 {offsets = [432, 0], sizes = [8, 8192], strides = [1, 1]} : vector<512x8192xf32> to vector<8x8192xf32>
    %gt3A_965 = arith.cmpf ogt, %slice3A_964, %select_n3A_958 : vector<8x8192xf32>
    %select_n3A_966 = arith.select %gt3A_965, %slice3A_964, %select_n3A_958 : vector<8x8192xi1>, vector<8x8192xf32>
    %add3A_967 = arith.constant 432 : i32
    %add3A_968 = arith.addi %add3A_536, %add3A_967 : i32
    %add3A_969 = vector.broadcast %add3A_968 : i32 to vector<8x8192xi32>
    %add3A_970 = arith.addi %iota3A, %add3A_969 : vector<8x8192xi32>
    %select_n3A_971 = arith.select %gt3A_965, %add3A_970, %select_n3A_963 : vector<8x8192xi1>, vector<8x8192xi32>
    %slice3A_972 = vector.extract_strided_slice %dot_general3A_20 {offsets = [440, 0], sizes = [8, 8192], strides = [1, 1]} : vector<512x8192xf32> to vector<8x8192xf32>
    %gt3A_973 = arith.cmpf ogt, %slice3A_972, %select_n3A_966 : vector<8x8192xf32>
    %select_n3A_974 = arith.select %gt3A_973, %slice3A_972, %select_n3A_966 : vector<8x8192xi1>, vector<8x8192xf32>
    %add3A_975 = arith.constant 440 : i32
    %add3A_976 = arith.addi %add3A_536, %add3A_975 : i32
    %add3A_977 = vector.broadcast %add3A_976 : i32 to vector<8x8192xi32>
    %add3A_978 = arith.addi %iota3A, %add3A_977 : vector<8x8192xi32>
    %select_n3A_979 = arith.select %gt3A_973, %add3A_978, %select_n3A_971 : vector<8x8192xi1>, vector<8x8192xi32>
    %slice3A_980 = vector.extract_strided_slice %dot_general3A_20 {offsets = [448, 0], sizes = [8, 8192], strides = [1, 1]} : vector<512x8192xf32> to vector<8x8192xf32>
    %gt3A_981 = arith.cmpf ogt, %slice3A_980, %select_n3A_974 : vector<8x8192xf32>
    %select_n3A_982 = arith.select %gt3A_981, %slice3A_980, %select_n3A_974 : vector<8x8192xi1>, vector<8x8192xf32>
    %add3A_983 = arith.constant 448 : i32
    %add3A_984 = arith.addi %add3A_536, %add3A_983 : i32
    %add3A_985 = vector.broadcast %add3A_984 : i32 to vector<8x8192xi32>
    %add3A_986 = arith.addi %iota3A, %add3A_985 : vector<8x8192xi32>
    %select_n3A_987 = arith.select %gt3A_981, %add3A_986, %select_n3A_979 : vector<8x8192xi1>, vector<8x8192xi32>
    %slice3A_988 = vector.extract_strided_slice %dot_general3A_20 {offsets = [456, 0], sizes = [8, 8192], strides = [1, 1]} : vector<512x8192xf32> to vector<8x8192xf32>
    %gt3A_989 = arith.cmpf ogt, %slice3A_988, %select_n3A_982 : vector<8x8192xf32>
    %select_n3A_990 = arith.select %gt3A_989, %slice3A_988, %select_n3A_982 : vector<8x8192xi1>, vector<8x8192xf32>
    %add3A_991 = arith.constant 456 : i32
    %add3A_992 = arith.addi %add3A_536, %add3A_991 : i32
    %add3A_993 = vector.broadcast %add3A_992 : i32 to vector<8x8192xi32>
    %add3A_994 = arith.addi %iota3A, %add3A_993 : vector<8x8192xi32>
    %select_n3A_995 = arith.select %gt3A_989, %add3A_994, %select_n3A_987 : vector<8x8192xi1>, vector<8x8192xi32>
    %slice3A_996 = vector.extract_strided_slice %dot_general3A_20 {offsets = [464, 0], sizes = [8, 8192], strides = [1, 1]} : vector<512x8192xf32> to vector<8x8192xf32>
    %gt3A_997 = arith.cmpf ogt, %slice3A_996, %select_n3A_990 : vector<8x8192xf32>
    %select_n3A_998 = arith.select %gt3A_997, %slice3A_996, %select_n3A_990 : vector<8x8192xi1>, vector<8x8192xf32>
    %add3A_999 = arith.constant 464 : i32
    %add3A_1000 = arith.addi %add3A_536, %add3A_999 : i32
    %add3A_1001 = vector.broadcast %add3A_1000 : i32 to vector<8x8192xi32>
    %add3A_1002 = arith.addi %iota3A, %add3A_1001 : vector<8x8192xi32>
    %select_n3A_1003 = arith.select %gt3A_997, %add3A_1002, %select_n3A_995 : vector<8x8192xi1>, vector<8x8192xi32>
    %slice3A_1004 = vector.extract_strided_slice %dot_general3A_20 {offsets = [472, 0], sizes = [8, 8192], strides = [1, 1]} : vector<512x8192xf32> to vector<8x8192xf32>
    %gt3A_1005 = arith.cmpf ogt, %slice3A_1004, %select_n3A_998 : vector<8x8192xf32>
    %select_n3A_1006 = arith.select %gt3A_1005, %slice3A_1004, %select_n3A_998 : vector<8x8192xi1>, vector<8x8192xf32>
    %add3A_1007 = arith.constant 472 : i32
    %add3A_1008 = arith.addi %add3A_536, %add3A_1007 : i32
    %add3A_1009 = vector.broadcast %add3A_1008 : i32 to vector<8x8192xi32>
    %add3A_1010 = arith.addi %iota3A, %add3A_1009 : vector<8x8192xi32>
    %select_n3A_1011 = arith.select %gt3A_1005, %add3A_1010, %select_n3A_1003 : vector<8x8192xi1>, vector<8x8192xi32>
    %slice3A_1012 = vector.extract_strided_slice %dot_general3A_20 {offsets = [480, 0], sizes = [8, 8192], strides = [1, 1]} : vector<512x8192xf32> to vector<8x8192xf32>
    %gt3A_1013 = arith.cmpf ogt, %slice3A_1012, %select_n3A_1006 : vector<8x8192xf32>
    %select_n3A_1014 = arith.select %gt3A_1013, %slice3A_1012, %select_n3A_1006 : vector<8x8192xi1>, vector<8x8192xf32>
    %add3A_1015 = arith.constant 480 : i32
    %add3A_1016 = arith.addi %add3A_536, %add3A_1015 : i32
    %add3A_1017 = vector.broadcast %add3A_1016 : i32 to vector<8x8192xi32>
    %add3A_1018 = arith.addi %iota3A, %add3A_1017 : vector<8x8192xi32>
    %select_n3A_1019 = arith.select %gt3A_1013, %add3A_1018, %select_n3A_1011 : vector<8x8192xi1>, vector<8x8192xi32>
    %slice3A_1020 = vector.extract_strided_slice %dot_general3A_20 {offsets = [488, 0], sizes = [8, 8192], strides = [1, 1]} : vector<512x8192xf32> to vector<8x8192xf32>
    %gt3A_1021 = arith.cmpf ogt, %slice3A_1020, %select_n3A_1014 : vector<8x8192xf32>
    %select_n3A_1022 = arith.select %gt3A_1021, %slice3A_1020, %select_n3A_1014 : vector<8x8192xi1>, vector<8x8192xf32>
    %add3A_1023 = arith.constant 488 : i32
    %add3A_1024 = arith.addi %add3A_536, %add3A_1023 : i32
    %add3A_1025 = vector.broadcast %add3A_1024 : i32 to vector<8x8192xi32>
    %add3A_1026 = arith.addi %iota3A, %add3A_1025 : vector<8x8192xi32>
    %select_n3A_1027 = arith.select %gt3A_1021, %add3A_1026, %select_n3A_1019 : vector<8x8192xi1>, vector<8x8192xi32>
    %slice3A_1028 = vector.extract_strided_slice %dot_general3A_20 {offsets = [496, 0], sizes = [8, 8192], strides = [1, 1]} : vector<512x8192xf32> to vector<8x8192xf32>
    %gt3A_1029 = arith.cmpf ogt, %slice3A_1028, %select_n3A_1022 : vector<8x8192xf32>
    %select_n3A_1030 = arith.select %gt3A_1029, %slice3A_1028, %select_n3A_1022 : vector<8x8192xi1>, vector<8x8192xf32>
    %add3A_1031 = arith.constant 496 : i32
    %add3A_1032 = arith.addi %add3A_536, %add3A_1031 : i32
    %add3A_1033 = vector.broadcast %add3A_1032 : i32 to vector<8x8192xi32>
    %add3A_1034 = arith.addi %iota3A, %add3A_1033 : vector<8x8192xi32>
    %select_n3A_1035 = arith.select %gt3A_1029, %add3A_1034, %select_n3A_1027 : vector<8x8192xi1>, vector<8x8192xi32>
    %slice3A_1036 = vector.extract_strided_slice %dot_general3A_20 {offsets = [504, 0], sizes = [8, 8192], strides = [1, 1]} : vector<512x8192xf32> to vector<8x8192xf32>
    %gt3A_1037 = arith.cmpf ogt, %slice3A_1036, %select_n3A_1030 : vector<8x8192xf32>
    %select_n3A_1038 = arith.select %gt3A_1037, %slice3A_1036, %select_n3A_1030 : vector<8x8192xi1>, vector<8x8192xf32>
    %add3A_1039 = arith.constant 504 : i32
    %add3A_1040 = arith.addi %add3A_536, %add3A_1039 : i32
    %add3A_1041 = vector.broadcast %add3A_1040 : i32 to vector<8x8192xi32>
    %add3A_1042 = arith.addi %iota3A, %add3A_1041 : vector<8x8192xi32>
    %select_n3A_1043 = arith.select %gt3A_1037, %add3A_1042, %select_n3A_1035 : vector<8x8192xi1>, vector<8x8192xi32>
    %gt3A_1044 = arith.cmpf ogt, %select_n3A_1038, %select_n3A_522 : vector<8x8192xf32>
    %select_n3A_1045 = arith.select %gt3A_1044, %select_n3A_1038, %select_n3A_522 : vector<8x8192xi1>, vector<8x8192xf32>
    %select_n3A_1046 = arith.select %gt3A_1044, %select_n3A_1043, %select_n3A_527 : vector<8x8192xi1>, vector<8x8192xi32>
    %get3A_1047 = arith.constant 1536 : index
    %get3A_1048 = arith.constant 0 : index
    %get3A_1049 = vector.load %arg8[%get3A_1047, %get3A_1048] : memref<2048x256xbf16, #tpu.memory_space<vmem>>, vector<512x256xbf16>
    %dot_general3A_1050 = arith.constant dense<0.000000e+00> : vector<512x8192xf32>
    %dot_general3A_1051 = tpu.matmul %get3A_1049, %get3A_11, %dot_general3A_1050 {dimension_numbers = #tpu.dot_dimension_numbers<[1], [1], [0], [0], [0, 0, 1, 0], [], []>, transpose_lhs_hint = false} : vector<512x256xbf16>, vector<8192x256xbf16>, vector<512x8192xf32> -> vector<512x8192xf32>
    %mul3A_1052 = arith.constant 2048 : i32
    %mul3A_1053 = arith.muli %arg0, %mul3A_1052 : i32
    %add3A_1054 = arith.constant 1024 : i32
    %add3A_1055 = arith.addi %mul3A_1053, %add3A_1054 : i32
    %slice3A_1056 = vector.extract_strided_slice %dot_general3A_532 {offsets = [0, 0], sizes = [8, 8192], strides = [1, 1]} : vector<512x8192xf32> to vector<8x8192xf32>
    %add3A_1057 = vector.broadcast %add3A_1055 : i32 to vector<8x8192xi32>
    %add3A_1058 = arith.addi %iota3A, %add3A_1057 : vector<8x8192xi32>
    %slice3A_1059 = vector.extract_strided_slice %dot_general3A_532 {offsets = [8, 0], sizes = [8, 8192], strides = [1, 1]} : vector<512x8192xf32> to vector<8x8192xf32>
    %gt3A_1060 = arith.cmpf ogt, %slice3A_1059, %slice3A_1056 : vector<8x8192xf32>
    %select_n3A_1061 = arith.select %gt3A_1060, %slice3A_1059, %slice3A_1056 : vector<8x8192xi1>, vector<8x8192xf32>
    %add3A_1062 = arith.constant 8 : i32
    %add3A_1063 = arith.addi %add3A_1055, %add3A_1062 : i32
    %add3A_1064 = vector.broadcast %add3A_1063 : i32 to vector<8x8192xi32>
    %add3A_1065 = arith.addi %iota3A, %add3A_1064 : vector<8x8192xi32>
    %select_n3A_1066 = arith.select %gt3A_1060, %add3A_1065, %add3A_1058 : vector<8x8192xi1>, vector<8x8192xi32>
    %slice3A_1067 = vector.extract_strided_slice %dot_general3A_532 {offsets = [16, 0], sizes = [8, 8192], strides = [1, 1]} : vector<512x8192xf32> to vector<8x8192xf32>
    %gt3A_1068 = arith.cmpf ogt, %slice3A_1067, %select_n3A_1061 : vector<8x8192xf32>
    %select_n3A_1069 = arith.select %gt3A_1068, %slice3A_1067, %select_n3A_1061 : vector<8x8192xi1>, vector<8x8192xf32>
    %add3A_1070 = arith.constant 16 : i32
    %add3A_1071 = arith.addi %add3A_1055, %add3A_1070 : i32
    %add3A_1072 = vector.broadcast %add3A_1071 : i32 to vector<8x8192xi32>
    %add3A_1073 = arith.addi %iota3A, %add3A_1072 : vector<8x8192xi32>
    %select_n3A_1074 = arith.select %gt3A_1068, %add3A_1073, %select_n3A_1066 : vector<8x8192xi1>, vector<8x8192xi32>
    %slice3A_1075 = vector.extract_strided_slice %dot_general3A_532 {offsets = [24, 0], sizes = [8, 8192], strides = [1, 1]} : vector<512x8192xf32> to vector<8x8192xf32>
    %gt3A_1076 = arith.cmpf ogt, %slice3A_1075, %select_n3A_1069 : vector<8x8192xf32>
    %select_n3A_1077 = arith.select %gt3A_1076, %slice3A_1075, %select_n3A_1069 : vector<8x8192xi1>, vector<8x8192xf32>
    %add3A_1078 = arith.constant 24 : i32
    %add3A_1079 = arith.addi %add3A_1055, %add3A_1078 : i32
    %add3A_1080 = vector.broadcast %add3A_1079 : i32 to vector<8x8192xi32>
    %add3A_1081 = arith.addi %iota3A, %add3A_1080 : vector<8x8192xi32>
    %select_n3A_1082 = arith.select %gt3A_1076, %add3A_1081, %select_n3A_1074 : vector<8x8192xi1>, vector<8x8192xi32>
    %slice3A_1083 = vector.extract_strided_slice %dot_general3A_532 {offsets = [32, 0], sizes = [8, 8192], strides = [1, 1]} : vector<512x8192xf32> to vector<8x8192xf32>
    %gt3A_1084 = arith.cmpf ogt, %slice3A_1083, %select_n3A_1077 : vector<8x8192xf32>
    %select_n3A_1085 = arith.select %gt3A_1084, %slice3A_1083, %select_n3A_1077 : vector<8x8192xi1>, vector<8x8192xf32>
    %add3A_1086 = arith.constant 32 : i32
    %add3A_1087 = arith.addi %add3A_1055, %add3A_1086 : i32
    %add3A_1088 = vector.broadcast %add3A_1087 : i32 to vector<8x8192xi32>
    %add3A_1089 = arith.addi %iota3A, %add3A_1088 : vector<8x8192xi32>
    %select_n3A_1090 = arith.select %gt3A_1084, %add3A_1089, %select_n3A_1082 : vector<8x8192xi1>, vector<8x8192xi32>
    %slice3A_1091 = vector.extract_strided_slice %dot_general3A_532 {offsets = [40, 0], sizes = [8, 8192], strides = [1, 1]} : vector<512x8192xf32> to vector<8x8192xf32>
    %gt3A_1092 = arith.cmpf ogt, %slice3A_1091, %select_n3A_1085 : vector<8x8192xf32>
    %select_n3A_1093 = arith.select %gt3A_1092, %slice3A_1091, %select_n3A_1085 : vector<8x8192xi1>, vector<8x8192xf32>
    %add3A_1094 = arith.constant 40 : i32
    %add3A_1095 = arith.addi %add3A_1055, %add3A_1094 : i32
    %add3A_1096 = vector.broadcast %add3A_1095 : i32 to vector<8x8192xi32>
    %add3A_1097 = arith.addi %iota3A, %add3A_1096 : vector<8x8192xi32>
    %select_n3A_1098 = arith.select %gt3A_1092, %add3A_1097, %select_n3A_1090 : vector<8x8192xi1>, vector<8x8192xi32>
    %slice3A_1099 = vector.extract_strided_slice %dot_general3A_532 {offsets = [48, 0], sizes = [8, 8192], strides = [1, 1]} : vector<512x8192xf32> to vector<8x8192xf32>
    %gt3A_1100 = arith.cmpf ogt, %slice3A_1099, %select_n3A_1093 : vector<8x8192xf32>
    %select_n3A_1101 = arith.select %gt3A_1100, %slice3A_1099, %select_n3A_1093 : vector<8x8192xi1>, vector<8x8192xf32>
    %add3A_1102 = arith.constant 48 : i32
    %add3A_1103 = arith.addi %add3A_1055, %add3A_1102 : i32
    %add3A_1104 = vector.broadcast %add3A_1103 : i32 to vector<8x8192xi32>
    %add3A_1105 = arith.addi %iota3A, %add3A_1104 : vector<8x8192xi32>
    %select_n3A_1106 = arith.select %gt3A_1100, %add3A_1105, %select_n3A_1098 : vector<8x8192xi1>, vector<8x8192xi32>
    %slice3A_1107 = vector.extract_strided_slice %dot_general3A_532 {offsets = [56, 0], sizes = [8, 8192], strides = [1, 1]} : vector<512x8192xf32> to vector<8x8192xf32>
    %gt3A_1108 = arith.cmpf ogt, %slice3A_1107, %select_n3A_1101 : vector<8x8192xf32>
    %select_n3A_1109 = arith.select %gt3A_1108, %slice3A_1107, %select_n3A_1101 : vector<8x8192xi1>, vector<8x8192xf32>
    %add3A_1110 = arith.constant 56 : i32
    %add3A_1111 = arith.addi %add3A_1055, %add3A_1110 : i32
    %add3A_1112 = vector.broadcast %add3A_1111 : i32 to vector<8x8192xi32>
    %add3A_1113 = arith.addi %iota3A, %add3A_1112 : vector<8x8192xi32>
    %select_n3A_1114 = arith.select %gt3A_1108, %add3A_1113, %select_n3A_1106 : vector<8x8192xi1>, vector<8x8192xi32>
    %slice3A_1115 = vector.extract_strided_slice %dot_general3A_532 {offsets = [64, 0], sizes = [8, 8192], strides = [1, 1]} : vector<512x8192xf32> to vector<8x8192xf32>
    %gt3A_1116 = arith.cmpf ogt, %slice3A_1115, %select_n3A_1109 : vector<8x8192xf32>
    %select_n3A_1117 = arith.select %gt3A_1116, %slice3A_1115, %select_n3A_1109 : vector<8x8192xi1>, vector<8x8192xf32>
    %add3A_1118 = arith.constant 64 : i32
    %add3A_1119 = arith.addi %add3A_1055, %add3A_1118 : i32
    %add3A_1120 = vector.broadcast %add3A_1119 : i32 to vector<8x8192xi32>
    %add3A_1121 = arith.addi %iota3A, %add3A_1120 : vector<8x8192xi32>
    %select_n3A_1122 = arith.select %gt3A_1116, %add3A_1121, %select_n3A_1114 : vector<8x8192xi1>, vector<8x8192xi32>
    %slice3A_1123 = vector.extract_strided_slice %dot_general3A_532 {offsets = [72, 0], sizes = [8, 8192], strides = [1, 1]} : vector<512x8192xf32> to vector<8x8192xf32>
    %gt3A_1124 = arith.cmpf ogt, %slice3A_1123, %select_n3A_1117 : vector<8x8192xf32>
    %select_n3A_1125 = arith.select %gt3A_1124, %slice3A_1123, %select_n3A_1117 : vector<8x8192xi1>, vector<8x8192xf32>
    %add3A_1126 = arith.constant 72 : i32
    %add3A_1127 = arith.addi %add3A_1055, %add3A_1126 : i32
    %add3A_1128 = vector.broadcast %add3A_1127 : i32 to vector<8x8192xi32>
    %add3A_1129 = arith.addi %iota3A, %add3A_1128 : vector<8x8192xi32>
    %select_n3A_1130 = arith.select %gt3A_1124, %add3A_1129, %select_n3A_1122 : vector<8x8192xi1>, vector<8x8192xi32>
    %slice3A_1131 = vector.extract_strided_slice %dot_general3A_532 {offsets = [80, 0], sizes = [8, 8192], strides = [1, 1]} : vector<512x8192xf32> to vector<8x8192xf32>
    %gt3A_1132 = arith.cmpf ogt, %slice3A_1131, %select_n3A_1125 : vector<8x8192xf32>
    %select_n3A_1133 = arith.select %gt3A_1132, %slice3A_1131, %select_n3A_1125 : vector<8x8192xi1>, vector<8x8192xf32>
    %add3A_1134 = arith.constant 80 : i32
    %add3A_1135 = arith.addi %add3A_1055, %add3A_1134 : i32
    %add3A_1136 = vector.broadcast %add3A_1135 : i32 to vector<8x8192xi32>
    %add3A_1137 = arith.addi %iota3A, %add3A_1136 : vector<8x8192xi32>
    %select_n3A_1138 = arith.select %gt3A_1132, %add3A_1137, %select_n3A_1130 : vector<8x8192xi1>, vector<8x8192xi32>
    %slice3A_1139 = vector.extract_strided_slice %dot_general3A_532 {offsets = [88, 0], sizes = [8, 8192], strides = [1, 1]} : vector<512x8192xf32> to vector<8x8192xf32>
    %gt3A_1140 = arith.cmpf ogt, %slice3A_1139, %select_n3A_1133 : vector<8x8192xf32>
    %select_n3A_1141 = arith.select %gt3A_1140, %slice3A_1139, %select_n3A_1133 : vector<8x8192xi1>, vector<8x8192xf32>
    %add3A_1142 = arith.constant 88 : i32
    %add3A_1143 = arith.addi %add3A_1055, %add3A_1142 : i32
    %add3A_1144 = vector.broadcast %add3A_1143 : i32 to vector<8x8192xi32>
    %add3A_1145 = arith.addi %iota3A, %add3A_1144 : vector<8x8192xi32>
    %select_n3A_1146 = arith.select %gt3A_1140, %add3A_1145, %select_n3A_1138 : vector<8x8192xi1>, vector<8x8192xi32>
    %slice3A_1147 = vector.extract_strided_slice %dot_general3A_532 {offsets = [96, 0], sizes = [8, 8192], strides = [1, 1]} : vector<512x8192xf32> to vector<8x8192xf32>
    %gt3A_1148 = arith.cmpf ogt, %slice3A_1147, %select_n3A_1141 : vector<8x8192xf32>
    %select_n3A_1149 = arith.select %gt3A_1148, %slice3A_1147, %select_n3A_1141 : vector<8x8192xi1>, vector<8x8192xf32>
    %add3A_1150 = arith.constant 96 : i32
    %add3A_1151 = arith.addi %add3A_1055, %add3A_1150 : i32
    %add3A_1152 = vector.broadcast %add3A_1151 : i32 to vector<8x8192xi32>
    %add3A_1153 = arith.addi %iota3A, %add3A_1152 : vector<8x8192xi32>
    %select_n3A_1154 = arith.select %gt3A_1148, %add3A_1153, %select_n3A_1146 : vector<8x8192xi1>, vector<8x8192xi32>
    %slice3A_1155 = vector.extract_strided_slice %dot_general3A_532 {offsets = [104, 0], sizes = [8, 8192], strides = [1, 1]} : vector<512x8192xf32> to vector<8x8192xf32>
    %gt3A_1156 = arith.cmpf ogt, %slice3A_1155, %select_n3A_1149 : vector<8x8192xf32>
    %select_n3A_1157 = arith.select %gt3A_1156, %slice3A_1155, %select_n3A_1149 : vector<8x8192xi1>, vector<8x8192xf32>
    %add3A_1158 = arith.constant 104 : i32
    %add3A_1159 = arith.addi %add3A_1055, %add3A_1158 : i32
    %add3A_1160 = vector.broadcast %add3A_1159 : i32 to vector<8x8192xi32>
    %add3A_1161 = arith.addi %iota3A, %add3A_1160 : vector<8x8192xi32>
    %select_n3A_1162 = arith.select %gt3A_1156, %add3A_1161, %select_n3A_1154 : vector<8x8192xi1>, vector<8x8192xi32>
    %slice3A_1163 = vector.extract_strided_slice %dot_general3A_532 {offsets = [112, 0], sizes = [8, 8192], strides = [1, 1]} : vector<512x8192xf32> to vector<8x8192xf32>
    %gt3A_1164 = arith.cmpf ogt, %slice3A_1163, %select_n3A_1157 : vector<8x8192xf32>
    %select_n3A_1165 = arith.select %gt3A_1164, %slice3A_1163, %select_n3A_1157 : vector<8x8192xi1>, vector<8x8192xf32>
    %add3A_1166 = arith.constant 112 : i32
    %add3A_1167 = arith.addi %add3A_1055, %add3A_1166 : i32
    %add3A_1168 = vector.broadcast %add3A_1167 : i32 to vector<8x8192xi32>
    %add3A_1169 = arith.addi %iota3A, %add3A_1168 : vector<8x8192xi32>
    %select_n3A_1170 = arith.select %gt3A_1164, %add3A_1169, %select_n3A_1162 : vector<8x8192xi1>, vector<8x8192xi32>
    %slice3A_1171 = vector.extract_strided_slice %dot_general3A_532 {offsets = [120, 0], sizes = [8, 8192], strides = [1, 1]} : vector<512x8192xf32> to vector<8x8192xf32>
    %gt3A_1172 = arith.cmpf ogt, %slice3A_1171, %select_n3A_1165 : vector<8x8192xf32>
    %select_n3A_1173 = arith.select %gt3A_1172, %slice3A_1171, %select_n3A_1165 : vector<8x8192xi1>, vector<8x8192xf32>
    %add3A_1174 = arith.constant 120 : i32
    %add3A_1175 = arith.addi %add3A_1055, %add3A_1174 : i32
    %add3A_1176 = vector.broadcast %add3A_1175 : i32 to vector<8x8192xi32>
    %add3A_1177 = arith.addi %iota3A, %add3A_1176 : vector<8x8192xi32>
    %select_n3A_1178 = arith.select %gt3A_1172, %add3A_1177, %select_n3A_1170 : vector<8x8192xi1>, vector<8x8192xi32>
    %slice3A_1179 = vector.extract_strided_slice %dot_general3A_532 {offsets = [128, 0], sizes = [8, 8192], strides = [1, 1]} : vector<512x8192xf32> to vector<8x8192xf32>
    %gt3A_1180 = arith.cmpf ogt, %slice3A_1179, %select_n3A_1173 : vector<8x8192xf32>
    %select_n3A_1181 = arith.select %gt3A_1180, %slice3A_1179, %select_n3A_1173 : vector<8x8192xi1>, vector<8x8192xf32>
    %add3A_1182 = arith.constant 128 : i32
    %add3A_1183 = arith.addi %add3A_1055, %add3A_1182 : i32
    %add3A_1184 = vector.broadcast %add3A_1183 : i32 to vector<8x8192xi32>
    %add3A_1185 = arith.addi %iota3A, %add3A_1184 : vector<8x8192xi32>
    %select_n3A_1186 = arith.select %gt3A_1180, %add3A_1185, %select_n3A_1178 : vector<8x8192xi1>, vector<8x8192xi32>
    %slice3A_1187 = vector.extract_strided_slice %dot_general3A_532 {offsets = [136, 0], sizes = [8, 8192], strides = [1, 1]} : vector<512x8192xf32> to vector<8x8192xf32>
    %gt3A_1188 = arith.cmpf ogt, %slice3A_1187, %select_n3A_1181 : vector<8x8192xf32>
    %select_n3A_1189 = arith.select %gt3A_1188, %slice3A_1187, %select_n3A_1181 : vector<8x8192xi1>, vector<8x8192xf32>
    %add3A_1190 = arith.constant 136 : i32
    %add3A_1191 = arith.addi %add3A_1055, %add3A_1190 : i32
    %add3A_1192 = vector.broadcast %add3A_1191 : i32 to vector<8x8192xi32>
    %add3A_1193 = arith.addi %iota3A, %add3A_1192 : vector<8x8192xi32>
    %select_n3A_1194 = arith.select %gt3A_1188, %add3A_1193, %select_n3A_1186 : vector<8x8192xi1>, vector<8x8192xi32>
    %slice3A_1195 = vector.extract_strided_slice %dot_general3A_532 {offsets = [144, 0], sizes = [8, 8192], strides = [1, 1]} : vector<512x8192xf32> to vector<8x8192xf32>
    %gt3A_1196 = arith.cmpf ogt, %slice3A_1195, %select_n3A_1189 : vector<8x8192xf32>
    %select_n3A_1197 = arith.select %gt3A_1196, %slice3A_1195, %select_n3A_1189 : vector<8x8192xi1>, vector<8x8192xf32>
    %add3A_1198 = arith.constant 144 : i32
    %add3A_1199 = arith.addi %add3A_1055, %add3A_1198 : i32
    %add3A_1200 = vector.broadcast %add3A_1199 : i32 to vector<8x8192xi32>
    %add3A_1201 = arith.addi %iota3A, %add3A_1200 : vector<8x8192xi32>
    %select_n3A_1202 = arith.select %gt3A_1196, %add3A_1201, %select_n3A_1194 : vector<8x8192xi1>, vector<8x8192xi32>
    %slice3A_1203 = vector.extract_strided_slice %dot_general3A_532 {offsets = [152, 0], sizes = [8, 8192], strides = [1, 1]} : vector<512x8192xf32> to vector<8x8192xf32>
    %gt3A_1204 = arith.cmpf ogt, %slice3A_1203, %select_n3A_1197 : vector<8x8192xf32>
    %select_n3A_1205 = arith.select %gt3A_1204, %slice3A_1203, %select_n3A_1197 : vector<8x8192xi1>, vector<8x8192xf32>
    %add3A_1206 = arith.constant 152 : i32
    %add3A_1207 = arith.addi %add3A_1055, %add3A_1206 : i32
    %add3A_1208 = vector.broadcast %add3A_1207 : i32 to vector<8x8192xi32>
    %add3A_1209 = arith.addi %iota3A, %add3A_1208 : vector<8x8192xi32>
    %select_n3A_1210 = arith.select %gt3A_1204, %add3A_1209, %select_n3A_1202 : vector<8x8192xi1>, vector<8x8192xi32>
    %slice3A_1211 = vector.extract_strided_slice %dot_general3A_532 {offsets = [160, 0], sizes = [8, 8192], strides = [1, 1]} : vector<512x8192xf32> to vector<8x8192xf32>
    %gt3A_1212 = arith.cmpf ogt, %slice3A_1211, %select_n3A_1205 : vector<8x8192xf32>
    %select_n3A_1213 = arith.select %gt3A_1212, %slice3A_1211, %select_n3A_1205 : vector<8x8192xi1>, vector<8x8192xf32>
    %add3A_1214 = arith.constant 160 : i32
    %add3A_1215 = arith.addi %add3A_1055, %add3A_1214 : i32
    %add3A_1216 = vector.broadcast %add3A_1215 : i32 to vector<8x8192xi32>
    %add3A_1217 = arith.addi %iota3A, %add3A_1216 : vector<8x8192xi32>
    %select_n3A_1218 = arith.select %gt3A_1212, %add3A_1217, %select_n3A_1210 : vector<8x8192xi1>, vector<8x8192xi32>
    %slice3A_1219 = vector.extract_strided_slice %dot_general3A_532 {offsets = [168, 0], sizes = [8, 8192], strides = [1, 1]} : vector<512x8192xf32> to vector<8x8192xf32>
    %gt3A_1220 = arith.cmpf ogt, %slice3A_1219, %select_n3A_1213 : vector<8x8192xf32>
    %select_n3A_1221 = arith.select %gt3A_1220, %slice3A_1219, %select_n3A_1213 : vector<8x8192xi1>, vector<8x8192xf32>
    %add3A_1222 = arith.constant 168 : i32
    %add3A_1223 = arith.addi %add3A_1055, %add3A_1222 : i32
    %add3A_1224 = vector.broadcast %add3A_1223 : i32 to vector<8x8192xi32>
    %add3A_1225 = arith.addi %iota3A, %add3A_1224 : vector<8x8192xi32>
    %select_n3A_1226 = arith.select %gt3A_1220, %add3A_1225, %select_n3A_1218 : vector<8x8192xi1>, vector<8x8192xi32>
    %slice3A_1227 = vector.extract_strided_slice %dot_general3A_532 {offsets = [176, 0], sizes = [8, 8192], strides = [1, 1]} : vector<512x8192xf32> to vector<8x8192xf32>
    %gt3A_1228 = arith.cmpf ogt, %slice3A_1227, %select_n3A_1221 : vector<8x8192xf32>
    %select_n3A_1229 = arith.select %gt3A_1228, %slice3A_1227, %select_n3A_1221 : vector<8x8192xi1>, vector<8x8192xf32>
    %add3A_1230 = arith.constant 176 : i32
    %add3A_1231 = arith.addi %add3A_1055, %add3A_1230 : i32
    %add3A_1232 = vector.broadcast %add3A_1231 : i32 to vector<8x8192xi32>
    %add3A_1233 = arith.addi %iota3A, %add3A_1232 : vector<8x8192xi32>
    %select_n3A_1234 = arith.select %gt3A_1228, %add3A_1233, %select_n3A_1226 : vector<8x8192xi1>, vector<8x8192xi32>
    %slice3A_1235 = vector.extract_strided_slice %dot_general3A_532 {offsets = [184, 0], sizes = [8, 8192], strides = [1, 1]} : vector<512x8192xf32> to vector<8x8192xf32>
    %gt3A_1236 = arith.cmpf ogt, %slice3A_1235, %select_n3A_1229 : vector<8x8192xf32>
    %select_n3A_1237 = arith.select %gt3A_1236, %slice3A_1235, %select_n3A_1229 : vector<8x8192xi1>, vector<8x8192xf32>
    %add3A_1238 = arith.constant 184 : i32
    %add3A_1239 = arith.addi %add3A_1055, %add3A_1238 : i32
    %add3A_1240 = vector.broadcast %add3A_1239 : i32 to vector<8x8192xi32>
    %add3A_1241 = arith.addi %iota3A, %add3A_1240 : vector<8x8192xi32>
    %select_n3A_1242 = arith.select %gt3A_1236, %add3A_1241, %select_n3A_1234 : vector<8x8192xi1>, vector<8x8192xi32>
    %slice3A_1243 = vector.extract_strided_slice %dot_general3A_532 {offsets = [192, 0], sizes = [8, 8192], strides = [1, 1]} : vector<512x8192xf32> to vector<8x8192xf32>
    %gt3A_1244 = arith.cmpf ogt, %slice3A_1243, %select_n3A_1237 : vector<8x8192xf32>
    %select_n3A_1245 = arith.select %gt3A_1244, %slice3A_1243, %select_n3A_1237 : vector<8x8192xi1>, vector<8x8192xf32>
    %add3A_1246 = arith.constant 192 : i32
    %add3A_1247 = arith.addi %add3A_1055, %add3A_1246 : i32
    %add3A_1248 = vector.broadcast %add3A_1247 : i32 to vector<8x8192xi32>
    %add3A_1249 = arith.addi %iota3A, %add3A_1248 : vector<8x8192xi32>
    %select_n3A_1250 = arith.select %gt3A_1244, %add3A_1249, %select_n3A_1242 : vector<8x8192xi1>, vector<8x8192xi32>
    %slice3A_1251 = vector.extract_strided_slice %dot_general3A_532 {offsets = [200, 0], sizes = [8, 8192], strides = [1, 1]} : vector<512x8192xf32> to vector<8x8192xf32>
    %gt3A_1252 = arith.cmpf ogt, %slice3A_1251, %select_n3A_1245 : vector<8x8192xf32>
    %select_n3A_1253 = arith.select %gt3A_1252, %slice3A_1251, %select_n3A_1245 : vector<8x8192xi1>, vector<8x8192xf32>
    %add3A_1254 = arith.constant 200 : i32
    %add3A_1255 = arith.addi %add3A_1055, %add3A_1254 : i32
    %add3A_1256 = vector.broadcast %add3A_1255 : i32 to vector<8x8192xi32>
    %add3A_1257 = arith.addi %iota3A, %add3A_1256 : vector<8x8192xi32>
    %select_n3A_1258 = arith.select %gt3A_1252, %add3A_1257, %select_n3A_1250 : vector<8x8192xi1>, vector<8x8192xi32>
    %slice3A_1259 = vector.extract_strided_slice %dot_general3A_532 {offsets = [208, 0], sizes = [8, 8192], strides = [1, 1]} : vector<512x8192xf32> to vector<8x8192xf32>
    %gt3A_1260 = arith.cmpf ogt, %slice3A_1259, %select_n3A_1253 : vector<8x8192xf32>
    %select_n3A_1261 = arith.select %gt3A_1260, %slice3A_1259, %select_n3A_1253 : vector<8x8192xi1>, vector<8x8192xf32>
    %add3A_1262 = arith.constant 208 : i32
    %add3A_1263 = arith.addi %add3A_1055, %add3A_1262 : i32
    %add3A_1264 = vector.broadcast %add3A_1263 : i32 to vector<8x8192xi32>
    %add3A_1265 = arith.addi %iota3A, %add3A_1264 : vector<8x8192xi32>
    %select_n3A_1266 = arith.select %gt3A_1260, %add3A_1265, %select_n3A_1258 : vector<8x8192xi1>, vector<8x8192xi32>
    %slice3A_1267 = vector.extract_strided_slice %dot_general3A_532 {offsets = [216, 0], sizes = [8, 8192], strides = [1, 1]} : vector<512x8192xf32> to vector<8x8192xf32>
    %gt3A_1268 = arith.cmpf ogt, %slice3A_1267, %select_n3A_1261 : vector<8x8192xf32>
    %select_n3A_1269 = arith.select %gt3A_1268, %slice3A_1267, %select_n3A_1261 : vector<8x8192xi1>, vector<8x8192xf32>
    %add3A_1270 = arith.constant 216 : i32
    %add3A_1271 = arith.addi %add3A_1055, %add3A_1270 : i32
    %add3A_1272 = vector.broadcast %add3A_1271 : i32 to vector<8x8192xi32>
    %add3A_1273 = arith.addi %iota3A, %add3A_1272 : vector<8x8192xi32>
    %select_n3A_1274 = arith.select %gt3A_1268, %add3A_1273, %select_n3A_1266 : vector<8x8192xi1>, vector<8x8192xi32>
    %slice3A_1275 = vector.extract_strided_slice %dot_general3A_532 {offsets = [224, 0], sizes = [8, 8192], strides = [1, 1]} : vector<512x8192xf32> to vector<8x8192xf32>
    %gt3A_1276 = arith.cmpf ogt, %slice3A_1275, %select_n3A_1269 : vector<8x8192xf32>
    %select_n3A_1277 = arith.select %gt3A_1276, %slice3A_1275, %select_n3A_1269 : vector<8x8192xi1>, vector<8x8192xf32>
    %add3A_1278 = arith.constant 224 : i32
    %add3A_1279 = arith.addi %add3A_1055, %add3A_1278 : i32
    %add3A_1280 = vector.broadcast %add3A_1279 : i32 to vector<8x8192xi32>
    %add3A_1281 = arith.addi %iota3A, %add3A_1280 : vector<8x8192xi32>
    %select_n3A_1282 = arith.select %gt3A_1276, %add3A_1281, %select_n3A_1274 : vector<8x8192xi1>, vector<8x8192xi32>
    %slice3A_1283 = vector.extract_strided_slice %dot_general3A_532 {offsets = [232, 0], sizes = [8, 8192], strides = [1, 1]} : vector<512x8192xf32> to vector<8x8192xf32>
    %gt3A_1284 = arith.cmpf ogt, %slice3A_1283, %select_n3A_1277 : vector<8x8192xf32>
    %select_n3A_1285 = arith.select %gt3A_1284, %slice3A_1283, %select_n3A_1277 : vector<8x8192xi1>, vector<8x8192xf32>
    %add3A_1286 = arith.constant 232 : i32
    %add3A_1287 = arith.addi %add3A_1055, %add3A_1286 : i32
    %add3A_1288 = vector.broadcast %add3A_1287 : i32 to vector<8x8192xi32>
    %add3A_1289 = arith.addi %iota3A, %add3A_1288 : vector<8x8192xi32>
    %select_n3A_1290 = arith.select %gt3A_1284, %add3A_1289, %select_n3A_1282 : vector<8x8192xi1>, vector<8x8192xi32>
    %slice3A_1291 = vector.extract_strided_slice %dot_general3A_532 {offsets = [240, 0], sizes = [8, 8192], strides = [1, 1]} : vector<512x8192xf32> to vector<8x8192xf32>
    %gt3A_1292 = arith.cmpf ogt, %slice3A_1291, %select_n3A_1285 : vector<8x8192xf32>
    %select_n3A_1293 = arith.select %gt3A_1292, %slice3A_1291, %select_n3A_1285 : vector<8x8192xi1>, vector<8x8192xf32>
    %add3A_1294 = arith.constant 240 : i32
    %add3A_1295 = arith.addi %add3A_1055, %add3A_1294 : i32
    %add3A_1296 = vector.broadcast %add3A_1295 : i32 to vector<8x8192xi32>
    %add3A_1297 = arith.addi %iota3A, %add3A_1296 : vector<8x8192xi32>
    %select_n3A_1298 = arith.select %gt3A_1292, %add3A_1297, %select_n3A_1290 : vector<8x8192xi1>, vector<8x8192xi32>
    %slice3A_1299 = vector.extract_strided_slice %dot_general3A_532 {offsets = [248, 0], sizes = [8, 8192], strides = [1, 1]} : vector<512x8192xf32> to vector<8x8192xf32>
    %gt3A_1300 = arith.cmpf ogt, %slice3A_1299, %select_n3A_1293 : vector<8x8192xf32>
    %select_n3A_1301 = arith.select %gt3A_1300, %slice3A_1299, %select_n3A_1293 : vector<8x8192xi1>, vector<8x8192xf32>
    %add3A_1302 = arith.constant 248 : i32
    %add3A_1303 = arith.addi %add3A_1055, %add3A_1302 : i32
    %add3A_1304 = vector.broadcast %add3A_1303 : i32 to vector<8x8192xi32>
    %add3A_1305 = arith.addi %iota3A, %add3A_1304 : vector<8x8192xi32>
    %select_n3A_1306 = arith.select %gt3A_1300, %add3A_1305, %select_n3A_1298 : vector<8x8192xi1>, vector<8x8192xi32>
    %slice3A_1307 = vector.extract_strided_slice %dot_general3A_532 {offsets = [256, 0], sizes = [8, 8192], strides = [1, 1]} : vector<512x8192xf32> to vector<8x8192xf32>
    %gt3A_1308 = arith.cmpf ogt, %slice3A_1307, %select_n3A_1301 : vector<8x8192xf32>
    %select_n3A_1309 = arith.select %gt3A_1308, %slice3A_1307, %select_n3A_1301 : vector<8x8192xi1>, vector<8x8192xf32>
    %add3A_1310 = arith.constant 256 : i32
    %add3A_1311 = arith.addi %add3A_1055, %add3A_1310 : i32
    %add3A_1312 = vector.broadcast %add3A_1311 : i32 to vector<8x8192xi32>
    %add3A_1313 = arith.addi %iota3A, %add3A_1312 : vector<8x8192xi32>
    %select_n3A_1314 = arith.select %gt3A_1308, %add3A_1313, %select_n3A_1306 : vector<8x8192xi1>, vector<8x8192xi32>
    %slice3A_1315 = vector.extract_strided_slice %dot_general3A_532 {offsets = [264, 0], sizes = [8, 8192], strides = [1, 1]} : vector<512x8192xf32> to vector<8x8192xf32>
    %gt3A_1316 = arith.cmpf ogt, %slice3A_1315, %select_n3A_1309 : vector<8x8192xf32>
    %select_n3A_1317 = arith.select %gt3A_1316, %slice3A_1315, %select_n3A_1309 : vector<8x8192xi1>, vector<8x8192xf32>
    %add3A_1318 = arith.constant 264 : i32
    %add3A_1319 = arith.addi %add3A_1055, %add3A_1318 : i32
    %add3A_1320 = vector.broadcast %add3A_1319 : i32 to vector<8x8192xi32>
    %add3A_1321 = arith.addi %iota3A, %add3A_1320 : vector<8x8192xi32>
    %select_n3A_1322 = arith.select %gt3A_1316, %add3A_1321, %select_n3A_1314 : vector<8x8192xi1>, vector<8x8192xi32>
    %slice3A_1323 = vector.extract_strided_slice %dot_general3A_532 {offsets = [272, 0], sizes = [8, 8192], strides = [1, 1]} : vector<512x8192xf32> to vector<8x8192xf32>
    %gt3A_1324 = arith.cmpf ogt, %slice3A_1323, %select_n3A_1317 : vector<8x8192xf32>
    %select_n3A_1325 = arith.select %gt3A_1324, %slice3A_1323, %select_n3A_1317 : vector<8x8192xi1>, vector<8x8192xf32>
    %add3A_1326 = arith.constant 272 : i32
    %add3A_1327 = arith.addi %add3A_1055, %add3A_1326 : i32
    %add3A_1328 = vector.broadcast %add3A_1327 : i32 to vector<8x8192xi32>
    %add3A_1329 = arith.addi %iota3A, %add3A_1328 : vector<8x8192xi32>
    %select_n3A_1330 = arith.select %gt3A_1324, %add3A_1329, %select_n3A_1322 : vector<8x8192xi1>, vector<8x8192xi32>
    %slice3A_1331 = vector.extract_strided_slice %dot_general3A_532 {offsets = [280, 0], sizes = [8, 8192], strides = [1, 1]} : vector<512x8192xf32> to vector<8x8192xf32>
    %gt3A_1332 = arith.cmpf ogt, %slice3A_1331, %select_n3A_1325 : vector<8x8192xf32>
    %select_n3A_1333 = arith.select %gt3A_1332, %slice3A_1331, %select_n3A_1325 : vector<8x8192xi1>, vector<8x8192xf32>
    %add3A_1334 = arith.constant 280 : i32
    %add3A_1335 = arith.addi %add3A_1055, %add3A_1334 : i32
    %add3A_1336 = vector.broadcast %add3A_1335 : i32 to vector<8x8192xi32>
    %add3A_1337 = arith.addi %iota3A, %add3A_1336 : vector<8x8192xi32>
    %select_n3A_1338 = arith.select %gt3A_1332, %add3A_1337, %select_n3A_1330 : vector<8x8192xi1>, vector<8x8192xi32>
    %slice3A_1339 = vector.extract_strided_slice %dot_general3A_532 {offsets = [288, 0], sizes = [8, 8192], strides = [1, 1]} : vector<512x8192xf32> to vector<8x8192xf32>
    %gt3A_1340 = arith.cmpf ogt, %slice3A_1339, %select_n3A_1333 : vector<8x8192xf32>
    %select_n3A_1341 = arith.select %gt3A_1340, %slice3A_1339, %select_n3A_1333 : vector<8x8192xi1>, vector<8x8192xf32>
    %add3A_1342 = arith.constant 288 : i32
    %add3A_1343 = arith.addi %add3A_1055, %add3A_1342 : i32
    %add3A_1344 = vector.broadcast %add3A_1343 : i32 to vector<8x8192xi32>
    %add3A_1345 = arith.addi %iota3A, %add3A_1344 : vector<8x8192xi32>
    %select_n3A_1346 = arith.select %gt3A_1340, %add3A_1345, %select_n3A_1338 : vector<8x8192xi1>, vector<8x8192xi32>
    %slice3A_1347 = vector.extract_strided_slice %dot_general3A_532 {offsets = [296, 0], sizes = [8, 8192], strides = [1, 1]} : vector<512x8192xf32> to vector<8x8192xf32>
    %gt3A_1348 = arith.cmpf ogt, %slice3A_1347, %select_n3A_1341 : vector<8x8192xf32>
    %select_n3A_1349 = arith.select %gt3A_1348, %slice3A_1347, %select_n3A_1341 : vector<8x8192xi1>, vector<8x8192xf32>
    %add3A_1350 = arith.constant 296 : i32
    %add3A_1351 = arith.addi %add3A_1055, %add3A_1350 : i32
    %add3A_1352 = vector.broadcast %add3A_1351 : i32 to vector<8x8192xi32>
    %add3A_1353 = arith.addi %iota3A, %add3A_1352 : vector<8x8192xi32>
    %select_n3A_1354 = arith.select %gt3A_1348, %add3A_1353, %select_n3A_1346 : vector<8x8192xi1>, vector<8x8192xi32>
    %slice3A_1355 = vector.extract_strided_slice %dot_general3A_532 {offsets = [304, 0], sizes = [8, 8192], strides = [1, 1]} : vector<512x8192xf32> to vector<8x8192xf32>
    %gt3A_1356 = arith.cmpf ogt, %slice3A_1355, %select_n3A_1349 : vector<8x8192xf32>
    %select_n3A_1357 = arith.select %gt3A_1356, %slice3A_1355, %select_n3A_1349 : vector<8x8192xi1>, vector<8x8192xf32>
    %add3A_1358 = arith.constant 304 : i32
    %add3A_1359 = arith.addi %add3A_1055, %add3A_1358 : i32
    %add3A_1360 = vector.broadcast %add3A_1359 : i32 to vector<8x8192xi32>
    %add3A_1361 = arith.addi %iota3A, %add3A_1360 : vector<8x8192xi32>
    %select_n3A_1362 = arith.select %gt3A_1356, %add3A_1361, %select_n3A_1354 : vector<8x8192xi1>, vector<8x8192xi32>
    %slice3A_1363 = vector.extract_strided_slice %dot_general3A_532 {offsets = [312, 0], sizes = [8, 8192], strides = [1, 1]} : vector<512x8192xf32> to vector<8x8192xf32>
    %gt3A_1364 = arith.cmpf ogt, %slice3A_1363, %select_n3A_1357 : vector<8x8192xf32>
    %select_n3A_1365 = arith.select %gt3A_1364, %slice3A_1363, %select_n3A_1357 : vector<8x8192xi1>, vector<8x8192xf32>
    %add3A_1366 = arith.constant 312 : i32
    %add3A_1367 = arith.addi %add3A_1055, %add3A_1366 : i32
    %add3A_1368 = vector.broadcast %add3A_1367 : i32 to vector<8x8192xi32>
    %add3A_1369 = arith.addi %iota3A, %add3A_1368 : vector<8x8192xi32>
    %select_n3A_1370 = arith.select %gt3A_1364, %add3A_1369, %select_n3A_1362 : vector<8x8192xi1>, vector<8x8192xi32>
    %slice3A_1371 = vector.extract_strided_slice %dot_general3A_532 {offsets = [320, 0], sizes = [8, 8192], strides = [1, 1]} : vector<512x8192xf32> to vector<8x8192xf32>
    %gt3A_1372 = arith.cmpf ogt, %slice3A_1371, %select_n3A_1365 : vector<8x8192xf32>
    %select_n3A_1373 = arith.select %gt3A_1372, %slice3A_1371, %select_n3A_1365 : vector<8x8192xi1>, vector<8x8192xf32>
    %add3A_1374 = arith.constant 320 : i32
    %add3A_1375 = arith.addi %add3A_1055, %add3A_1374 : i32
    %add3A_1376 = vector.broadcast %add3A_1375 : i32 to vector<8x8192xi32>
    %add3A_1377 = arith.addi %iota3A, %add3A_1376 : vector<8x8192xi32>
    %select_n3A_1378 = arith.select %gt3A_1372, %add3A_1377, %select_n3A_1370 : vector<8x8192xi1>, vector<8x8192xi32>
    %slice3A_1379 = vector.extract_strided_slice %dot_general3A_532 {offsets = [328, 0], sizes = [8, 8192], strides = [1, 1]} : vector<512x8192xf32> to vector<8x8192xf32>
    %gt3A_1380 = arith.cmpf ogt, %slice3A_1379, %select_n3A_1373 : vector<8x8192xf32>
    %select_n3A_1381 = arith.select %gt3A_1380, %slice3A_1379, %select_n3A_1373 : vector<8x8192xi1>, vector<8x8192xf32>
    %add3A_1382 = arith.constant 328 : i32
    %add3A_1383 = arith.addi %add3A_1055, %add3A_1382 : i32
    %add3A_1384 = vector.broadcast %add3A_1383 : i32 to vector<8x8192xi32>
    %add3A_1385 = arith.addi %iota3A, %add3A_1384 : vector<8x8192xi32>
    %select_n3A_1386 = arith.select %gt3A_1380, %add3A_1385, %select_n3A_1378 : vector<8x8192xi1>, vector<8x8192xi32>
    %slice3A_1387 = vector.extract_strided_slice %dot_general3A_532 {offsets = [336, 0], sizes = [8, 8192], strides = [1, 1]} : vector<512x8192xf32> to vector<8x8192xf32>
    %gt3A_1388 = arith.cmpf ogt, %slice3A_1387, %select_n3A_1381 : vector<8x8192xf32>
    %select_n3A_1389 = arith.select %gt3A_1388, %slice3A_1387, %select_n3A_1381 : vector<8x8192xi1>, vector<8x8192xf32>
    %add3A_1390 = arith.constant 336 : i32
    %add3A_1391 = arith.addi %add3A_1055, %add3A_1390 : i32
    %add3A_1392 = vector.broadcast %add3A_1391 : i32 to vector<8x8192xi32>
    %add3A_1393 = arith.addi %iota3A, %add3A_1392 : vector<8x8192xi32>
    %select_n3A_1394 = arith.select %gt3A_1388, %add3A_1393, %select_n3A_1386 : vector<8x8192xi1>, vector<8x8192xi32>
    %slice3A_1395 = vector.extract_strided_slice %dot_general3A_532 {offsets = [344, 0], sizes = [8, 8192], strides = [1, 1]} : vector<512x8192xf32> to vector<8x8192xf32>
    %gt3A_1396 = arith.cmpf ogt, %slice3A_1395, %select_n3A_1389 : vector<8x8192xf32>
    %select_n3A_1397 = arith.select %gt3A_1396, %slice3A_1395, %select_n3A_1389 : vector<8x8192xi1>, vector<8x8192xf32>
    %add3A_1398 = arith.constant 344 : i32
    %add3A_1399 = arith.addi %add3A_1055, %add3A_1398 : i32
    %add3A_1400 = vector.broadcast %add3A_1399 : i32 to vector<8x8192xi32>
    %add3A_1401 = arith.addi %iota3A, %add3A_1400 : vector<8x8192xi32>
    %select_n3A_1402 = arith.select %gt3A_1396, %add3A_1401, %select_n3A_1394 : vector<8x8192xi1>, vector<8x8192xi32>
    %slice3A_1403 = vector.extract_strided_slice %dot_general3A_532 {offsets = [352, 0], sizes = [8, 8192], strides = [1, 1]} : vector<512x8192xf32> to vector<8x8192xf32>
    %gt3A_1404 = arith.cmpf ogt, %slice3A_1403, %select_n3A_1397 : vector<8x8192xf32>
    %select_n3A_1405 = arith.select %gt3A_1404, %slice3A_1403, %select_n3A_1397 : vector<8x8192xi1>, vector<8x8192xf32>
    %add3A_1406 = arith.constant 352 : i32
    %add3A_1407 = arith.addi %add3A_1055, %add3A_1406 : i32
    %add3A_1408 = vector.broadcast %add3A_1407 : i32 to vector<8x8192xi32>
    %add3A_1409 = arith.addi %iota3A, %add3A_1408 : vector<8x8192xi32>
    %select_n3A_1410 = arith.select %gt3A_1404, %add3A_1409, %select_n3A_1402 : vector<8x8192xi1>, vector<8x8192xi32>
    %slice3A_1411 = vector.extract_strided_slice %dot_general3A_532 {offsets = [360, 0], sizes = [8, 8192], strides = [1, 1]} : vector<512x8192xf32> to vector<8x8192xf32>
    %gt3A_1412 = arith.cmpf ogt, %slice3A_1411, %select_n3A_1405 : vector<8x8192xf32>
    %select_n3A_1413 = arith.select %gt3A_1412, %slice3A_1411, %select_n3A_1405 : vector<8x8192xi1>, vector<8x8192xf32>
    %add3A_1414 = arith.constant 360 : i32
    %add3A_1415 = arith.addi %add3A_1055, %add3A_1414 : i32
    %add3A_1416 = vector.broadcast %add3A_1415 : i32 to vector<8x8192xi32>
    %add3A_1417 = arith.addi %iota3A, %add3A_1416 : vector<8x8192xi32>
    %select_n3A_1418 = arith.select %gt3A_1412, %add3A_1417, %select_n3A_1410 : vector<8x8192xi1>, vector<8x8192xi32>
    %slice3A_1419 = vector.extract_strided_slice %dot_general3A_532 {offsets = [368, 0], sizes = [8, 8192], strides = [1, 1]} : vector<512x8192xf32> to vector<8x8192xf32>
    %gt3A_1420 = arith.cmpf ogt, %slice3A_1419, %select_n3A_1413 : vector<8x8192xf32>
    %select_n3A_1421 = arith.select %gt3A_1420, %slice3A_1419, %select_n3A_1413 : vector<8x8192xi1>, vector<8x8192xf32>
    %add3A_1422 = arith.constant 368 : i32
    %add3A_1423 = arith.addi %add3A_1055, %add3A_1422 : i32
    %add3A_1424 = vector.broadcast %add3A_1423 : i32 to vector<8x8192xi32>
    %add3A_1425 = arith.addi %iota3A, %add3A_1424 : vector<8x8192xi32>
    %select_n3A_1426 = arith.select %gt3A_1420, %add3A_1425, %select_n3A_1418 : vector<8x8192xi1>, vector<8x8192xi32>
    %slice3A_1427 = vector.extract_strided_slice %dot_general3A_532 {offsets = [376, 0], sizes = [8, 8192], strides = [1, 1]} : vector<512x8192xf32> to vector<8x8192xf32>
    %gt3A_1428 = arith.cmpf ogt, %slice3A_1427, %select_n3A_1421 : vector<8x8192xf32>
    %select_n3A_1429 = arith.select %gt3A_1428, %slice3A_1427, %select_n3A_1421 : vector<8x8192xi1>, vector<8x8192xf32>
    %add3A_1430 = arith.constant 376 : i32
    %add3A_1431 = arith.addi %add3A_1055, %add3A_1430 : i32
    %add3A_1432 = vector.broadcast %add3A_1431 : i32 to vector<8x8192xi32>
    %add3A_1433 = arith.addi %iota3A, %add3A_1432 : vector<8x8192xi32>
    %select_n3A_1434 = arith.select %gt3A_1428, %add3A_1433, %select_n3A_1426 : vector<8x8192xi1>, vector<8x8192xi32>
    %slice3A_1435 = vector.extract_strided_slice %dot_general3A_532 {offsets = [384, 0], sizes = [8, 8192], strides = [1, 1]} : vector<512x8192xf32> to vector<8x8192xf32>
    %gt3A_1436 = arith.cmpf ogt, %slice3A_1435, %select_n3A_1429 : vector<8x8192xf32>
    %select_n3A_1437 = arith.select %gt3A_1436, %slice3A_1435, %select_n3A_1429 : vector<8x8192xi1>, vector<8x8192xf32>
    %add3A_1438 = arith.constant 384 : i32
    %add3A_1439 = arith.addi %add3A_1055, %add3A_1438 : i32
    %add3A_1440 = vector.broadcast %add3A_1439 : i32 to vector<8x8192xi32>
    %add3A_1441 = arith.addi %iota3A, %add3A_1440 : vector<8x8192xi32>
    %select_n3A_1442 = arith.select %gt3A_1436, %add3A_1441, %select_n3A_1434 : vector<8x8192xi1>, vector<8x8192xi32>
    %slice3A_1443 = vector.extract_strided_slice %dot_general3A_532 {offsets = [392, 0], sizes = [8, 8192], strides = [1, 1]} : vector<512x8192xf32> to vector<8x8192xf32>
    %gt3A_1444 = arith.cmpf ogt, %slice3A_1443, %select_n3A_1437 : vector<8x8192xf32>
    %select_n3A_1445 = arith.select %gt3A_1444, %slice3A_1443, %select_n3A_1437 : vector<8x8192xi1>, vector<8x8192xf32>
    %add3A_1446 = arith.constant 392 : i32
    %add3A_1447 = arith.addi %add3A_1055, %add3A_1446 : i32
    %add3A_1448 = vector.broadcast %add3A_1447 : i32 to vector<8x8192xi32>
    %add3A_1449 = arith.addi %iota3A, %add3A_1448 : vector<8x8192xi32>
    %select_n3A_1450 = arith.select %gt3A_1444, %add3A_1449, %select_n3A_1442 : vector<8x8192xi1>, vector<8x8192xi32>
    %slice3A_1451 = vector.extract_strided_slice %dot_general3A_532 {offsets = [400, 0], sizes = [8, 8192], strides = [1, 1]} : vector<512x8192xf32> to vector<8x8192xf32>
    %gt3A_1452 = arith.cmpf ogt, %slice3A_1451, %select_n3A_1445 : vector<8x8192xf32>
    %select_n3A_1453 = arith.select %gt3A_1452, %slice3A_1451, %select_n3A_1445 : vector<8x8192xi1>, vector<8x8192xf32>
    %add3A_1454 = arith.constant 400 : i32
    %add3A_1455 = arith.addi %add3A_1055, %add3A_1454 : i32
    %add3A_1456 = vector.broadcast %add3A_1455 : i32 to vector<8x8192xi32>
    %add3A_1457 = arith.addi %iota3A, %add3A_1456 : vector<8x8192xi32>
    %select_n3A_1458 = arith.select %gt3A_1452, %add3A_1457, %select_n3A_1450 : vector<8x8192xi1>, vector<8x8192xi32>
    %slice3A_1459 = vector.extract_strided_slice %dot_general3A_532 {offsets = [408, 0], sizes = [8, 8192], strides = [1, 1]} : vector<512x8192xf32> to vector<8x8192xf32>
    %gt3A_1460 = arith.cmpf ogt, %slice3A_1459, %select_n3A_1453 : vector<8x8192xf32>
    %select_n3A_1461 = arith.select %gt3A_1460, %slice3A_1459, %select_n3A_1453 : vector<8x8192xi1>, vector<8x8192xf32>
    %add3A_1462 = arith.constant 408 : i32
    %add3A_1463 = arith.addi %add3A_1055, %add3A_1462 : i32
    %add3A_1464 = vector.broadcast %add3A_1463 : i32 to vector<8x8192xi32>
    %add3A_1465 = arith.addi %iota3A, %add3A_1464 : vector<8x8192xi32>
    %select_n3A_1466 = arith.select %gt3A_1460, %add3A_1465, %select_n3A_1458 : vector<8x8192xi1>, vector<8x8192xi32>
    %slice3A_1467 = vector.extract_strided_slice %dot_general3A_532 {offsets = [416, 0], sizes = [8, 8192], strides = [1, 1]} : vector<512x8192xf32> to vector<8x8192xf32>
    %gt3A_1468 = arith.cmpf ogt, %slice3A_1467, %select_n3A_1461 : vector<8x8192xf32>
    %select_n3A_1469 = arith.select %gt3A_1468, %slice3A_1467, %select_n3A_1461 : vector<8x8192xi1>, vector<8x8192xf32>
    %add3A_1470 = arith.constant 416 : i32
    %add3A_1471 = arith.addi %add3A_1055, %add3A_1470 : i32
    %add3A_1472 = vector.broadcast %add3A_1471 : i32 to vector<8x8192xi32>
    %add3A_1473 = arith.addi %iota3A, %add3A_1472 : vector<8x8192xi32>
    %select_n3A_1474 = arith.select %gt3A_1468, %add3A_1473, %select_n3A_1466 : vector<8x8192xi1>, vector<8x8192xi32>
    %slice3A_1475 = vector.extract_strided_slice %dot_general3A_532 {offsets = [424, 0], sizes = [8, 8192], strides = [1, 1]} : vector<512x8192xf32> to vector<8x8192xf32>
    %gt3A_1476 = arith.cmpf ogt, %slice3A_1475, %select_n3A_1469 : vector<8x8192xf32>
    %select_n3A_1477 = arith.select %gt3A_1476, %slice3A_1475, %select_n3A_1469 : vector<8x8192xi1>, vector<8x8192xf32>
    %add3A_1478 = arith.constant 424 : i32
    %add3A_1479 = arith.addi %add3A_1055, %add3A_1478 : i32
    %add3A_1480 = vector.broadcast %add3A_1479 : i32 to vector<8x8192xi32>
    %add3A_1481 = arith.addi %iota3A, %add3A_1480 : vector<8x8192xi32>
    %select_n3A_1482 = arith.select %gt3A_1476, %add3A_1481, %select_n3A_1474 : vector<8x8192xi1>, vector<8x8192xi32>
    %slice3A_1483 = vector.extract_strided_slice %dot_general3A_532 {offsets = [432, 0], sizes = [8, 8192], strides = [1, 1]} : vector<512x8192xf32> to vector<8x8192xf32>
    %gt3A_1484 = arith.cmpf ogt, %slice3A_1483, %select_n3A_1477 : vector<8x8192xf32>
    %select_n3A_1485 = arith.select %gt3A_1484, %slice3A_1483, %select_n3A_1477 : vector<8x8192xi1>, vector<8x8192xf32>
    %add3A_1486 = arith.constant 432 : i32
    %add3A_1487 = arith.addi %add3A_1055, %add3A_1486 : i32
    %add3A_1488 = vector.broadcast %add3A_1487 : i32 to vector<8x8192xi32>
    %add3A_1489 = arith.addi %iota3A, %add3A_1488 : vector<8x8192xi32>
    %select_n3A_1490 = arith.select %gt3A_1484, %add3A_1489, %select_n3A_1482 : vector<8x8192xi1>, vector<8x8192xi32>
    %slice3A_1491 = vector.extract_strided_slice %dot_general3A_532 {offsets = [440, 0], sizes = [8, 8192], strides = [1, 1]} : vector<512x8192xf32> to vector<8x8192xf32>
    %gt3A_1492 = arith.cmpf ogt, %slice3A_1491, %select_n3A_1485 : vector<8x8192xf32>
    %select_n3A_1493 = arith.select %gt3A_1492, %slice3A_1491, %select_n3A_1485 : vector<8x8192xi1>, vector<8x8192xf32>
    %add3A_1494 = arith.constant 440 : i32
    %add3A_1495 = arith.addi %add3A_1055, %add3A_1494 : i32
    %add3A_1496 = vector.broadcast %add3A_1495 : i32 to vector<8x8192xi32>
    %add3A_1497 = arith.addi %iota3A, %add3A_1496 : vector<8x8192xi32>
    %select_n3A_1498 = arith.select %gt3A_1492, %add3A_1497, %select_n3A_1490 : vector<8x8192xi1>, vector<8x8192xi32>
    %slice3A_1499 = vector.extract_strided_slice %dot_general3A_532 {offsets = [448, 0], sizes = [8, 8192], strides = [1, 1]} : vector<512x8192xf32> to vector<8x8192xf32>
    %gt3A_1500 = arith.cmpf ogt, %slice3A_1499, %select_n3A_1493 : vector<8x8192xf32>
    %select_n3A_1501 = arith.select %gt3A_1500, %slice3A_1499, %select_n3A_1493 : vector<8x8192xi1>, vector<8x8192xf32>
    %add3A_1502 = arith.constant 448 : i32
    %add3A_1503 = arith.addi %add3A_1055, %add3A_1502 : i32
    %add3A_1504 = vector.broadcast %add3A_1503 : i32 to vector<8x8192xi32>
    %add3A_1505 = arith.addi %iota3A, %add3A_1504 : vector<8x8192xi32>
    %select_n3A_1506 = arith.select %gt3A_1500, %add3A_1505, %select_n3A_1498 : vector<8x8192xi1>, vector<8x8192xi32>
    %slice3A_1507 = vector.extract_strided_slice %dot_general3A_532 {offsets = [456, 0], sizes = [8, 8192], strides = [1, 1]} : vector<512x8192xf32> to vector<8x8192xf32>
    %gt3A_1508 = arith.cmpf ogt, %slice3A_1507, %select_n3A_1501 : vector<8x8192xf32>
    %select_n3A_1509 = arith.select %gt3A_1508, %slice3A_1507, %select_n3A_1501 : vector<8x8192xi1>, vector<8x8192xf32>
    %add3A_1510 = arith.constant 456 : i32
    %add3A_1511 = arith.addi %add3A_1055, %add3A_1510 : i32
    %add3A_1512 = vector.broadcast %add3A_1511 : i32 to vector<8x8192xi32>
    %add3A_1513 = arith.addi %iota3A, %add3A_1512 : vector<8x8192xi32>
    %select_n3A_1514 = arith.select %gt3A_1508, %add3A_1513, %select_n3A_1506 : vector<8x8192xi1>, vector<8x8192xi32>
    %slice3A_1515 = vector.extract_strided_slice %dot_general3A_532 {offsets = [464, 0], sizes = [8, 8192], strides = [1, 1]} : vector<512x8192xf32> to vector<8x8192xf32>
    %gt3A_1516 = arith.cmpf ogt, %slice3A_1515, %select_n3A_1509 : vector<8x8192xf32>
    %select_n3A_1517 = arith.select %gt3A_1516, %slice3A_1515, %select_n3A_1509 : vector<8x8192xi1>, vector<8x8192xf32>
    %add3A_1518 = arith.constant 464 : i32
    %add3A_1519 = arith.addi %add3A_1055, %add3A_1518 : i32
    %add3A_1520 = vector.broadcast %add3A_1519 : i32 to vector<8x8192xi32>
    %add3A_1521 = arith.addi %iota3A, %add3A_1520 : vector<8x8192xi32>
    %select_n3A_1522 = arith.select %gt3A_1516, %add3A_1521, %select_n3A_1514 : vector<8x8192xi1>, vector<8x8192xi32>
    %slice3A_1523 = vector.extract_strided_slice %dot_general3A_532 {offsets = [472, 0], sizes = [8, 8192], strides = [1, 1]} : vector<512x8192xf32> to vector<8x8192xf32>
    %gt3A_1524 = arith.cmpf ogt, %slice3A_1523, %select_n3A_1517 : vector<8x8192xf32>
    %select_n3A_1525 = arith.select %gt3A_1524, %slice3A_1523, %select_n3A_1517 : vector<8x8192xi1>, vector<8x8192xf32>
    %add3A_1526 = arith.constant 472 : i32
    %add3A_1527 = arith.addi %add3A_1055, %add3A_1526 : i32
    %add3A_1528 = vector.broadcast %add3A_1527 : i32 to vector<8x8192xi32>
    %add3A_1529 = arith.addi %iota3A, %add3A_1528 : vector<8x8192xi32>
    %select_n3A_1530 = arith.select %gt3A_1524, %add3A_1529, %select_n3A_1522 : vector<8x8192xi1>, vector<8x8192xi32>
    %slice3A_1531 = vector.extract_strided_slice %dot_general3A_532 {offsets = [480, 0], sizes = [8, 8192], strides = [1, 1]} : vector<512x8192xf32> to vector<8x8192xf32>
    %gt3A_1532 = arith.cmpf ogt, %slice3A_1531, %select_n3A_1525 : vector<8x8192xf32>
    %select_n3A_1533 = arith.select %gt3A_1532, %slice3A_1531, %select_n3A_1525 : vector<8x8192xi1>, vector<8x8192xf32>
    %add3A_1534 = arith.constant 480 : i32
    %add3A_1535 = arith.addi %add3A_1055, %add3A_1534 : i32
    %add3A_1536 = vector.broadcast %add3A_1535 : i32 to vector<8x8192xi32>
    %add3A_1537 = arith.addi %iota3A, %add3A_1536 : vector<8x8192xi32>
    %select_n3A_1538 = arith.select %gt3A_1532, %add3A_1537, %select_n3A_1530 : vector<8x8192xi1>, vector<8x8192xi32>
    %slice3A_1539 = vector.extract_strided_slice %dot_general3A_532 {offsets = [488, 0], sizes = [8, 8192], strides = [1, 1]} : vector<512x8192xf32> to vector<8x8192xf32>
    %gt3A_1540 = arith.cmpf ogt, %slice3A_1539, %select_n3A_1533 : vector<8x8192xf32>
    %select_n3A_1541 = arith.select %gt3A_1540, %slice3A_1539, %select_n3A_1533 : vector<8x8192xi1>, vector<8x8192xf32>
    %add3A_1542 = arith.constant 488 : i32
    %add3A_1543 = arith.addi %add3A_1055, %add3A_1542 : i32
    %add3A_1544 = vector.broadcast %add3A_1543 : i32 to vector<8x8192xi32>
    %add3A_1545 = arith.addi %iota3A, %add3A_1544 : vector<8x8192xi32>
    %select_n3A_1546 = arith.select %gt3A_1540, %add3A_1545, %select_n3A_1538 : vector<8x8192xi1>, vector<8x8192xi32>
    %slice3A_1547 = vector.extract_strided_slice %dot_general3A_532 {offsets = [496, 0], sizes = [8, 8192], strides = [1, 1]} : vector<512x8192xf32> to vector<8x8192xf32>
    %gt3A_1548 = arith.cmpf ogt, %slice3A_1547, %select_n3A_1541 : vector<8x8192xf32>
    %select_n3A_1549 = arith.select %gt3A_1548, %slice3A_1547, %select_n3A_1541 : vector<8x8192xi1>, vector<8x8192xf32>
    %add3A_1550 = arith.constant 496 : i32
    %add3A_1551 = arith.addi %add3A_1055, %add3A_1550 : i32
    %add3A_1552 = vector.broadcast %add3A_1551 : i32 to vector<8x8192xi32>
    %add3A_1553 = arith.addi %iota3A, %add3A_1552 : vector<8x8192xi32>
    %select_n3A_1554 = arith.select %gt3A_1548, %add3A_1553, %select_n3A_1546 : vector<8x8192xi1>, vector<8x8192xi32>
    %slice3A_1555 = vector.extract_strided_slice %dot_general3A_532 {offsets = [504, 0], sizes = [8, 8192], strides = [1, 1]} : vector<512x8192xf32> to vector<8x8192xf32>
    %gt3A_1556 = arith.cmpf ogt, %slice3A_1555, %select_n3A_1549 : vector<8x8192xf32>
    %select_n3A_1557 = arith.select %gt3A_1556, %slice3A_1555, %select_n3A_1549 : vector<8x8192xi1>, vector<8x8192xf32>
    %add3A_1558 = arith.constant 504 : i32
    %add3A_1559 = arith.addi %add3A_1055, %add3A_1558 : i32
    %add3A_1560 = vector.broadcast %add3A_1559 : i32 to vector<8x8192xi32>
    %add3A_1561 = arith.addi %iota3A, %add3A_1560 : vector<8x8192xi32>
    %select_n3A_1562 = arith.select %gt3A_1556, %add3A_1561, %select_n3A_1554 : vector<8x8192xi1>, vector<8x8192xi32>
    %gt3A_1563 = arith.cmpf ogt, %select_n3A_1557, %select_n3A_1045 : vector<8x8192xf32>
    %select_n3A_1564 = arith.select %gt3A_1563, %select_n3A_1557, %select_n3A_1045 : vector<8x8192xi1>, vector<8x8192xf32>
    %select_n3A_1565 = arith.select %gt3A_1563, %select_n3A_1562, %select_n3A_1046 : vector<8x8192xi1>, vector<8x8192xi32>
    %mul3A_1566 = arith.constant 2048 : i32
    %mul3A_1567 = arith.muli %arg0, %mul3A_1566 : i32
    %add3A_1568 = arith.constant 1536 : i32
    %add3A_1569 = arith.addi %mul3A_1567, %add3A_1568 : i32
    %slice3A_1570 = vector.extract_strided_slice %dot_general3A_1051 {offsets = [0, 0], sizes = [8, 8192], strides = [1, 1]} : vector<512x8192xf32> to vector<8x8192xf32>
    %add3A_1571 = vector.broadcast %add3A_1569 : i32 to vector<8x8192xi32>
    %add3A_1572 = arith.addi %iota3A, %add3A_1571 : vector<8x8192xi32>
    %slice3A_1573 = vector.extract_strided_slice %dot_general3A_1051 {offsets = [8, 0], sizes = [8, 8192], strides = [1, 1]} : vector<512x8192xf32> to vector<8x8192xf32>
    %gt3A_1574 = arith.cmpf ogt, %slice3A_1573, %slice3A_1570 : vector<8x8192xf32>
    %select_n3A_1575 = arith.select %gt3A_1574, %slice3A_1573, %slice3A_1570 : vector<8x8192xi1>, vector<8x8192xf32>
    %add3A_1576 = arith.constant 8 : i32
    %add3A_1577 = arith.addi %add3A_1569, %add3A_1576 : i32
    %add3A_1578 = vector.broadcast %add3A_1577 : i32 to vector<8x8192xi32>
    %add3A_1579 = arith.addi %iota3A, %add3A_1578 : vector<8x8192xi32>
    %select_n3A_1580 = arith.select %gt3A_1574, %add3A_1579, %add3A_1572 : vector<8x8192xi1>, vector<8x8192xi32>
    %slice3A_1581 = vector.extract_strided_slice %dot_general3A_1051 {offsets = [16, 0], sizes = [8, 8192], strides = [1, 1]} : vector<512x8192xf32> to vector<8x8192xf32>
    %gt3A_1582 = arith.cmpf ogt, %slice3A_1581, %select_n3A_1575 : vector<8x8192xf32>
    %select_n3A_1583 = arith.select %gt3A_1582, %slice3A_1581, %select_n3A_1575 : vector<8x8192xi1>, vector<8x8192xf32>
    %add3A_1584 = arith.constant 16 : i32
    %add3A_1585 = arith.addi %add3A_1569, %add3A_1584 : i32
    %add3A_1586 = vector.broadcast %add3A_1585 : i32 to vector<8x8192xi32>
    %add3A_1587 = arith.addi %iota3A, %add3A_1586 : vector<8x8192xi32>
    %select_n3A_1588 = arith.select %gt3A_1582, %add3A_1587, %select_n3A_1580 : vector<8x8192xi1>, vector<8x8192xi32>
    %slice3A_1589 = vector.extract_strided_slice %dot_general3A_1051 {offsets = [24, 0], sizes = [8, 8192], strides = [1, 1]} : vector<512x8192xf32> to vector<8x8192xf32>
    %gt3A_1590 = arith.cmpf ogt, %slice3A_1589, %select_n3A_1583 : vector<8x8192xf32>
    %select_n3A_1591 = arith.select %gt3A_1590, %slice3A_1589, %select_n3A_1583 : vector<8x8192xi1>, vector<8x8192xf32>
    %add3A_1592 = arith.constant 24 : i32
    %add3A_1593 = arith.addi %add3A_1569, %add3A_1592 : i32
    %add3A_1594 = vector.broadcast %add3A_1593 : i32 to vector<8x8192xi32>
    %add3A_1595 = arith.addi %iota3A, %add3A_1594 : vector<8x8192xi32>
    %select_n3A_1596 = arith.select %gt3A_1590, %add3A_1595, %select_n3A_1588 : vector<8x8192xi1>, vector<8x8192xi32>
    %slice3A_1597 = vector.extract_strided_slice %dot_general3A_1051 {offsets = [32, 0], sizes = [8, 8192], strides = [1, 1]} : vector<512x8192xf32> to vector<8x8192xf32>
    %gt3A_1598 = arith.cmpf ogt, %slice3A_1597, %select_n3A_1591 : vector<8x8192xf32>
    %select_n3A_1599 = arith.select %gt3A_1598, %slice3A_1597, %select_n3A_1591 : vector<8x8192xi1>, vector<8x8192xf32>
    %add3A_1600 = arith.constant 32 : i32
    %add3A_1601 = arith.addi %add3A_1569, %add3A_1600 : i32
    %add3A_1602 = vector.broadcast %add3A_1601 : i32 to vector<8x8192xi32>
    %add3A_1603 = arith.addi %iota3A, %add3A_1602 : vector<8x8192xi32>
    %select_n3A_1604 = arith.select %gt3A_1598, %add3A_1603, %select_n3A_1596 : vector<8x8192xi1>, vector<8x8192xi32>
    %slice3A_1605 = vector.extract_strided_slice %dot_general3A_1051 {offsets = [40, 0], sizes = [8, 8192], strides = [1, 1]} : vector<512x8192xf32> to vector<8x8192xf32>
    %gt3A_1606 = arith.cmpf ogt, %slice3A_1605, %select_n3A_1599 : vector<8x8192xf32>
    %select_n3A_1607 = arith.select %gt3A_1606, %slice3A_1605, %select_n3A_1599 : vector<8x8192xi1>, vector<8x8192xf32>
    %add3A_1608 = arith.constant 40 : i32
    %add3A_1609 = arith.addi %add3A_1569, %add3A_1608 : i32
    %add3A_1610 = vector.broadcast %add3A_1609 : i32 to vector<8x8192xi32>
    %add3A_1611 = arith.addi %iota3A, %add3A_1610 : vector<8x8192xi32>
    %select_n3A_1612 = arith.select %gt3A_1606, %add3A_1611, %select_n3A_1604 : vector<8x8192xi1>, vector<8x8192xi32>
    %slice3A_1613 = vector.extract_strided_slice %dot_general3A_1051 {offsets = [48, 0], sizes = [8, 8192], strides = [1, 1]} : vector<512x8192xf32> to vector<8x8192xf32>
    %gt3A_1614 = arith.cmpf ogt, %slice3A_1613, %select_n3A_1607 : vector<8x8192xf32>
    %select_n3A_1615 = arith.select %gt3A_1614, %slice3A_1613, %select_n3A_1607 : vector<8x8192xi1>, vector<8x8192xf32>
    %add3A_1616 = arith.constant 48 : i32
    %add3A_1617 = arith.addi %add3A_1569, %add3A_1616 : i32
    %add3A_1618 = vector.broadcast %add3A_1617 : i32 to vector<8x8192xi32>
    %add3A_1619 = arith.addi %iota3A, %add3A_1618 : vector<8x8192xi32>
    %select_n3A_1620 = arith.select %gt3A_1614, %add3A_1619, %select_n3A_1612 : vector<8x8192xi1>, vector<8x8192xi32>
    %slice3A_1621 = vector.extract_strided_slice %dot_general3A_1051 {offsets = [56, 0], sizes = [8, 8192], strides = [1, 1]} : vector<512x8192xf32> to vector<8x8192xf32>
    %gt3A_1622 = arith.cmpf ogt, %slice3A_1621, %select_n3A_1615 : vector<8x8192xf32>
    %select_n3A_1623 = arith.select %gt3A_1622, %slice3A_1621, %select_n3A_1615 : vector<8x8192xi1>, vector<8x8192xf32>
    %add3A_1624 = arith.constant 56 : i32
    %add3A_1625 = arith.addi %add3A_1569, %add3A_1624 : i32
    %add3A_1626 = vector.broadcast %add3A_1625 : i32 to vector<8x8192xi32>
    %add3A_1627 = arith.addi %iota3A, %add3A_1626 : vector<8x8192xi32>
    %select_n3A_1628 = arith.select %gt3A_1622, %add3A_1627, %select_n3A_1620 : vector<8x8192xi1>, vector<8x8192xi32>
    %slice3A_1629 = vector.extract_strided_slice %dot_general3A_1051 {offsets = [64, 0], sizes = [8, 8192], strides = [1, 1]} : vector<512x8192xf32> to vector<8x8192xf32>
    %gt3A_1630 = arith.cmpf ogt, %slice3A_1629, %select_n3A_1623 : vector<8x8192xf32>
    %select_n3A_1631 = arith.select %gt3A_1630, %slice3A_1629, %select_n3A_1623 : vector<8x8192xi1>, vector<8x8192xf32>
    %add3A_1632 = arith.constant 64 : i32
    %add3A_1633 = arith.addi %add3A_1569, %add3A_1632 : i32
    %add3A_1634 = vector.broadcast %add3A_1633 : i32 to vector<8x8192xi32>
    %add3A_1635 = arith.addi %iota3A, %add3A_1634 : vector<8x8192xi32>
    %select_n3A_1636 = arith.select %gt3A_1630, %add3A_1635, %select_n3A_1628 : vector<8x8192xi1>, vector<8x8192xi32>
    %slice3A_1637 = vector.extract_strided_slice %dot_general3A_1051 {offsets = [72, 0], sizes = [8, 8192], strides = [1, 1]} : vector<512x8192xf32> to vector<8x8192xf32>
    %gt3A_1638 = arith.cmpf ogt, %slice3A_1637, %select_n3A_1631 : vector<8x8192xf32>
    %select_n3A_1639 = arith.select %gt3A_1638, %slice3A_1637, %select_n3A_1631 : vector<8x8192xi1>, vector<8x8192xf32>
    %add3A_1640 = arith.constant 72 : i32
    %add3A_1641 = arith.addi %add3A_1569, %add3A_1640 : i32
    %add3A_1642 = vector.broadcast %add3A_1641 : i32 to vector<8x8192xi32>
    %add3A_1643 = arith.addi %iota3A, %add3A_1642 : vector<8x8192xi32>
    %select_n3A_1644 = arith.select %gt3A_1638, %add3A_1643, %select_n3A_1636 : vector<8x8192xi1>, vector<8x8192xi32>
    %slice3A_1645 = vector.extract_strided_slice %dot_general3A_1051 {offsets = [80, 0], sizes = [8, 8192], strides = [1, 1]} : vector<512x8192xf32> to vector<8x8192xf32>
    %gt3A_1646 = arith.cmpf ogt, %slice3A_1645, %select_n3A_1639 : vector<8x8192xf32>
    %select_n3A_1647 = arith.select %gt3A_1646, %slice3A_1645, %select_n3A_1639 : vector<8x8192xi1>, vector<8x8192xf32>
    %add3A_1648 = arith.constant 80 : i32
    %add3A_1649 = arith.addi %add3A_1569, %add3A_1648 : i32
    %add3A_1650 = vector.broadcast %add3A_1649 : i32 to vector<8x8192xi32>
    %add3A_1651 = arith.addi %iota3A, %add3A_1650 : vector<8x8192xi32>
    %select_n3A_1652 = arith.select %gt3A_1646, %add3A_1651, %select_n3A_1644 : vector<8x8192xi1>, vector<8x8192xi32>
    %slice3A_1653 = vector.extract_strided_slice %dot_general3A_1051 {offsets = [88, 0], sizes = [8, 8192], strides = [1, 1]} : vector<512x8192xf32> to vector<8x8192xf32>
    %gt3A_1654 = arith.cmpf ogt, %slice3A_1653, %select_n3A_1647 : vector<8x8192xf32>
    %select_n3A_1655 = arith.select %gt3A_1654, %slice3A_1653, %select_n3A_1647 : vector<8x8192xi1>, vector<8x8192xf32>
    %add3A_1656 = arith.constant 88 : i32
    %add3A_1657 = arith.addi %add3A_1569, %add3A_1656 : i32
    %add3A_1658 = vector.broadcast %add3A_1657 : i32 to vector<8x8192xi32>
    %add3A_1659 = arith.addi %iota3A, %add3A_1658 : vector<8x8192xi32>
    %select_n3A_1660 = arith.select %gt3A_1654, %add3A_1659, %select_n3A_1652 : vector<8x8192xi1>, vector<8x8192xi32>
    %slice3A_1661 = vector.extract_strided_slice %dot_general3A_1051 {offsets = [96, 0], sizes = [8, 8192], strides = [1, 1]} : vector<512x8192xf32> to vector<8x8192xf32>
    %gt3A_1662 = arith.cmpf ogt, %slice3A_1661, %select_n3A_1655 : vector<8x8192xf32>
    %select_n3A_1663 = arith.select %gt3A_1662, %slice3A_1661, %select_n3A_1655 : vector<8x8192xi1>, vector<8x8192xf32>
    %add3A_1664 = arith.constant 96 : i32
    %add3A_1665 = arith.addi %add3A_1569, %add3A_1664 : i32
    %add3A_1666 = vector.broadcast %add3A_1665 : i32 to vector<8x8192xi32>
    %add3A_1667 = arith.addi %iota3A, %add3A_1666 : vector<8x8192xi32>
    %select_n3A_1668 = arith.select %gt3A_1662, %add3A_1667, %select_n3A_1660 : vector<8x8192xi1>, vector<8x8192xi32>
    %slice3A_1669 = vector.extract_strided_slice %dot_general3A_1051 {offsets = [104, 0], sizes = [8, 8192], strides = [1, 1]} : vector<512x8192xf32> to vector<8x8192xf32>
    %gt3A_1670 = arith.cmpf ogt, %slice3A_1669, %select_n3A_1663 : vector<8x8192xf32>
    %select_n3A_1671 = arith.select %gt3A_1670, %slice3A_1669, %select_n3A_1663 : vector<8x8192xi1>, vector<8x8192xf32>
    %add3A_1672 = arith.constant 104 : i32
    %add3A_1673 = arith.addi %add3A_1569, %add3A_1672 : i32
    %add3A_1674 = vector.broadcast %add3A_1673 : i32 to vector<8x8192xi32>
    %add3A_1675 = arith.addi %iota3A, %add3A_1674 : vector<8x8192xi32>
    %select_n3A_1676 = arith.select %gt3A_1670, %add3A_1675, %select_n3A_1668 : vector<8x8192xi1>, vector<8x8192xi32>
    %slice3A_1677 = vector.extract_strided_slice %dot_general3A_1051 {offsets = [112, 0], sizes = [8, 8192], strides = [1, 1]} : vector<512x8192xf32> to vector<8x8192xf32>
    %gt3A_1678 = arith.cmpf ogt, %slice3A_1677, %select_n3A_1671 : vector<8x8192xf32>
    %select_n3A_1679 = arith.select %gt3A_1678, %slice3A_1677, %select_n3A_1671 : vector<8x8192xi1>, vector<8x8192xf32>
    %add3A_1680 = arith.constant 112 : i32
    %add3A_1681 = arith.addi %add3A_1569, %add3A_1680 : i32
    %add3A_1682 = vector.broadcast %add3A_1681 : i32 to vector<8x8192xi32>
    %add3A_1683 = arith.addi %iota3A, %add3A_1682 : vector<8x8192xi32>
    %select_n3A_1684 = arith.select %gt3A_1678, %add3A_1683, %select_n3A_1676 : vector<8x8192xi1>, vector<8x8192xi32>
    %slice3A_1685 = vector.extract_strided_slice %dot_general3A_1051 {offsets = [120, 0], sizes = [8, 8192], strides = [1, 1]} : vector<512x8192xf32> to vector<8x8192xf32>
    %gt3A_1686 = arith.cmpf ogt, %slice3A_1685, %select_n3A_1679 : vector<8x8192xf32>
    %select_n3A_1687 = arith.select %gt3A_1686, %slice3A_1685, %select_n3A_1679 : vector<8x8192xi1>, vector<8x8192xf32>
    %add3A_1688 = arith.constant 120 : i32
    %add3A_1689 = arith.addi %add3A_1569, %add3A_1688 : i32
    %add3A_1690 = vector.broadcast %add3A_1689 : i32 to vector<8x8192xi32>
    %add3A_1691 = arith.addi %iota3A, %add3A_1690 : vector<8x8192xi32>
    %select_n3A_1692 = arith.select %gt3A_1686, %add3A_1691, %select_n3A_1684 : vector<8x8192xi1>, vector<8x8192xi32>
    %slice3A_1693 = vector.extract_strided_slice %dot_general3A_1051 {offsets = [128, 0], sizes = [8, 8192], strides = [1, 1]} : vector<512x8192xf32> to vector<8x8192xf32>
    %gt3A_1694 = arith.cmpf ogt, %slice3A_1693, %select_n3A_1687 : vector<8x8192xf32>
    %select_n3A_1695 = arith.select %gt3A_1694, %slice3A_1693, %select_n3A_1687 : vector<8x8192xi1>, vector<8x8192xf32>
    %add3A_1696 = arith.constant 128 : i32
    %add3A_1697 = arith.addi %add3A_1569, %add3A_1696 : i32
    %add3A_1698 = vector.broadcast %add3A_1697 : i32 to vector<8x8192xi32>
    %add3A_1699 = arith.addi %iota3A, %add3A_1698 : vector<8x8192xi32>
    %select_n3A_1700 = arith.select %gt3A_1694, %add3A_1699, %select_n3A_1692 : vector<8x8192xi1>, vector<8x8192xi32>
    %slice3A_1701 = vector.extract_strided_slice %dot_general3A_1051 {offsets = [136, 0], sizes = [8, 8192], strides = [1, 1]} : vector<512x8192xf32> to vector<8x8192xf32>
    %gt3A_1702 = arith.cmpf ogt, %slice3A_1701, %select_n3A_1695 : vector<8x8192xf32>
    %select_n3A_1703 = arith.select %gt3A_1702, %slice3A_1701, %select_n3A_1695 : vector<8x8192xi1>, vector<8x8192xf32>
    %add3A_1704 = arith.constant 136 : i32
    %add3A_1705 = arith.addi %add3A_1569, %add3A_1704 : i32
    %add3A_1706 = vector.broadcast %add3A_1705 : i32 to vector<8x8192xi32>
    %add3A_1707 = arith.addi %iota3A, %add3A_1706 : vector<8x8192xi32>
    %select_n3A_1708 = arith.select %gt3A_1702, %add3A_1707, %select_n3A_1700 : vector<8x8192xi1>, vector<8x8192xi32>
    %slice3A_1709 = vector.extract_strided_slice %dot_general3A_1051 {offsets = [144, 0], sizes = [8, 8192], strides = [1, 1]} : vector<512x8192xf32> to vector<8x8192xf32>
    %gt3A_1710 = arith.cmpf ogt, %slice3A_1709, %select_n3A_1703 : vector<8x8192xf32>
    %select_n3A_1711 = arith.select %gt3A_1710, %slice3A_1709, %select_n3A_1703 : vector<8x8192xi1>, vector<8x8192xf32>
    %add3A_1712 = arith.constant 144 : i32
    %add3A_1713 = arith.addi %add3A_1569, %add3A_1712 : i32
    %add3A_1714 = vector.broadcast %add3A_1713 : i32 to vector<8x8192xi32>
    %add3A_1715 = arith.addi %iota3A, %add3A_1714 : vector<8x8192xi32>
    %select_n3A_1716 = arith.select %gt3A_1710, %add3A_1715, %select_n3A_1708 : vector<8x8192xi1>, vector<8x8192xi32>
    %slice3A_1717 = vector.extract_strided_slice %dot_general3A_1051 {offsets = [152, 0], sizes = [8, 8192], strides = [1, 1]} : vector<512x8192xf32> to vector<8x8192xf32>
    %gt3A_1718 = arith.cmpf ogt, %slice3A_1717, %select_n3A_1711 : vector<8x8192xf32>
    %select_n3A_1719 = arith.select %gt3A_1718, %slice3A_1717, %select_n3A_1711 : vector<8x8192xi1>, vector<8x8192xf32>
    %add3A_1720 = arith.constant 152 : i32
    %add3A_1721 = arith.addi %add3A_1569, %add3A_1720 : i32
    %add3A_1722 = vector.broadcast %add3A_1721 : i32 to vector<8x8192xi32>
    %add3A_1723 = arith.addi %iota3A, %add3A_1722 : vector<8x8192xi32>
    %select_n3A_1724 = arith.select %gt3A_1718, %add3A_1723, %select_n3A_1716 : vector<8x8192xi1>, vector<8x8192xi32>
    %slice3A_1725 = vector.extract_strided_slice %dot_general3A_1051 {offsets = [160, 0], sizes = [8, 8192], strides = [1, 1]} : vector<512x8192xf32> to vector<8x8192xf32>
    %gt3A_1726 = arith.cmpf ogt, %slice3A_1725, %select_n3A_1719 : vector<8x8192xf32>
    %select_n3A_1727 = arith.select %gt3A_1726, %slice3A_1725, %select_n3A_1719 : vector<8x8192xi1>, vector<8x8192xf32>
    %add3A_1728 = arith.constant 160 : i32
    %add3A_1729 = arith.addi %add3A_1569, %add3A_1728 : i32
    %add3A_1730 = vector.broadcast %add3A_1729 : i32 to vector<8x8192xi32>
    %add3A_1731 = arith.addi %iota3A, %add3A_1730 : vector<8x8192xi32>
    %select_n3A_1732 = arith.select %gt3A_1726, %add3A_1731, %select_n3A_1724 : vector<8x8192xi1>, vector<8x8192xi32>
    %slice3A_1733 = vector.extract_strided_slice %dot_general3A_1051 {offsets = [168, 0], sizes = [8, 8192], strides = [1, 1]} : vector<512x8192xf32> to vector<8x8192xf32>
    %gt3A_1734 = arith.cmpf ogt, %slice3A_1733, %select_n3A_1727 : vector<8x8192xf32>
    %select_n3A_1735 = arith.select %gt3A_1734, %slice3A_1733, %select_n3A_1727 : vector<8x8192xi1>, vector<8x8192xf32>
    %add3A_1736 = arith.constant 168 : i32
    %add3A_1737 = arith.addi %add3A_1569, %add3A_1736 : i32
    %add3A_1738 = vector.broadcast %add3A_1737 : i32 to vector<8x8192xi32>
    %add3A_1739 = arith.addi %iota3A, %add3A_1738 : vector<8x8192xi32>
    %select_n3A_1740 = arith.select %gt3A_1734, %add3A_1739, %select_n3A_1732 : vector<8x8192xi1>, vector<8x8192xi32>
    %slice3A_1741 = vector.extract_strided_slice %dot_general3A_1051 {offsets = [176, 0], sizes = [8, 8192], strides = [1, 1]} : vector<512x8192xf32> to vector<8x8192xf32>
    %gt3A_1742 = arith.cmpf ogt, %slice3A_1741, %select_n3A_1735 : vector<8x8192xf32>
    %select_n3A_1743 = arith.select %gt3A_1742, %slice3A_1741, %select_n3A_1735 : vector<8x8192xi1>, vector<8x8192xf32>
    %add3A_1744 = arith.constant 176 : i32
    %add3A_1745 = arith.addi %add3A_1569, %add3A_1744 : i32
    %add3A_1746 = vector.broadcast %add3A_1745 : i32 to vector<8x8192xi32>
    %add3A_1747 = arith.addi %iota3A, %add3A_1746 : vector<8x8192xi32>
    %select_n3A_1748 = arith.select %gt3A_1742, %add3A_1747, %select_n3A_1740 : vector<8x8192xi1>, vector<8x8192xi32>
    %slice3A_1749 = vector.extract_strided_slice %dot_general3A_1051 {offsets = [184, 0], sizes = [8, 8192], strides = [1, 1]} : vector<512x8192xf32> to vector<8x8192xf32>
    %gt3A_1750 = arith.cmpf ogt, %slice3A_1749, %select_n3A_1743 : vector<8x8192xf32>
    %select_n3A_1751 = arith.select %gt3A_1750, %slice3A_1749, %select_n3A_1743 : vector<8x8192xi1>, vector<8x8192xf32>
    %add3A_1752 = arith.constant 184 : i32
    %add3A_1753 = arith.addi %add3A_1569, %add3A_1752 : i32
    %add3A_1754 = vector.broadcast %add3A_1753 : i32 to vector<8x8192xi32>
    %add3A_1755 = arith.addi %iota3A, %add3A_1754 : vector<8x8192xi32>
    %select_n3A_1756 = arith.select %gt3A_1750, %add3A_1755, %select_n3A_1748 : vector<8x8192xi1>, vector<8x8192xi32>
    %slice3A_1757 = vector.extract_strided_slice %dot_general3A_1051 {offsets = [192, 0], sizes = [8, 8192], strides = [1, 1]} : vector<512x8192xf32> to vector<8x8192xf32>
    %gt3A_1758 = arith.cmpf ogt, %slice3A_1757, %select_n3A_1751 : vector<8x8192xf32>
    %select_n3A_1759 = arith.select %gt3A_1758, %slice3A_1757, %select_n3A_1751 : vector<8x8192xi1>, vector<8x8192xf32>
    %add3A_1760 = arith.constant 192 : i32
    %add3A_1761 = arith.addi %add3A_1569, %add3A_1760 : i32
    %add3A_1762 = vector.broadcast %add3A_1761 : i32 to vector<8x8192xi32>
    %add3A_1763 = arith.addi %iota3A, %add3A_1762 : vector<8x8192xi32>
    %select_n3A_1764 = arith.select %gt3A_1758, %add3A_1763, %select_n3A_1756 : vector<8x8192xi1>, vector<8x8192xi32>
    %slice3A_1765 = vector.extract_strided_slice %dot_general3A_1051 {offsets = [200, 0], sizes = [8, 8192], strides = [1, 1]} : vector<512x8192xf32> to vector<8x8192xf32>
    %gt3A_1766 = arith.cmpf ogt, %slice3A_1765, %select_n3A_1759 : vector<8x8192xf32>
    %select_n3A_1767 = arith.select %gt3A_1766, %slice3A_1765, %select_n3A_1759 : vector<8x8192xi1>, vector<8x8192xf32>
    %add3A_1768 = arith.constant 200 : i32
    %add3A_1769 = arith.addi %add3A_1569, %add3A_1768 : i32
    %add3A_1770 = vector.broadcast %add3A_1769 : i32 to vector<8x8192xi32>
    %add3A_1771 = arith.addi %iota3A, %add3A_1770 : vector<8x8192xi32>
    %select_n3A_1772 = arith.select %gt3A_1766, %add3A_1771, %select_n3A_1764 : vector<8x8192xi1>, vector<8x8192xi32>
    %slice3A_1773 = vector.extract_strided_slice %dot_general3A_1051 {offsets = [208, 0], sizes = [8, 8192], strides = [1, 1]} : vector<512x8192xf32> to vector<8x8192xf32>
    %gt3A_1774 = arith.cmpf ogt, %slice3A_1773, %select_n3A_1767 : vector<8x8192xf32>
    %select_n3A_1775 = arith.select %gt3A_1774, %slice3A_1773, %select_n3A_1767 : vector<8x8192xi1>, vector<8x8192xf32>
    %add3A_1776 = arith.constant 208 : i32
    %add3A_1777 = arith.addi %add3A_1569, %add3A_1776 : i32
    %add3A_1778 = vector.broadcast %add3A_1777 : i32 to vector<8x8192xi32>
    %add3A_1779 = arith.addi %iota3A, %add3A_1778 : vector<8x8192xi32>
    %select_n3A_1780 = arith.select %gt3A_1774, %add3A_1779, %select_n3A_1772 : vector<8x8192xi1>, vector<8x8192xi32>
    %slice3A_1781 = vector.extract_strided_slice %dot_general3A_1051 {offsets = [216, 0], sizes = [8, 8192], strides = [1, 1]} : vector<512x8192xf32> to vector<8x8192xf32>
    %gt3A_1782 = arith.cmpf ogt, %slice3A_1781, %select_n3A_1775 : vector<8x8192xf32>
    %select_n3A_1783 = arith.select %gt3A_1782, %slice3A_1781, %select_n3A_1775 : vector<8x8192xi1>, vector<8x8192xf32>
    %add3A_1784 = arith.constant 216 : i32
    %add3A_1785 = arith.addi %add3A_1569, %add3A_1784 : i32
    %add3A_1786 = vector.broadcast %add3A_1785 : i32 to vector<8x8192xi32>
    %add3A_1787 = arith.addi %iota3A, %add3A_1786 : vector<8x8192xi32>
    %select_n3A_1788 = arith.select %gt3A_1782, %add3A_1787, %select_n3A_1780 : vector<8x8192xi1>, vector<8x8192xi32>
    %slice3A_1789 = vector.extract_strided_slice %dot_general3A_1051 {offsets = [224, 0], sizes = [8, 8192], strides = [1, 1]} : vector<512x8192xf32> to vector<8x8192xf32>
    %gt3A_1790 = arith.cmpf ogt, %slice3A_1789, %select_n3A_1783 : vector<8x8192xf32>
    %select_n3A_1791 = arith.select %gt3A_1790, %slice3A_1789, %select_n3A_1783 : vector<8x8192xi1>, vector<8x8192xf32>
    %add3A_1792 = arith.constant 224 : i32
    %add3A_1793 = arith.addi %add3A_1569, %add3A_1792 : i32
    %add3A_1794 = vector.broadcast %add3A_1793 : i32 to vector<8x8192xi32>
    %add3A_1795 = arith.addi %iota3A, %add3A_1794 : vector<8x8192xi32>
    %select_n3A_1796 = arith.select %gt3A_1790, %add3A_1795, %select_n3A_1788 : vector<8x8192xi1>, vector<8x8192xi32>
    %slice3A_1797 = vector.extract_strided_slice %dot_general3A_1051 {offsets = [232, 0], sizes = [8, 8192], strides = [1, 1]} : vector<512x8192xf32> to vector<8x8192xf32>
    %gt3A_1798 = arith.cmpf ogt, %slice3A_1797, %select_n3A_1791 : vector<8x8192xf32>
    %select_n3A_1799 = arith.select %gt3A_1798, %slice3A_1797, %select_n3A_1791 : vector<8x8192xi1>, vector<8x8192xf32>
    %add3A_1800 = arith.constant 232 : i32
    %add3A_1801 = arith.addi %add3A_1569, %add3A_1800 : i32
    %add3A_1802 = vector.broadcast %add3A_1801 : i32 to vector<8x8192xi32>
    %add3A_1803 = arith.addi %iota3A, %add3A_1802 : vector<8x8192xi32>
    %select_n3A_1804 = arith.select %gt3A_1798, %add3A_1803, %select_n3A_1796 : vector<8x8192xi1>, vector<8x8192xi32>
    %slice3A_1805 = vector.extract_strided_slice %dot_general3A_1051 {offsets = [240, 0], sizes = [8, 8192], strides = [1, 1]} : vector<512x8192xf32> to vector<8x8192xf32>
    %gt3A_1806 = arith.cmpf ogt, %slice3A_1805, %select_n3A_1799 : vector<8x8192xf32>
    %select_n3A_1807 = arith.select %gt3A_1806, %slice3A_1805, %select_n3A_1799 : vector<8x8192xi1>, vector<8x8192xf32>
    %add3A_1808 = arith.constant 240 : i32
    %add3A_1809 = arith.addi %add3A_1569, %add3A_1808 : i32
    %add3A_1810 = vector.broadcast %add3A_1809 : i32 to vector<8x8192xi32>
    %add3A_1811 = arith.addi %iota3A, %add3A_1810 : vector<8x8192xi32>
    %select_n3A_1812 = arith.select %gt3A_1806, %add3A_1811, %select_n3A_1804 : vector<8x8192xi1>, vector<8x8192xi32>
    %slice3A_1813 = vector.extract_strided_slice %dot_general3A_1051 {offsets = [248, 0], sizes = [8, 8192], strides = [1, 1]} : vector<512x8192xf32> to vector<8x8192xf32>
    %gt3A_1814 = arith.cmpf ogt, %slice3A_1813, %select_n3A_1807 : vector<8x8192xf32>
    %select_n3A_1815 = arith.select %gt3A_1814, %slice3A_1813, %select_n3A_1807 : vector<8x8192xi1>, vector<8x8192xf32>
    %add3A_1816 = arith.constant 248 : i32
    %add3A_1817 = arith.addi %add3A_1569, %add3A_1816 : i32
    %add3A_1818 = vector.broadcast %add3A_1817 : i32 to vector<8x8192xi32>
    %add3A_1819 = arith.addi %iota3A, %add3A_1818 : vector<8x8192xi32>
    %select_n3A_1820 = arith.select %gt3A_1814, %add3A_1819, %select_n3A_1812 : vector<8x8192xi1>, vector<8x8192xi32>
    %slice3A_1821 = vector.extract_strided_slice %dot_general3A_1051 {offsets = [256, 0], sizes = [8, 8192], strides = [1, 1]} : vector<512x8192xf32> to vector<8x8192xf32>
    %gt3A_1822 = arith.cmpf ogt, %slice3A_1821, %select_n3A_1815 : vector<8x8192xf32>
    %select_n3A_1823 = arith.select %gt3A_1822, %slice3A_1821, %select_n3A_1815 : vector<8x8192xi1>, vector<8x8192xf32>
    %add3A_1824 = arith.constant 256 : i32
    %add3A_1825 = arith.addi %add3A_1569, %add3A_1824 : i32
    %add3A_1826 = vector.broadcast %add3A_1825 : i32 to vector<8x8192xi32>
    %add3A_1827 = arith.addi %iota3A, %add3A_1826 : vector<8x8192xi32>
    %select_n3A_1828 = arith.select %gt3A_1822, %add3A_1827, %select_n3A_1820 : vector<8x8192xi1>, vector<8x8192xi32>
    %slice3A_1829 = vector.extract_strided_slice %dot_general3A_1051 {offsets = [264, 0], sizes = [8, 8192], strides = [1, 1]} : vector<512x8192xf32> to vector<8x8192xf32>
    %gt3A_1830 = arith.cmpf ogt, %slice3A_1829, %select_n3A_1823 : vector<8x8192xf32>
    %select_n3A_1831 = arith.select %gt3A_1830, %slice3A_1829, %select_n3A_1823 : vector<8x8192xi1>, vector<8x8192xf32>
    %add3A_1832 = arith.constant 264 : i32
    %add3A_1833 = arith.addi %add3A_1569, %add3A_1832 : i32
    %add3A_1834 = vector.broadcast %add3A_1833 : i32 to vector<8x8192xi32>
    %add3A_1835 = arith.addi %iota3A, %add3A_1834 : vector<8x8192xi32>
    %select_n3A_1836 = arith.select %gt3A_1830, %add3A_1835, %select_n3A_1828 : vector<8x8192xi1>, vector<8x8192xi32>
    %slice3A_1837 = vector.extract_strided_slice %dot_general3A_1051 {offsets = [272, 0], sizes = [8, 8192], strides = [1, 1]} : vector<512x8192xf32> to vector<8x8192xf32>
    %gt3A_1838 = arith.cmpf ogt, %slice3A_1837, %select_n3A_1831 : vector<8x8192xf32>
    %select_n3A_1839 = arith.select %gt3A_1838, %slice3A_1837, %select_n3A_1831 : vector<8x8192xi1>, vector<8x8192xf32>
    %add3A_1840 = arith.constant 272 : i32
    %add3A_1841 = arith.addi %add3A_1569, %add3A_1840 : i32
    %add3A_1842 = vector.broadcast %add3A_1841 : i32 to vector<8x8192xi32>
    %add3A_1843 = arith.addi %iota3A, %add3A_1842 : vector<8x8192xi32>
    %select_n3A_1844 = arith.select %gt3A_1838, %add3A_1843, %select_n3A_1836 : vector<8x8192xi1>, vector<8x8192xi32>
    %slice3A_1845 = vector.extract_strided_slice %dot_general3A_1051 {offsets = [280, 0], sizes = [8, 8192], strides = [1, 1]} : vector<512x8192xf32> to vector<8x8192xf32>
    %gt3A_1846 = arith.cmpf ogt, %slice3A_1845, %select_n3A_1839 : vector<8x8192xf32>
    %select_n3A_1847 = arith.select %gt3A_1846, %slice3A_1845, %select_n3A_1839 : vector<8x8192xi1>, vector<8x8192xf32>
    %add3A_1848 = arith.constant 280 : i32
    %add3A_1849 = arith.addi %add3A_1569, %add3A_1848 : i32
    %add3A_1850 = vector.broadcast %add3A_1849 : i32 to vector<8x8192xi32>
    %add3A_1851 = arith.addi %iota3A, %add3A_1850 : vector<8x8192xi32>
    %select_n3A_1852 = arith.select %gt3A_1846, %add3A_1851, %select_n3A_1844 : vector<8x8192xi1>, vector<8x8192xi32>
    %slice3A_1853 = vector.extract_strided_slice %dot_general3A_1051 {offsets = [288, 0], sizes = [8, 8192], strides = [1, 1]} : vector<512x8192xf32> to vector<8x8192xf32>
    %gt3A_1854 = arith.cmpf ogt, %slice3A_1853, %select_n3A_1847 : vector<8x8192xf32>
    %select_n3A_1855 = arith.select %gt3A_1854, %slice3A_1853, %select_n3A_1847 : vector<8x8192xi1>, vector<8x8192xf32>
    %add3A_1856 = arith.constant 288 : i32
    %add3A_1857 = arith.addi %add3A_1569, %add3A_1856 : i32
    %add3A_1858 = vector.broadcast %add3A_1857 : i32 to vector<8x8192xi32>
    %add3A_1859 = arith.addi %iota3A, %add3A_1858 : vector<8x8192xi32>
    %select_n3A_1860 = arith.select %gt3A_1854, %add3A_1859, %select_n3A_1852 : vector<8x8192xi1>, vector<8x8192xi32>
    %slice3A_1861 = vector.extract_strided_slice %dot_general3A_1051 {offsets = [296, 0], sizes = [8, 8192], strides = [1, 1]} : vector<512x8192xf32> to vector<8x8192xf32>
    %gt3A_1862 = arith.cmpf ogt, %slice3A_1861, %select_n3A_1855 : vector<8x8192xf32>
    %select_n3A_1863 = arith.select %gt3A_1862, %slice3A_1861, %select_n3A_1855 : vector<8x8192xi1>, vector<8x8192xf32>
    %add3A_1864 = arith.constant 296 : i32
    %add3A_1865 = arith.addi %add3A_1569, %add3A_1864 : i32
    %add3A_1866 = vector.broadcast %add3A_1865 : i32 to vector<8x8192xi32>
    %add3A_1867 = arith.addi %iota3A, %add3A_1866 : vector<8x8192xi32>
    %select_n3A_1868 = arith.select %gt3A_1862, %add3A_1867, %select_n3A_1860 : vector<8x8192xi1>, vector<8x8192xi32>
    %slice3A_1869 = vector.extract_strided_slice %dot_general3A_1051 {offsets = [304, 0], sizes = [8, 8192], strides = [1, 1]} : vector<512x8192xf32> to vector<8x8192xf32>
    %gt3A_1870 = arith.cmpf ogt, %slice3A_1869, %select_n3A_1863 : vector<8x8192xf32>
    %select_n3A_1871 = arith.select %gt3A_1870, %slice3A_1869, %select_n3A_1863 : vector<8x8192xi1>, vector<8x8192xf32>
    %add3A_1872 = arith.constant 304 : i32
    %add3A_1873 = arith.addi %add3A_1569, %add3A_1872 : i32
    %add3A_1874 = vector.broadcast %add3A_1873 : i32 to vector<8x8192xi32>
    %add3A_1875 = arith.addi %iota3A, %add3A_1874 : vector<8x8192xi32>
    %select_n3A_1876 = arith.select %gt3A_1870, %add3A_1875, %select_n3A_1868 : vector<8x8192xi1>, vector<8x8192xi32>
    %slice3A_1877 = vector.extract_strided_slice %dot_general3A_1051 {offsets = [312, 0], sizes = [8, 8192], strides = [1, 1]} : vector<512x8192xf32> to vector<8x8192xf32>
    %gt3A_1878 = arith.cmpf ogt, %slice3A_1877, %select_n3A_1871 : vector<8x8192xf32>
    %select_n3A_1879 = arith.select %gt3A_1878, %slice3A_1877, %select_n3A_1871 : vector<8x8192xi1>, vector<8x8192xf32>
    %add3A_1880 = arith.constant 312 : i32
    %add3A_1881 = arith.addi %add3A_1569, %add3A_1880 : i32
    %add3A_1882 = vector.broadcast %add3A_1881 : i32 to vector<8x8192xi32>
    %add3A_1883 = arith.addi %iota3A, %add3A_1882 : vector<8x8192xi32>
    %select_n3A_1884 = arith.select %gt3A_1878, %add3A_1883, %select_n3A_1876 : vector<8x8192xi1>, vector<8x8192xi32>
    %slice3A_1885 = vector.extract_strided_slice %dot_general3A_1051 {offsets = [320, 0], sizes = [8, 8192], strides = [1, 1]} : vector<512x8192xf32> to vector<8x8192xf32>
    %gt3A_1886 = arith.cmpf ogt, %slice3A_1885, %select_n3A_1879 : vector<8x8192xf32>
    %select_n3A_1887 = arith.select %gt3A_1886, %slice3A_1885, %select_n3A_1879 : vector<8x8192xi1>, vector<8x8192xf32>
    %add3A_1888 = arith.constant 320 : i32
    %add3A_1889 = arith.addi %add3A_1569, %add3A_1888 : i32
    %add3A_1890 = vector.broadcast %add3A_1889 : i32 to vector<8x8192xi32>
    %add3A_1891 = arith.addi %iota3A, %add3A_1890 : vector<8x8192xi32>
    %select_n3A_1892 = arith.select %gt3A_1886, %add3A_1891, %select_n3A_1884 : vector<8x8192xi1>, vector<8x8192xi32>
    %slice3A_1893 = vector.extract_strided_slice %dot_general3A_1051 {offsets = [328, 0], sizes = [8, 8192], strides = [1, 1]} : vector<512x8192xf32> to vector<8x8192xf32>
    %gt3A_1894 = arith.cmpf ogt, %slice3A_1893, %select_n3A_1887 : vector<8x8192xf32>
    %select_n3A_1895 = arith.select %gt3A_1894, %slice3A_1893, %select_n3A_1887 : vector<8x8192xi1>, vector<8x8192xf32>
    %add3A_1896 = arith.constant 328 : i32
    %add3A_1897 = arith.addi %add3A_1569, %add3A_1896 : i32
    %add3A_1898 = vector.broadcast %add3A_1897 : i32 to vector<8x8192xi32>
    %add3A_1899 = arith.addi %iota3A, %add3A_1898 : vector<8x8192xi32>
    %select_n3A_1900 = arith.select %gt3A_1894, %add3A_1899, %select_n3A_1892 : vector<8x8192xi1>, vector<8x8192xi32>
    %slice3A_1901 = vector.extract_strided_slice %dot_general3A_1051 {offsets = [336, 0], sizes = [8, 8192], strides = [1, 1]} : vector<512x8192xf32> to vector<8x8192xf32>
    %gt3A_1902 = arith.cmpf ogt, %slice3A_1901, %select_n3A_1895 : vector<8x8192xf32>
    %select_n3A_1903 = arith.select %gt3A_1902, %slice3A_1901, %select_n3A_1895 : vector<8x8192xi1>, vector<8x8192xf32>
    %add3A_1904 = arith.constant 336 : i32
    %add3A_1905 = arith.addi %add3A_1569, %add3A_1904 : i32
    %add3A_1906 = vector.broadcast %add3A_1905 : i32 to vector<8x8192xi32>
    %add3A_1907 = arith.addi %iota3A, %add3A_1906 : vector<8x8192xi32>
    %select_n3A_1908 = arith.select %gt3A_1902, %add3A_1907, %select_n3A_1900 : vector<8x8192xi1>, vector<8x8192xi32>
    %slice3A_1909 = vector.extract_strided_slice %dot_general3A_1051 {offsets = [344, 0], sizes = [8, 8192], strides = [1, 1]} : vector<512x8192xf32> to vector<8x8192xf32>
    %gt3A_1910 = arith.cmpf ogt, %slice3A_1909, %select_n3A_1903 : vector<8x8192xf32>
    %select_n3A_1911 = arith.select %gt3A_1910, %slice3A_1909, %select_n3A_1903 : vector<8x8192xi1>, vector<8x8192xf32>
    %add3A_1912 = arith.constant 344 : i32
    %add3A_1913 = arith.addi %add3A_1569, %add3A_1912 : i32
    %add3A_1914 = vector.broadcast %add3A_1913 : i32 to vector<8x8192xi32>
    %add3A_1915 = arith.addi %iota3A, %add3A_1914 : vector<8x8192xi32>
    %select_n3A_1916 = arith.select %gt3A_1910, %add3A_1915, %select_n3A_1908 : vector<8x8192xi1>, vector<8x8192xi32>
    %slice3A_1917 = vector.extract_strided_slice %dot_general3A_1051 {offsets = [352, 0], sizes = [8, 8192], strides = [1, 1]} : vector<512x8192xf32> to vector<8x8192xf32>
    %gt3A_1918 = arith.cmpf ogt, %slice3A_1917, %select_n3A_1911 : vector<8x8192xf32>
    %select_n3A_1919 = arith.select %gt3A_1918, %slice3A_1917, %select_n3A_1911 : vector<8x8192xi1>, vector<8x8192xf32>
    %add3A_1920 = arith.constant 352 : i32
    %add3A_1921 = arith.addi %add3A_1569, %add3A_1920 : i32
    %add3A_1922 = vector.broadcast %add3A_1921 : i32 to vector<8x8192xi32>
    %add3A_1923 = arith.addi %iota3A, %add3A_1922 : vector<8x8192xi32>
    %select_n3A_1924 = arith.select %gt3A_1918, %add3A_1923, %select_n3A_1916 : vector<8x8192xi1>, vector<8x8192xi32>
    %slice3A_1925 = vector.extract_strided_slice %dot_general3A_1051 {offsets = [360, 0], sizes = [8, 8192], strides = [1, 1]} : vector<512x8192xf32> to vector<8x8192xf32>
    %gt3A_1926 = arith.cmpf ogt, %slice3A_1925, %select_n3A_1919 : vector<8x8192xf32>
    %select_n3A_1927 = arith.select %gt3A_1926, %slice3A_1925, %select_n3A_1919 : vector<8x8192xi1>, vector<8x8192xf32>
    %add3A_1928 = arith.constant 360 : i32
    %add3A_1929 = arith.addi %add3A_1569, %add3A_1928 : i32
    %add3A_1930 = vector.broadcast %add3A_1929 : i32 to vector<8x8192xi32>
    %add3A_1931 = arith.addi %iota3A, %add3A_1930 : vector<8x8192xi32>
    %select_n3A_1932 = arith.select %gt3A_1926, %add3A_1931, %select_n3A_1924 : vector<8x8192xi1>, vector<8x8192xi32>
    %slice3A_1933 = vector.extract_strided_slice %dot_general3A_1051 {offsets = [368, 0], sizes = [8, 8192], strides = [1, 1]} : vector<512x8192xf32> to vector<8x8192xf32>
    %gt3A_1934 = arith.cmpf ogt, %slice3A_1933, %select_n3A_1927 : vector<8x8192xf32>
    %select_n3A_1935 = arith.select %gt3A_1934, %slice3A_1933, %select_n3A_1927 : vector<8x8192xi1>, vector<8x8192xf32>
    %add3A_1936 = arith.constant 368 : i32
    %add3A_1937 = arith.addi %add3A_1569, %add3A_1936 : i32
    %add3A_1938 = vector.broadcast %add3A_1937 : i32 to vector<8x8192xi32>
    %add3A_1939 = arith.addi %iota3A, %add3A_1938 : vector<8x8192xi32>
    %select_n3A_1940 = arith.select %gt3A_1934, %add3A_1939, %select_n3A_1932 : vector<8x8192xi1>, vector<8x8192xi32>
    %slice3A_1941 = vector.extract_strided_slice %dot_general3A_1051 {offsets = [376, 0], sizes = [8, 8192], strides = [1, 1]} : vector<512x8192xf32> to vector<8x8192xf32>
    %gt3A_1942 = arith.cmpf ogt, %slice3A_1941, %select_n3A_1935 : vector<8x8192xf32>
    %select_n3A_1943 = arith.select %gt3A_1942, %slice3A_1941, %select_n3A_1935 : vector<8x8192xi1>, vector<8x8192xf32>
    %add3A_1944 = arith.constant 376 : i32
    %add3A_1945 = arith.addi %add3A_1569, %add3A_1944 : i32
    %add3A_1946 = vector.broadcast %add3A_1945 : i32 to vector<8x8192xi32>
    %add3A_1947 = arith.addi %iota3A, %add3A_1946 : vector<8x8192xi32>
    %select_n3A_1948 = arith.select %gt3A_1942, %add3A_1947, %select_n3A_1940 : vector<8x8192xi1>, vector<8x8192xi32>
    %slice3A_1949 = vector.extract_strided_slice %dot_general3A_1051 {offsets = [384, 0], sizes = [8, 8192], strides = [1, 1]} : vector<512x8192xf32> to vector<8x8192xf32>
    %gt3A_1950 = arith.cmpf ogt, %slice3A_1949, %select_n3A_1943 : vector<8x8192xf32>
    %select_n3A_1951 = arith.select %gt3A_1950, %slice3A_1949, %select_n3A_1943 : vector<8x8192xi1>, vector<8x8192xf32>
    %add3A_1952 = arith.constant 384 : i32
    %add3A_1953 = arith.addi %add3A_1569, %add3A_1952 : i32
    %add3A_1954 = vector.broadcast %add3A_1953 : i32 to vector<8x8192xi32>
    %add3A_1955 = arith.addi %iota3A, %add3A_1954 : vector<8x8192xi32>
    %select_n3A_1956 = arith.select %gt3A_1950, %add3A_1955, %select_n3A_1948 : vector<8x8192xi1>, vector<8x8192xi32>
    %slice3A_1957 = vector.extract_strided_slice %dot_general3A_1051 {offsets = [392, 0], sizes = [8, 8192], strides = [1, 1]} : vector<512x8192xf32> to vector<8x8192xf32>
    %gt3A_1958 = arith.cmpf ogt, %slice3A_1957, %select_n3A_1951 : vector<8x8192xf32>
    %select_n3A_1959 = arith.select %gt3A_1958, %slice3A_1957, %select_n3A_1951 : vector<8x8192xi1>, vector<8x8192xf32>
    %add3A_1960 = arith.constant 392 : i32
    %add3A_1961 = arith.addi %add3A_1569, %add3A_1960 : i32
    %add3A_1962 = vector.broadcast %add3A_1961 : i32 to vector<8x8192xi32>
    %add3A_1963 = arith.addi %iota3A, %add3A_1962 : vector<8x8192xi32>
    %select_n3A_1964 = arith.select %gt3A_1958, %add3A_1963, %select_n3A_1956 : vector<8x8192xi1>, vector<8x8192xi32>
    %slice3A_1965 = vector.extract_strided_slice %dot_general3A_1051 {offsets = [400, 0], sizes = [8, 8192], strides = [1, 1]} : vector<512x8192xf32> to vector<8x8192xf32>
    %gt3A_1966 = arith.cmpf ogt, %slice3A_1965, %select_n3A_1959 : vector<8x8192xf32>
    %select_n3A_1967 = arith.select %gt3A_1966, %slice3A_1965, %select_n3A_1959 : vector<8x8192xi1>, vector<8x8192xf32>
    %add3A_1968 = arith.constant 400 : i32
    %add3A_1969 = arith.addi %add3A_1569, %add3A_1968 : i32
    %add3A_1970 = vector.broadcast %add3A_1969 : i32 to vector<8x8192xi32>
    %add3A_1971 = arith.addi %iota3A, %add3A_1970 : vector<8x8192xi32>
    %select_n3A_1972 = arith.select %gt3A_1966, %add3A_1971, %select_n3A_1964 : vector<8x8192xi1>, vector<8x8192xi32>
    %slice3A_1973 = vector.extract_strided_slice %dot_general3A_1051 {offsets = [408, 0], sizes = [8, 8192], strides = [1, 1]} : vector<512x8192xf32> to vector<8x8192xf32>
    %gt3A_1974 = arith.cmpf ogt, %slice3A_1973, %select_n3A_1967 : vector<8x8192xf32>
    %select_n3A_1975 = arith.select %gt3A_1974, %slice3A_1973, %select_n3A_1967 : vector<8x8192xi1>, vector<8x8192xf32>
    %add3A_1976 = arith.constant 408 : i32
    %add3A_1977 = arith.addi %add3A_1569, %add3A_1976 : i32
    %add3A_1978 = vector.broadcast %add3A_1977 : i32 to vector<8x8192xi32>
    %add3A_1979 = arith.addi %iota3A, %add3A_1978 : vector<8x8192xi32>
    %select_n3A_1980 = arith.select %gt3A_1974, %add3A_1979, %select_n3A_1972 : vector<8x8192xi1>, vector<8x8192xi32>
    %slice3A_1981 = vector.extract_strided_slice %dot_general3A_1051 {offsets = [416, 0], sizes = [8, 8192], strides = [1, 1]} : vector<512x8192xf32> to vector<8x8192xf32>
    %gt3A_1982 = arith.cmpf ogt, %slice3A_1981, %select_n3A_1975 : vector<8x8192xf32>
    %select_n3A_1983 = arith.select %gt3A_1982, %slice3A_1981, %select_n3A_1975 : vector<8x8192xi1>, vector<8x8192xf32>
    %add3A_1984 = arith.constant 416 : i32
    %add3A_1985 = arith.addi %add3A_1569, %add3A_1984 : i32
    %add3A_1986 = vector.broadcast %add3A_1985 : i32 to vector<8x8192xi32>
    %add3A_1987 = arith.addi %iota3A, %add3A_1986 : vector<8x8192xi32>
    %select_n3A_1988 = arith.select %gt3A_1982, %add3A_1987, %select_n3A_1980 : vector<8x8192xi1>, vector<8x8192xi32>
    %slice3A_1989 = vector.extract_strided_slice %dot_general3A_1051 {offsets = [424, 0], sizes = [8, 8192], strides = [1, 1]} : vector<512x8192xf32> to vector<8x8192xf32>
    %gt3A_1990 = arith.cmpf ogt, %slice3A_1989, %select_n3A_1983 : vector<8x8192xf32>
    %select_n3A_1991 = arith.select %gt3A_1990, %slice3A_1989, %select_n3A_1983 : vector<8x8192xi1>, vector<8x8192xf32>
    %add3A_1992 = arith.constant 424 : i32
    %add3A_1993 = arith.addi %add3A_1569, %add3A_1992 : i32
    %add3A_1994 = vector.broadcast %add3A_1993 : i32 to vector<8x8192xi32>
    %add3A_1995 = arith.addi %iota3A, %add3A_1994 : vector<8x8192xi32>
    %select_n3A_1996 = arith.select %gt3A_1990, %add3A_1995, %select_n3A_1988 : vector<8x8192xi1>, vector<8x8192xi32>
    %slice3A_1997 = vector.extract_strided_slice %dot_general3A_1051 {offsets = [432, 0], sizes = [8, 8192], strides = [1, 1]} : vector<512x8192xf32> to vector<8x8192xf32>
    %gt3A_1998 = arith.cmpf ogt, %slice3A_1997, %select_n3A_1991 : vector<8x8192xf32>
    %select_n3A_1999 = arith.select %gt3A_1998, %slice3A_1997, %select_n3A_1991 : vector<8x8192xi1>, vector<8x8192xf32>
    %add3A_2000 = arith.constant 432 : i32
    %add3A_2001 = arith.addi %add3A_1569, %add3A_2000 : i32
    %add3A_2002 = vector.broadcast %add3A_2001 : i32 to vector<8x8192xi32>
    %add3A_2003 = arith.addi %iota3A, %add3A_2002 : vector<8x8192xi32>
    %select_n3A_2004 = arith.select %gt3A_1998, %add3A_2003, %select_n3A_1996 : vector<8x8192xi1>, vector<8x8192xi32>
    %slice3A_2005 = vector.extract_strided_slice %dot_general3A_1051 {offsets = [440, 0], sizes = [8, 8192], strides = [1, 1]} : vector<512x8192xf32> to vector<8x8192xf32>
    %gt3A_2006 = arith.cmpf ogt, %slice3A_2005, %select_n3A_1999 : vector<8x8192xf32>
    %select_n3A_2007 = arith.select %gt3A_2006, %slice3A_2005, %select_n3A_1999 : vector<8x8192xi1>, vector<8x8192xf32>
    %add3A_2008 = arith.constant 440 : i32
    %add3A_2009 = arith.addi %add3A_1569, %add3A_2008 : i32
    %add3A_2010 = vector.broadcast %add3A_2009 : i32 to vector<8x8192xi32>
    %add3A_2011 = arith.addi %iota3A, %add3A_2010 : vector<8x8192xi32>
    %select_n3A_2012 = arith.select %gt3A_2006, %add3A_2011, %select_n3A_2004 : vector<8x8192xi1>, vector<8x8192xi32>
    %slice3A_2013 = vector.extract_strided_slice %dot_general3A_1051 {offsets = [448, 0], sizes = [8, 8192], strides = [1, 1]} : vector<512x8192xf32> to vector<8x8192xf32>
    %gt3A_2014 = arith.cmpf ogt, %slice3A_2013, %select_n3A_2007 : vector<8x8192xf32>
    %select_n3A_2015 = arith.select %gt3A_2014, %slice3A_2013, %select_n3A_2007 : vector<8x8192xi1>, vector<8x8192xf32>
    %add3A_2016 = arith.constant 448 : i32
    %add3A_2017 = arith.addi %add3A_1569, %add3A_2016 : i32
    %add3A_2018 = vector.broadcast %add3A_2017 : i32 to vector<8x8192xi32>
    %add3A_2019 = arith.addi %iota3A, %add3A_2018 : vector<8x8192xi32>
    %select_n3A_2020 = arith.select %gt3A_2014, %add3A_2019, %select_n3A_2012 : vector<8x8192xi1>, vector<8x8192xi32>
    %slice3A_2021 = vector.extract_strided_slice %dot_general3A_1051 {offsets = [456, 0], sizes = [8, 8192], strides = [1, 1]} : vector<512x8192xf32> to vector<8x8192xf32>
    %gt3A_2022 = arith.cmpf ogt, %slice3A_2021, %select_n3A_2015 : vector<8x8192xf32>
    %select_n3A_2023 = arith.select %gt3A_2022, %slice3A_2021, %select_n3A_2015 : vector<8x8192xi1>, vector<8x8192xf32>
    %add3A_2024 = arith.constant 456 : i32
    %add3A_2025 = arith.addi %add3A_1569, %add3A_2024 : i32
    %add3A_2026 = vector.broadcast %add3A_2025 : i32 to vector<8x8192xi32>
    %add3A_2027 = arith.addi %iota3A, %add3A_2026 : vector<8x8192xi32>
    %select_n3A_2028 = arith.select %gt3A_2022, %add3A_2027, %select_n3A_2020 : vector<8x8192xi1>, vector<8x8192xi32>
    %slice3A_2029 = vector.extract_strided_slice %dot_general3A_1051 {offsets = [464, 0], sizes = [8, 8192], strides = [1, 1]} : vector<512x8192xf32> to vector<8x8192xf32>
    %gt3A_2030 = arith.cmpf ogt, %slice3A_2029, %select_n3A_2023 : vector<8x8192xf32>
    %select_n3A_2031 = arith.select %gt3A_2030, %slice3A_2029, %select_n3A_2023 : vector<8x8192xi1>, vector<8x8192xf32>
    %add3A_2032 = arith.constant 464 : i32
    %add3A_2033 = arith.addi %add3A_1569, %add3A_2032 : i32
    %add3A_2034 = vector.broadcast %add3A_2033 : i32 to vector<8x8192xi32>
    %add3A_2035 = arith.addi %iota3A, %add3A_2034 : vector<8x8192xi32>
    %select_n3A_2036 = arith.select %gt3A_2030, %add3A_2035, %select_n3A_2028 : vector<8x8192xi1>, vector<8x8192xi32>
    %slice3A_2037 = vector.extract_strided_slice %dot_general3A_1051 {offsets = [472, 0], sizes = [8, 8192], strides = [1, 1]} : vector<512x8192xf32> to vector<8x8192xf32>
    %gt3A_2038 = arith.cmpf ogt, %slice3A_2037, %select_n3A_2031 : vector<8x8192xf32>
    %select_n3A_2039 = arith.select %gt3A_2038, %slice3A_2037, %select_n3A_2031 : vector<8x8192xi1>, vector<8x8192xf32>
    %add3A_2040 = arith.constant 472 : i32
    %add3A_2041 = arith.addi %add3A_1569, %add3A_2040 : i32
    %add3A_2042 = vector.broadcast %add3A_2041 : i32 to vector<8x8192xi32>
    %add3A_2043 = arith.addi %iota3A, %add3A_2042 : vector<8x8192xi32>
    %select_n3A_2044 = arith.select %gt3A_2038, %add3A_2043, %select_n3A_2036 : vector<8x8192xi1>, vector<8x8192xi32>
    %slice3A_2045 = vector.extract_strided_slice %dot_general3A_1051 {offsets = [480, 0], sizes = [8, 8192], strides = [1, 1]} : vector<512x8192xf32> to vector<8x8192xf32>
    %gt3A_2046 = arith.cmpf ogt, %slice3A_2045, %select_n3A_2039 : vector<8x8192xf32>
    %select_n3A_2047 = arith.select %gt3A_2046, %slice3A_2045, %select_n3A_2039 : vector<8x8192xi1>, vector<8x8192xf32>
    %add3A_2048 = arith.constant 480 : i32
    %add3A_2049 = arith.addi %add3A_1569, %add3A_2048 : i32
    %add3A_2050 = vector.broadcast %add3A_2049 : i32 to vector<8x8192xi32>
    %add3A_2051 = arith.addi %iota3A, %add3A_2050 : vector<8x8192xi32>
    %select_n3A_2052 = arith.select %gt3A_2046, %add3A_2051, %select_n3A_2044 : vector<8x8192xi1>, vector<8x8192xi32>
    %slice3A_2053 = vector.extract_strided_slice %dot_general3A_1051 {offsets = [488, 0], sizes = [8, 8192], strides = [1, 1]} : vector<512x8192xf32> to vector<8x8192xf32>
    %gt3A_2054 = arith.cmpf ogt, %slice3A_2053, %select_n3A_2047 : vector<8x8192xf32>
    %select_n3A_2055 = arith.select %gt3A_2054, %slice3A_2053, %select_n3A_2047 : vector<8x8192xi1>, vector<8x8192xf32>
    %add3A_2056 = arith.constant 488 : i32
    %add3A_2057 = arith.addi %add3A_1569, %add3A_2056 : i32
    %add3A_2058 = vector.broadcast %add3A_2057 : i32 to vector<8x8192xi32>
    %add3A_2059 = arith.addi %iota3A, %add3A_2058 : vector<8x8192xi32>
    %select_n3A_2060 = arith.select %gt3A_2054, %add3A_2059, %select_n3A_2052 : vector<8x8192xi1>, vector<8x8192xi32>
    %slice3A_2061 = vector.extract_strided_slice %dot_general3A_1051 {offsets = [496, 0], sizes = [8, 8192], strides = [1, 1]} : vector<512x8192xf32> to vector<8x8192xf32>
    %gt3A_2062 = arith.cmpf ogt, %slice3A_2061, %select_n3A_2055 : vector<8x8192xf32>
    %select_n3A_2063 = arith.select %gt3A_2062, %slice3A_2061, %select_n3A_2055 : vector<8x8192xi1>, vector<8x8192xf32>
    %add3A_2064 = arith.constant 496 : i32
    %add3A_2065 = arith.addi %add3A_1569, %add3A_2064 : i32
    %add3A_2066 = vector.broadcast %add3A_2065 : i32 to vector<8x8192xi32>
    %add3A_2067 = arith.addi %iota3A, %add3A_2066 : vector<8x8192xi32>
    %select_n3A_2068 = arith.select %gt3A_2062, %add3A_2067, %select_n3A_2060 : vector<8x8192xi1>, vector<8x8192xi32>
    %slice3A_2069 = vector.extract_strided_slice %dot_general3A_1051 {offsets = [504, 0], sizes = [8, 8192], strides = [1, 1]} : vector<512x8192xf32> to vector<8x8192xf32>
    %gt3A_2070 = arith.cmpf ogt, %slice3A_2069, %select_n3A_2063 : vector<8x8192xf32>
    %select_n3A_2071 = arith.select %gt3A_2070, %slice3A_2069, %select_n3A_2063 : vector<8x8192xi1>, vector<8x8192xf32>
    %add3A_2072 = arith.constant 504 : i32
    %add3A_2073 = arith.addi %add3A_1569, %add3A_2072 : i32
    %add3A_2074 = vector.broadcast %add3A_2073 : i32 to vector<8x8192xi32>
    %add3A_2075 = arith.addi %iota3A, %add3A_2074 : vector<8x8192xi32>
    %select_n3A_2076 = arith.select %gt3A_2070, %add3A_2075, %select_n3A_2068 : vector<8x8192xi1>, vector<8x8192xi32>
    %gt3A_2077 = arith.cmpf ogt, %select_n3A_2071, %select_n3A_1564 : vector<8x8192xf32>
    %select_n3A_2078 = arith.select %gt3A_2077, %select_n3A_2071, %select_n3A_1564 : vector<8x8192xi1>, vector<8x8192xf32>
    %select_n3A_2079 = arith.select %gt3A_2077, %select_n3A_2076, %select_n3A_1565 : vector<8x8192xi1>, vector<8x8192xi32>
    %reduce_max3A = arith.constant dense<0xFF800000> : vector<8192xf32>
    %reduce_max3A_2080 = vector.multi_reduction <maximumf>, %select_n3A_2078, %reduce_max3A [0] : vector<8x8192xf32> to vector<8192xf32>
    %broadcast_in_dim3A = vector.shape_cast %reduce_max3A_2080 : vector<8192xf32> to vector<1x8192xf32>
    %eq3A_2081 = vector.broadcast %broadcast_in_dim3A : vector<1x8192xf32> to vector<8x8192xf32>
    %eq3A_2082 = arith.cmpf oeq, %select_n3A_2078, %eq3A_2081 : vector<8x8192xf32>
    %jit3A = arith.constant 1073741824 : i32
    %broadcast_in_dim3A_2083 = vector.broadcast %jit3A : i32 to vector<8x8192xi32>
    %select_n3A_2084 = arith.select %eq3A_2082, %select_n3A_2079, %broadcast_in_dim3A_2083 : vector<8x8192xi1>, vector<8x8192xi32>
    %reduce_min3A = arith.constant dense<2147483647> : vector<8192xi32>
    %reduce_min3A_2085 = vector.multi_reduction <minsi>, %select_n3A_2084, %reduce_min3A [0] : vector<8x8192xi32> to vector<8192xi32>
    %broadcast_in_dim3A_2086 = vector.shape_cast %reduce_min3A_2085 : vector<8192xi32> to vector<1x8192xi32>
    %eq3A_2087 = arith.constant 0 : i32
    %eq3A_2088 = arith.cmpi eq, %arg0, %eq3A_2087 : i32
    %convert_element_type3A_2089 = arith.extui %eq3A_2088 : i1 to i32
    %cond3A_2090 = arith.constant 0 : i32
    %cond3A_2091 = arith.cmpi ne, %convert_element_type3A_2089, %cond3A_2090 : i32
    scf.if %cond3A_2091 {
      %swap3A = arith.index_cast %arg1 : i32 to index
      %swap3A_2102 = arith.constant 0 : index
      %swap3A_2103 = vector.load %arg9[%swap3A, %swap3A_2102] : memref<1x8192xf32, #tpu.memory_space<vmem>>, vector<1x8192xf32>
      tpu.vector_store %arg9[%swap3A, %swap3A_2102], %broadcast_in_dim3A {strides = array<i32>} : memref<1x8192xf32, #tpu.memory_space<vmem>>, vector<1x8192xf32>,
      %swap3A_2104 = arith.index_cast %arg1 : i32 to index
      %swap3A_2105 = arith.constant 0 : index
      %swap3A_2106 = vector.load %arg10[%swap3A_2104, %swap3A_2105] : memref<1x8192xi32, #tpu.memory_space<vmem>>, vector<1x8192xi32>
      tpu.vector_store %arg10[%swap3A_2104, %swap3A_2105], %broadcast_in_dim3A_2086 {strides = array<i32>} : memref<1x8192xi32, #tpu.memory_space<vmem>>, vector<1x8192xi32>,
    } else {
    }
    %gt3A_2092 = arith.constant 0 : i32
    %gt3A_2093 = arith.cmpi sgt, %arg0, %gt3A_2092 : i32
    %convert_element_type3A_2094 = arith.extui %gt3A_2093 : i1 to i32
    %cond3A_2095 = arith.constant 0 : i32
    %cond3A_2096 = arith.cmpi ne, %convert_element_type3A_2094, %cond3A_2095 : i32
    scf.if %cond3A_2096 {
      %get3A_2102 = arith.index_cast %arg1 : i32 to index
      %get3A_2103 = arith.constant 0 : index
      %get3A_2104 = vector.load %arg9[%get3A_2102, %get3A_2103] : memref<1x8192xf32, #tpu.memory_space<vmem>>, vector<1x8192xf32>
      %gt3A_2105 = arith.cmpf ogt, %broadcast_in_dim3A, %get3A_2104 : vector<1x8192xf32>
      %get3A_2106 = arith.index_cast %arg1 : i32 to index
      %get3A_2107 = arith.constant 0 : index
      %get3A_2108 = vector.load %arg10[%get3A_2106, %get3A_2107] : memref<1x8192xi32, #tpu.memory_space<vmem>>, vector<1x8192xi32>
      %select_n3A_2109 = arith.select %gt3A_2105, %broadcast_in_dim3A_2086, %get3A_2108 : vector<1x8192xi1>, vector<1x8192xi32>
      %swap3A = arith.index_cast %arg1 : i32 to index
      %swap3A_2110 = arith.constant 0 : index
      %swap3A_2111 = vector.load %arg10[%swap3A, %swap3A_2110] : memref<1x8192xi32, #tpu.memory_space<vmem>>, vector<1x8192xi32>
      tpu.vector_store %arg10[%swap3A, %swap3A_2110], %select_n3A_2109 {strides = array<i32>} : memref<1x8192xi32, #tpu.memory_space<vmem>>, vector<1x8192xi32>,
      %get3A_2112 = arith.index_cast %arg1 : i32 to index
      %get3A_2113 = arith.constant 0 : index
      %get3A_2114 = vector.load %arg9[%get3A_2112, %get3A_2113] : memref<1x8192xf32, #tpu.memory_space<vmem>>, vector<1x8192xf32>
      %max3A = arith.maximumf %broadcast_in_dim3A, %get3A_2114 : vector<1x8192xf32>
      %swap3A_2115 = arith.index_cast %arg1 : i32 to index
      %swap3A_2116 = arith.constant 0 : index
      %swap3A_2117 = vector.load %arg9[%swap3A_2115, %swap3A_2116] : memref<1x8192xf32, #tpu.memory_space<vmem>>, vector<1x8192xf32>
      tpu.vector_store %arg9[%swap3A_2115, %swap3A_2116], %max3A {strides = array<i32>} : memref<1x8192xf32, #tpu.memory_space<vmem>>, vector<1x8192xf32>,
    } else {
    }
    %eq3A_2097 = arith.constant 3 : i32
    %eq3A_2098 = arith.cmpi eq, %arg0, %eq3A_2097 : i32
    %convert_element_type3A_2099 = arith.extui %eq3A_2098 : i1 to i32
    %cond3A_2100 = arith.constant 0 : i32
    %cond3A_2101 = arith.cmpi ne, %convert_element_type3A_2099, %cond3A_2100 : i32
    scf.if %cond3A_2101 {
      %get3A_2102 = arith.index_cast %arg1 : i32 to index
      %get3A_2103 = arith.constant 0 : index
      %get3A_2104 = vector.load %arg10[%get3A_2102, %get3A_2103] : memref<1x8192xi32, #tpu.memory_space<vmem>>, vector<1x8192xi32>
      %reshape3A = vector.shape_cast %get3A_2104 : vector<1x8192xi32> to vector<1x1x8192xi32>
      %swap3A = arith.constant 0 : index
      %swap3A_2105 = arith.constant 0 : index
      %swap3A_2106 = arith.constant 0 : index
      %swap3A_2107 = vector.load %arg4[%swap3A, %swap3A_2105, %swap3A_2106] : memref<1x1x8192xi32, #tpu.memory_space<vmem>>, vector<1x1x8192xi32>
      tpu.vector_store %arg4[%swap3A, %swap3A_2105, %swap3A_2106], %reshape3A {strides = array<i32>} : memref<1x1x8192xi32, #tpu.memory_space<vmem>>, vector<1x1x8192xi32>,
      %get3A_2108 = arith.index_cast %arg1 : i32 to index
      %get3A_2109 = arith.constant 0 : index
      %get3A_2110 = vector.load %arg9[%get3A_2108, %get3A_2109] : memref<1x8192xf32, #tpu.memory_space<vmem>>, vector<1x8192xf32>
      %reshape3A_2111 = vector.shape_cast %get3A_2110 : vector<1x8192xf32> to vector<1x1x8192xf32>
      %swap3A_2112 = arith.constant 0 : index
      %swap3A_2113 = arith.constant 0 : index
      %swap3A_2114 = arith.constant 0 : index
      %swap3A_2115 = vector.load %arg5[%swap3A_2112, %swap3A_2113, %swap3A_2114] : memref<1x1x8192xf32, #tpu.memory_space<vmem>>, vector<1x1x8192xf32>
      tpu.vector_store %arg5[%swap3A_2112, %swap3A_2113, %swap3A_2114], %reshape3A_2111 {strides = array<i32>} : memref<1x1x8192xf32, #tpu.memory_space<vmem>>, vector<1x1x8192xf32>,
    } else {
    }
    return
  }
  func.func @transform_0(%arg0: i32, %arg1: i32) -> (i32, i32) {
    %c0_i32 = arith.constant 0 : i32
    %c0_i32_0 = arith.constant 0 : i32
    %c0_i32_1 = arith.constant 0 : i32
    return %c0_i32, %c0_i32_0 : i32, i32
  }
  func.func @transform_1(%arg0: i32, %arg1: i32) -> (i32, i32) {
    %c0_i32 = arith.constant 0 : i32
    %c0_i32_0 = arith.constant 0 : i32
    return %arg0, %c0_i32 : i32, i32
  }
  func.func @transform_2(%arg0: i32, %arg1: i32) -> (i32, i32, i32) {
    %c0_i32 = arith.constant 0 : i32
    %c0_i32_0 = arith.constant 0 : i32
    %c0_i32_1 = arith.constant 0 : i32
    return %arg1, %c0_i32, %c0_i32_0 : i32, i32, i32
  }
  func.func @transform_3(%arg0: i32, %arg1: i32) -> (i32, i32, i32) {
    %c0_i32 = arith.constant 0 : i32
    %c0_i32_0 = arith.constant 0 : i32
    %c0_i32_1 = arith.constant 0 : i32
    return %arg1, %c0_i32, %c0_i32_0 : i32, i32, i32
  }
  func.func @transform_4(%arg0: i32, %arg1: i32) -> (i32, i32) {
    %c0_i32 = arith.constant 0 : i32
    %c0_i32_0 = arith.constant 0 : i32
    return %arg0, %c0_i32 : i32, i32
  }
}

</mosaic_0001>

<sc_bundles>
// kernel: kernel.5.cloned.1.call-start
scs
__scs_entry_jumppad:
0x0: {  	(pc) =	sbr.rel $0x88, $3  }
0x1: {  	(tag) =	ssettag $0x0;
	lr =	simm.s32 $0x1  }
0x2: {  	[smem:$0x3F9F] =	sst lr;
	_ =	strace $0xD0000000  }
0x3: {  	_ = 	snop  }
0x4: {  	_ = 	snop  }
0x5: {  	_ = 	snop  }
0x6: {  	_ = 	snop  }
0x7: {  	_ = 	snop  }
__scs_overlays_trampoline_lowered:
0x8: {  	[smem:$0x3FAE] =	sst s0  }
0x9: {  	[smem:$0x3FAF] =	sst s1  }
0xa: {  	[smem:$0x3FB0] =	sst s2  }
0xb: {  	[smem:$0x3FB1] =	sst s3  }
0xc: {  	[smem:$0x3FB2] =	sst s4  }
0xd: {  	[smem:$0x3FB3] =	sst s5  }
0xe: {  	[smem:$0x3FB4] =	sst s6  }
0xf: {  	[smem:$0x3FB5] =	sst s7  }
0x10: {  	[smem:$0x3FB6] =	sst s8  }
0x11: {  	[smem:$0x3FB7] =	sst s9;
	s0 =	simm.s32 @!p0 $0x0  }
0x12: {  	s1 =	sld [smem:$0x3F9D];
	s0 =	simm.s32 @p0 $0x1  }
0x13: {  	[smem:$0x3FB8] =	sst s0;
	s0 =	simm.s32 @!p1 $0x0  }
0x14: {  	s2 =	sld [smem:$0x3F9C];
	s0 =	simm.s32 @p1 $0x1  }
0x15: {  	[smem:$0x3FB9] =	sst s0;
	s0 =	simm.s32 @!p2 $0x0  }
0x16: {  	s3 =	sld [smem:$0x3FDB];
	s0 =	simm.s32 @p2 $0x1  }
0x17: {  	s4 =	simm.s32 $0x1BF5;
	[smem:$0x3FBB] =	sst s0  }
0x18: {  	s0 =	sld [smem:$0x3F9E];
	_ =	swait.ge [sflag:s4], $0x0  }
0x19: {  	s7 =	sld [smem:$0x3F9F]  }
0x1a: {  	s8 =	sadd.s32 $0xFFFFE003, lr  }
0x1b: {  	s9 =	sadd.s32 $0xFFFFFEF7, lr;
	s5 =	simm.s32 $0xFFFFFFFF;
	p2 =	slt.u32 s8, $0xFFFFF086  }
0x1c: {  	p1 =	slt.u32 s9, $0xF7A;
	s5 =	simm.s32 @!p2 $0x0  }
0x1d: {  	s5 =	simm.s32 @p1 $0x1;
	p0 =	seq.s32 s7, s2  }
0x1e: {  	s7 =	smul.u32 @!p0 $0xF7A, s2;
	p2 =	seq.s32 @!p0 s5, $0x0  }
0x1f: {  	s9 =	smul.u32 $0xF7A, s1;
	s8 =	simm.s32 @!p0 $0x1BF5;
	p2 =	por !p2, p0  }
0x20: {  	[sflag:s8] =	ssyncset.s32 @!p0 $0xFFFFF086;
	s6 =	sadd.s32 @!p0 s3, s7;
	s7 =	simm.s32 @!p0 $0x108  }
0x21: {  	s3 =	sadd.s32 s3, s9;
	s6 =	sadd.s32 @!p0 $0x88, s6;
	s7 =	simm.s32 @p2 $0x1082  }
0x22: {  	[simem:s7], [sflag:s8] =	dma.local @!p0 [hbm:s6], $0xF7A  }
0x23: {  	s9 =	sor.u32 $0xD0000000, s2;
	s6 =	simm.s32 $0x108;
	_ =	swait.ge @!p0 [sflag:s8], $0x0  }
0x24: {  	s3 =	sadd.s32 $0x88, s3;
	s6 =	simm.s32 @!p1 $0x1082;
	[sflag:s4] =	ssyncset.s32 $0xFFFFF086  }
0x25: {  	[simem:s6], [sflag:s4] =	dma.local [hbm:s3], $0xF7A  }
0x26: {  	[smem:$0x3F9F] =	sst s1;
	(tag) =	ssettag s2;
	_ =	strace s9  }
0x27: {  	s1 =	sld [smem:$0x3FAF]  }
0x28: {  	s2 =	sld [smem:$0x3FB0]  }
0x29: {  	s4 =	sld [smem:$0x3FB2]  }
0x2a: {  	p0 =	seq.s32 s5, $0x0;
	s5 =	sld [smem:$0x3FB3]  }
0x2b: {  	s6 =	sld [smem:$0x3FB4]  }
0x2c: {  	s7 =	sld [smem:$0x3FB5]  }
0x2d: {  	s3 =	simm.s32 $0x108;
	s8 =	sld [smem:$0x3FB6]  }
0x2e: {  	s3 =	simm.s32 @!p0 $0x1082;
	s9 =	sld [smem:$0x3FB7]  }
0x2f: {  	lr =	sadd.s32 s0, s3;
	s0 =	sld [smem:$0x3FAE]  }
0x30: {  	s3 =	sld [smem:$0x3FB1]  }
0x31: {  	[smem:$0x3FBA] =	sst s10  }
0x32: {  	s10 =	sld [smem:$0x3FB8];
	_ =	sdelay $0x3  }
0x33: {  	p0 =	seq.s32 s10, $0x1;
	s10 =	sld [smem:$0x3FBA];
	_ =	sdelay $0x3  }
0x34: {  	[smem:$0x3FBA] =	sst s10  }
0x35: {  	s10 =	sld [smem:$0x3FB9];
	_ =	sdelay $0x3  }
0x36: {  	p1 =	seq.s32 s10, $0x1;
	s10 =	sld [smem:$0x3FBA];
	_ =	sdelay $0x3  }
0x37: {  	[smem:$0x3FBA] =	sst s10  }
0x38: {  	s10 =	sld [smem:$0x3FBB]  }
0x39: {  	_ = 	snop;
	(pc) =	sbr.ind lr, $3  }
0x3a: {  	_ = 	snop  }
0x3b: {  	_ = 	snop  }
0x3c: {  	p2 =	seq.s32 s10, $0x1;
	s10 =	sld [smem:$0x3FBA]  }
0x3d: {  	_ =	shalt  }
0x3e: {  	_ =	shalt  }
0x3f: {  	_ =	shalt  }
0x40: {  	_ =	shalt  }
0x41: {  	_ =	shalt  }
0x42: {  	_ =	shalt  }
0x43: {  	_ =	shalt  }
0x44: {  	_ =	shalt  }
0x45: {  	_ =	shalt  }
0x46: {  	_ =	shalt  }
0x47: {  	_ =	shalt  }
0x48: {  	_ =	shalt  }
0x49: {  	_ =	shalt  }
0x4a: {  	_ =	shalt  }
0x4b: {  	_ =	shalt  }
0x4c: {  	_ =	shalt  }
0x4d: {  	_ =	shalt  }
0x4e: {  	_ =	shalt  }
0x4f: {  	_ =	shalt  }
0x50: {  	_ =	shalt  }
0x51: {  	_ =	shalt  }
0x52: {  	_ =	shalt  }
0x53: {  	_ =	shalt  }
0x54: {  	_ =	shalt  }
0x55: {  	_ =	shalt  }
0x56: {  	_ =	shalt  }
0x57: {  	_ =	shalt  }
0x58: {  	_ =	shalt  }
0x59: {  	_ =	shalt  }
0x5a: {  	_ =	shalt  }
0x5b: {  	_ =	shalt  }
0x5c: {  	_ =	shalt  }
0x5d: {  	_ =	shalt  }
0x5e: {  	_ =	shalt  }
0x5f: {  	_ =	shalt  }
0x60: {  	_ =	shalt  }
0x61: {  	_ =	shalt  }
0x62: {  	_ =	shalt  }
0x63: {  	_ =	shalt  }
0x64: {  	_ =	shalt  }
0x65: {  	_ =	shalt  }
0x66: {  	_ =	shalt  }
0x67: {  	_ =	shalt  }
0x68: {  	_ =	shalt  }
0x69: {  	_ =	shalt  }
0x6a: {  	_ =	shalt  }
0x6b: {  	_ =	shalt  }
0x6c: {  	_ =	shalt  }
0x6d: {  	_ =	shalt  }
0x6e: {  	_ =	shalt  }
0x6f: {  	_ =	shalt  }
0x70: {  	_ =	shalt  }
0x71: {  	_ =	shalt  }
0x72: {  	_ =	shalt  }
0x73: {  	_ =	shalt  }
0x74: {  	_ =	shalt  }
0x75: {  	_ =	shalt  }
0x76: {  	_ =	shalt  }
0x77: {  	_ =	shalt  }
0x78: {  	_ =	shalt  }
0x79: {  	_ =	shalt  }
0x7a: {  	_ =	shalt  }
0x7b: {  	_ =	shalt  }
0x7c: {  	_ =	shalt  }
0x7d: {  	_ =	shalt  }
0x7e: {  	_ =	shalt  }
0x7f: {  	_ =	shalt  }
0x80: {  	_ =	shalt  }
0x81: {  	_ =	shalt  }
0x82: {  	_ =	shalt  }
0x83: {  	_ =	shalt  }
0x84: {  	_ =	shalt  }
0x85: {  	_ =	shalt  }
0x86: {  	_ =	shalt  }
0x87: {  	_ =	shalt  }
.Lfunc_end0:
.L_simem_size_0:
called_computation_lowered:
.L_overlay_start_0:
0x88: {  	s2 =	sld [smem:$0x3FD9]  }
0x89: {  	s3 =	sld [smem:$0x3FFE];
	_ =	sdelay $0x1  }
0x8a: {  	s1 =	srdreg.scid  }
0x8b: {  	s0 =	sand.u32 $0x1, s1  }
0x8c: {  	s14 =	sshll.u32 s0, $0xA;
	s2 =	sadd.s32 s3, s2  }
0x8d: {  	s2 =	sadd.s32 s2, s14  }
0x8e: {  	[smem:$0x3FC6] =	sst s2  }
0x8f: {  	_ = 	snop  }
0x90: {  	s2 =	sld [smem:$0x3FD0];
	_ =	sdelay $0x2  }
0x91: {  	s15 =	simm.s32 $0xA;
	s4 =	simm.s32 $0x10  }
0x92: {  	[smem:s4], [sflag:s15] =	dma.local [hbm:s2], $0x1  }
0x93: {  	_ =	swait.eq [sflag:s15], $0x1  }
0x94: {  	[sflag:s15] =	ssyncset.done $0x0  }
0x95: {  	s16 =	sld [smem:$0x11];
	[sflag:s15] =	ssyncadd.s32 $0xFFFFFFFF  }
0x96: {  	s17 =	sld [smem:$0x13];
	(tm) =	ssettm $0x1  }
0x97: {  	s18 =	sld [smem:$0x3FFB];
	_ =	sdelay $0x3  }
0x98: {  	_ =	strace s18  }
0x99: {  	s4 =	sld [smem:$0x3FFC];
	_ =	sdelay $0x3  }
0x9a: {  	_ =	strace s4  }
0x9b: {  	s4 =	sld [smem:$0x3FFD];
	_ =	sdelay $0x3  }
0x9c: {  	_ =	strace s4  }
0x9d: {  	_ =	strace $0x8FFFFFFF  }
0x9e: {  	s19 =	sld [smem:$0x3FDB];
	_ =	sdelay $0x1  }
0x9f: {  	s5 =	simm.s32 $_scs_section_size  }
0xa0: {  	s6 =	simm.s32 $_size__tile_overlayer_lowered;
	s7 =	simm.s32 $_tile_overlayer_lowered  }
0xa1: {  	s22 =	simm.s32 $0x1BFF;
	s21 =	sshll.u32 s7, $0x1;
	s4 =	sadd.s32 s5, s19  }
0xa2: {  	s8 =	simm.s32 $0x0;
	s20 =	sshll.u32 s6, $0x1;
	s6 =	sadd.s32 s21, s4  }
0xa3: {  	[timem:s8], [sflag:s22] =	dma.local [hbm:s6], s20  }
0xa4: {  	_ =	swait.ge [sflag:s22], s20  }
0xa5: {  	s5 =	ssub.s32 $0x0, s20;
	[sflag:s22] =	ssyncset.done $0x0  }
0xa6: {  	[sflag:s22] =	ssyncadd.s32 s5;
	_ =	sdelay $0x1  }
0xa7: {  	s23 =	simm.s32 $0x1B8B  }
0xa8: {  	_ =	swait.ge [sflag:s23], $0x1  }
0xa9: {  	[sflag:s23] =	ssyncset.done $0x0  }
0xaa: {  	s25 =	simm.s32 $0x1B8E;
	s24 =	sld [smem:$0x3FFE];
	[sflag:s23] =	ssyncadd.s32 $0xFFFFFFFF  }
0xab: {  	s26 =	simm.s32 $execute0_lowered;
	[smem:$0x3FD2] =	sst s25  }
0xac: {  	s6 =	sshll.u32 s26, $0x1;
	_ =	strace $0x80000046;
	[dreg:$0x1] =	wrdreg $0xFFFFFFFF  }
0xad: {  	s28 =	simm.s32 $_size_execute0_lowered;
	s4 =	sadd.s32 s4, s6;
	[dreg:$0x0] =	wrdreg $0x0  }
0xae: {  	s6 =	sshll.u32 s28, $0x1;
	[dreg:$0x2] =	wrdreg s4  }
0xaf: {  	[dreg:$0x3] =	wrdreg s6  }
0xb0: {  	[dreg:$0x4] =	wrdreg $0xC0  }
0xb1: {  	_ =	task [dreg:s8], $0x5FFFF  }
0xb2: {  	[dreg:$0x1] =	wrdreg $0xFFFFFFFF  }
0xb3: {  	[dreg:$0x0] =	wrdreg $0x60  }
0xb4: {  	[dreg:$0x2] =	wrdreg s17  }
0xb5: {  	[dreg:$0x3] =	wrdreg s24  }
0xb6: {  	[dreg:$0x4] =	wrdreg s16  }
0xb7: {  	[dreg:$0x5] =	wrdreg $0x104000  }
0xb8: {  	[dreg:$0x6] =	wrdreg $0x9  }
0xb9: {  	_ =	task.clear_ibuf [dreg:s8], $0x7FFFF;
	_ =	strace $0x90000046  }
0xba: {  	s29 =	simm.s32 $0x9;
	_ =	strace $0x80000048  }
0xbb: {  	_ =	swait.ge [sflag:s29], $0x1  }
0xbc: {  	[sflag:s29] =	ssyncadd.s32 $0xFFFFFFFF  }
0xbd: {  	_ =	strace $0x90000048  }
0xbe: {  	_ =	sfence  }
0xbf: {  	s30 =	sld [smem:$0x0];
	_ =	sdelay $0x2  }
0xc0: {  	s31 =	sshll.u32 s1, $0xD;
	s1 =	sshrl.u32 s1, $0x2  }
0xc1: {  	s3 =	sand.u32 $0x4000, s31;
	s1 =	sadd.s32 s1, s30  }
0xc2: {  	s0 =	sor.u32 s3, s0;
	s1 =	sshll.u32 s1, $0x11  }
0xc3: {  	s0 =	sor.u32 s1, s0  }
0xc4: {  	s0 =	sadd.s32 $0x8F2B, s0  }
0xc5: {  	[sflag:s0] =	ssyncadd.remote.s32 $0x1  }
0xc6: {  	_ =	sfence.sel $0xFFFF  }
0xc7: {  	[dreg:$0x0] =	wrdreg $0xFFFFFFFF;
	(pc) =	sbr.abs _section_cstart, $3  }
0xc8: {  	[dreg:$0x1] =	wrdreg $0xFFFFFFFF  }
0xc9: {  	_ =	task.clear_ibuf [dreg:s8], $0x2FFFF;
	_ =	strace $0x9FFFFFFF  }
0xca: {  	(tm) =	ssettm $0x7FFFFFFF  }
0xcb: {  	_ =	shalt  }
tec
execute0_lowered:
.L_overlay_start_1:
0x0: {  	(tag) =	ssettag $0x1  }
0x1: {  	s0 =	rddreg [dreg:$0x0]  }
0x2: {  	s4 =	rddreg [dreg:$0x1]  }
0x3: {  	s7 =	rddreg [dreg:$0x2]  }
0x4: {  	s2 =	rddreg [dreg:$0x3];
	s3 =	simm.s32 $0x0  }
0x5: {  	s14 =	simm.s32 $0x900;
	[smem:$0x7FF] =	sst s3  }
0x6: {  	s15 =	simm.s32 $0x1100;
	_ =	strace $0x80000047;
	[dreg:$0x9] =	wrdreg s14  }
0x7: {  	s16 =	simm.s32 $0x1900;
	[dreg:$0xa] =	wrdreg s15  }
0x8: {  	s17 =	simm.s32 $0x2100;
	[dreg:$0xb] =	wrdreg s16  }
0x9: {  	s18 =	simm.s32 $0x2900;
	[dreg:$0xc] =	wrdreg s17  }
0xa: {  	s19 =	simm.s32 $0x3100;
	[dreg:$0xd] =	wrdreg s18  }
0xb: {  	s1 =	srdreg.scid;
	s20 =	simm.s32 $0x3900;
	[dreg:$0xe] =	wrdreg s19  }
0xc: {  	s5 =	stileid.u32;
	s21 =	simm.s32 $0x4100;
	[dreg:$0xf] =	wrdreg s20  }
0xd: {  	s22 =	simm.s32 $0x4900;
	s23 =	simm.s32 $0x5100;
	[dreg:$0x10] =	wrdreg s21  }
0xe: {  	s24 =	simm.s32 $0x5900;
	s26 =	simm.s32 $0x6100;
	[dreg:$0x11] =	wrdreg s22  }
0xf: {  	s28 =	simm.s32 $0x6900;
	s29 =	simm.s32 $0x7100;
	[dreg:$0x12] =	wrdreg s23  }
0x10: {  	s30 =	simm.s32 $0x7900;
	s31 =	simm.s32 $0x8100;
	[dreg:$0x13] =	wrdreg s24  }
0x11: {  	s12 =	simm.s32 $0xB100;
	s13 =	simm.s32 $0xB900;
	[dreg:$0x14] =	wrdreg s26  }
0x12: {  	s6 =	sand.u32 $0x1, s1;
	s8 =	sshll.u32 s5, $0x9;
	[dreg:$0x15] =	wrdreg s28  }
0x13: {  	p0 =	sne.s32 s5, $0x0;
	s5 =	simm.s32 $0x3;
	[dreg:$0x16] =	wrdreg s29  }
0x14: {  	s1 =	sshll.u32 s6, $0x8;
	s11 =	sshll.u32 s6, $0x4;
	[dreg:$0x17] =	wrdreg s30  }
0x15: {  	s6 =	ssub.s32 $0x2, s6;
	[dreg:$0x18] =	wrdreg s31;
	s14 =	simm.s32 $0xC100  }
0x16: {  	s15 =	simm.s32 $0xC900;
	s16 =	simm.s32 $0xD100;
	s17 =	simm.s32 $0xD900  }
0x17: {  	s18 =	simm.s32 $0xE100;
	s19 =	simm.s32 $0xE900;
	s20 =	simm.s32 $0xF100  }
0x18: {  	s21 =	simm.s32 $0xF900;
	s22 =	simm.s32 $0x10200;
	s23 =	simm.s32 $0x10100  }
0x19: {  	s24 =	simm.s32 $0x1;
	s9 =	sor.u32 s1, s8;
	s8 =	sadd.s32 s8, s2  }
0x1a: {  	s25 =	sshrl.u32 s6, $0x1;
	s10 =	sshrl.u32 s9, $0x3;
	s9 =	sshll.u32 s9, $0x5  }
0x1b: {  	[dreg:$0x6] =	wrdreg s8;
	s6 =	ssub.s32 s6, s25;
	s8 =	simm.s32 $0x9100  }
0x1c: {  	s25 =	simm.s32 $0x2;
	s10 =	sadd.s32 s10, s4;
	s7 =	sadd.s32 s7, s9  }
0x1d: {  	s4 =	sadd.s32 s11, s4;
	s10 =	sadd.s32 $0x1A00, s10;
	[dreg:$0x7] =	wrdreg s7  }
0x1e: {  	v2 =	vlaneseq.u32;
	vm0 =	vmmov $0xffff;
	s9 =	simm.s32 $0x9900;
	s4 =	sadd.s32 $0x1E00, s4;
	[dreg:$0x5] =	wrdreg s10  }
0x1f: {  	v3 =	vimm.f32 $0.0e+00;
	v4 =	vimm.f32 $1.000000000e+00;
	v1 =	vshrl.u32 v2, $0x3;
	s11 =	simm.s32 $0xA900;
	s7 =	simm.s32 $0x8900;
	[dreg:$0x8] =	wrdreg s4  }
0x20: {  	v0 =	vand.u32 $0x7, v2;
	v2 =	vor.u32 $0x8, v2;
	v1 =	vmul.u32 $0x8, v1;
	s4 =	smax.u32 s6, $0x1;
	s6 =	simm.s32 $0x100;
	s10 =	simm.s32 $0xA100  }
.LBB2_1:
0x21: {  	s26 =	rddreg [dreg:$0x5]  }
0x22: {  	[tilespmem:s3], [sflag:$0x3] =	stream.linear.gather [hbm4b:s26+s3], $0x100, $0x38;
	[tilespmem:$0x10600] =	vst v63  }
0x23: {  	_ =	swait.ge [sflag:s5], $0x100  }
0x24: {  	[sflag:s5] =	ssyncset.done $0x0  }
0x25: {  	[sflag:s5] =	ssyncadd.s32 $0xFFFFFF00  }
0x26: {  	v5 =	vld [tilespmem:$0x0];
	_ =	sdelay $0x4  }
0x27: {  	v6 =	vshll.u32 v5, $0x1  }
0x28: {  	v5 =	vand.u32 $0x7, v5;
	v6 =	vand.u32 $0xFFFFFFF0, v6  }
0x29: {  	v5 =	vor.u32 v5, v6  }
0x2a: {  	v6 =	vperm.xlane v5, v0;
	_ =	sdelay $0x1  }
0x2b: {  	v5 =	vperm.xlane v5, v2;
	v6 =	vadd.s32 v1, v6;
	_ =	sdelay $0x1  }
0x2c: {  	v5 =	vadd.s32 v1, v5;
	_ =	sdelay $0x2  }
0x2d: {  	[tilespmem:s6], [sflag:$0x1] =	stream.indirect_vreg.gather [hbm4b:s0+s3], $0x80, v6, vm0, $0xb8;
	[tilespmem:$0x10600] =	vst v63  }
0x2e: {  	s31 =	rddreg [dreg:$0x9]  }
0x2f: {  	[tilespmem:s31], [sflag:$0x1] =	stream.indirect_vreg.gather [hbm4b:s0+s3], $0x80, v5, vm0, $0xb8;
	[tilespmem:$0x10600] =	vst v63  }
0x30: {  	v5 =	vld [tilespmem:$0x10];
	_ =	sdelay $0x4  }
0x31: {  	v6 =	vshll.u32 v5, $0x1  }
0x32: {  	v5 =	vand.u32 $0x7, v5;
	v6 =	vand.u32 $0xFFFFFFF0, v6  }
0x33: {  	v5 =	vor.u32 v5, v6  }
0x34: {  	v6 =	vperm.xlane v5, v0;
	_ =	sdelay $0x1  }
0x35: {  	v5 =	vperm.xlane v5, v2;
	v6 =	vadd.s32 v1, v6;
	_ =	sdelay $0x1  }
0x36: {  	v5 =	vadd.s32 v1, v5;
	_ =	sdelay $0x1  }
0x37: {  	s1 =	rddreg [dreg:$0xa]  }
0x38: {  	[tilespmem:s1], [sflag:$0x1] =	stream.indirect_vreg.gather [hbm4b:s0+s3], $0x80, v6, vm0, $0xb8;
	[tilespmem:$0x10600] =	vst v63  }
0x39: {  	s28 =	rddreg [dreg:$0xb]  }
0x3a: {  	[tilespmem:s28], [sflag:$0x1] =	stream.indirect_vreg.gather [hbm4b:s0+s3], $0x80, v5, vm0, $0xb8;
	[tilespmem:$0x10600] =	vst v63  }
0x3b: {  	v5 =	vld [tilespmem:$0x20];
	_ =	sdelay $0x4  }
0x3c: {  	v6 =	vshll.u32 v5, $0x1  }
0x3d: {  	v5 =	vand.u32 $0x7, v5;
	v6 =	vand.u32 $0xFFFFFFF0, v6  }
0x3e: {  	v5 =	vor.u32 v5, v6  }
0x3f: {  	v6 =	vperm.xlane v5, v0;
	_ =	sdelay $0x1  }
0x40: {  	v5 =	vperm.xlane v5, v2;
	v6 =	vadd.s32 v1, v6;
	_ =	sdelay $0x1  }
0x41: {  	v5 =	vadd.s32 v1, v5;
	_ =	sdelay $0x1  }
0x42: {  	s29 =	rddreg [dreg:$0xc]  }
0x43: {  	[tilespmem:s29], [sflag:$0x1] =	stream.indirect_vreg.gather [hbm4b:s0+s3], $0x80, v6, vm0, $0xb8;
	[tilespmem:$0x10600] =	vst v63  }
0x44: {  	s30 =	rddreg [dreg:$0xd]  }
0x45: {  	[tilespmem:s30], [sflag:$0x1] =	stream.indirect_vreg.gather [hbm4b:s0+s3], $0x80, v5, vm0, $0xb8;
	[tilespmem:$0x10600] =	vst v63  }
0x46: {  	v5 =	vld [tilespmem:$0x30];
	_ =	sdelay $0x4  }
0x47: {  	v6 =	vshll.u32 v5, $0x1  }
0x48: {  	v5 =	vand.u32 $0x7, v5;
	v6 =	vand.u32 $0xFFFFFFF0, v6  }
0x49: {  	v5 =	vor.u32 v5, v6  }
0x4a: {  	v6 =	vperm.xlane v5, v0;
	_ =	sdelay $0x1  }
0x4b: {  	v5 =	vperm.xlane v5, v2;
	v6 =	vadd.s32 v1, v6;
	_ =	sdelay $0x1  }
0x4c: {  	v5 =	vadd.s32 v1, v5;
	_ =	sdelay $0x1  }
0x4d: {  	s31 =	rddreg [dreg:$0xe]  }
0x4e: {  	[tilespmem:s31], [sflag:$0x1] =	stream.indirect_vreg.gather [hbm4b:s0+s3], $0x80, v6, vm0, $0xb8;
	[tilespmem:$0x10600] =	vst v63  }
0x4f: {  	s1 =	rddreg [dreg:$0xf]  }
0x50: {  	[tilespmem:s1], [sflag:$0x1] =	stream.indirect_vreg.gather [hbm4b:s0+s3], $0x80, v5, vm0, $0xb8;
	[tilespmem:$0x10600] =	vst v63  }
0x51: {  	v5 =	vld [tilespmem:$0x40];
	_ =	sdelay $0x4  }
0x52: {  	v6 =	vshll.u32 v5, $0x1  }
0x53: {  	v5 =	vand.u32 $0x7, v5;
	v6 =	vand.u32 $0xFFFFFFF0, v6  }
0x54: {  	v5 =	vor.u32 v5, v6  }
0x55: {  	v6 =	vperm.xlane v5, v0;
	_ =	sdelay $0x1  }
0x56: {  	v5 =	vperm.xlane v5, v2;
	v6 =	vadd.s32 v1, v6;
	_ =	sdelay $0x1  }
0x57: {  	v5 =	vadd.s32 v1, v5;
	_ =	sdelay $0x1  }
0x58: {  	s29 =	rddreg [dreg:$0x10]  }
0x59: {  	[tilespmem:s29], [sflag:$0x1] =	stream.indirect_vreg.gather [hbm4b:s0+s3], $0x80, v6, vm0, $0xb8;
	[tilespmem:$0x10600] =	vst v63  }
0x5a: {  	s30 =	rddreg [dreg:$0x11]  }
0x5b: {  	[tilespmem:s30], [sflag:$0x1] =	stream.indirect_vreg.gather [hbm4b:s0+s3], $0x80, v5, vm0, $0xb8;
	[tilespmem:$0x10600] =	vst v63  }
0x5c: {  	v5 =	vld [tilespmem:$0x50];
	_ =	sdelay $0x4  }
0x5d: {  	v6 =	vshll.u32 v5, $0x1  }
0x5e: {  	v5 =	vand.u32 $0x7, v5;
	v6 =	vand.u32 $0xFFFFFFF0, v6  }
0x5f: {  	v5 =	vor.u32 v5, v6  }
0x60: {  	v6 =	vperm.xlane v5, v0;
	_ =	sdelay $0x1  }
0x61: {  	v5 =	vperm.xlane v5, v2;
	v6 =	vadd.s32 v1, v6;
	_ =	sdelay $0x1  }
0x62: {  	v5 =	vadd.s32 v1, v5;
	_ =	sdelay $0x1  }
0x63: {  	s31 =	rddreg [dreg:$0x12]  }
0x64: {  	[tilespmem:s31], [sflag:$0x1] =	stream.indirect_vreg.gather [hbm4b:s0+s3], $0x80, v6, vm0, $0xb8;
	[tilespmem:$0x10600] =	vst v63  }
0x65: {  	s1 =	rddreg [dreg:$0x13]  }
0x66: {  	[tilespmem:s1], [sflag:$0x1] =	stream.indirect_vreg.gather [hbm4b:s0+s3], $0x80, v5, vm0, $0xb8;
	[tilespmem:$0x10600] =	vst v63  }
0x67: {  	v5 =	vld [tilespmem:$0x60];
	_ =	sdelay $0x4  }
0x68: {  	v6 =	vshll.u32 v5, $0x1  }
0x69: {  	v5 =	vand.u32 $0x7, v5;
	v6 =	vand.u32 $0xFFFFFFF0, v6  }
0x6a: {  	v5 =	vor.u32 v5, v6  }
0x6b: {  	v6 =	vperm.xlane v5, v0;
	_ =	sdelay $0x1  }
0x6c: {  	v5 =	vperm.xlane v5, v2;
	v6 =	vadd.s32 v1, v6;
	_ =	sdelay $0x1  }
0x6d: {  	v5 =	vadd.s32 v1, v5;
	_ =	sdelay $0x1  }
0x6e: {  	s29 =	rddreg [dreg:$0x14]  }
0x6f: {  	[tilespmem:s29], [sflag:$0x1] =	stream.indirect_vreg.gather [hbm4b:s0+s3], $0x80, v6, vm0, $0xb8;
	[tilespmem:$0x10600] =	vst v63  }
0x70: {  	s30 =	rddreg [dreg:$0x15]  }
0x71: {  	[tilespmem:s30], [sflag:$0x1] =	stream.indirect_vreg.gather [hbm4b:s0+s3], $0x80, v5, vm0, $0xb8;
	[tilespmem:$0x10600] =	vst v63  }
0x72: {  	v5 =	vld [tilespmem:$0x70];
	_ =	sdelay $0x4  }
0x73: {  	v6 =	vshll.u32 v5, $0x1  }
0x74: {  	v5 =	vand.u32 $0x7, v5;
	v6 =	vand.u32 $0xFFFFFFF0, v6  }
0x75: {  	v5 =	vor.u32 v5, v6  }
0x76: {  	v6 =	vperm.xlane v5, v0;
	_ =	sdelay $0x1  }
0x77: {  	v5 =	vperm.xlane v5, v2;
	v6 =	vadd.s32 v1, v6;
	_ =	sdelay $0x1  }
0x78: {  	v5 =	vadd.s32 v1, v5;
	_ =	sdelay $0x1  }
0x79: {  	s31 =	rddreg [dreg:$0x16]  }
0x7a: {  	[tilespmem:s31], [sflag:$0x1] =	stream.indirect_vreg.gather [hbm4b:s0+s3], $0x80, v6, vm0, $0xb8;
	[tilespmem:$0x10600] =	vst v63  }
0x7b: {  	s1 =	rddreg [dreg:$0x17]  }
0x7c: {  	[tilespmem:s1], [sflag:$0x1] =	stream.indirect_vreg.gather [hbm4b:s0+s3], $0x80, v5, vm0, $0xb8;
	[tilespmem:$0x10600] =	vst v63  }
0x7d: {  	v5 =	vld [tilespmem:$0x80];
	_ =	sdelay $0x4  }
0x7e: {  	v6 =	vshll.u32 v5, $0x1  }
0x7f: {  	v5 =	vand.u32 $0x7, v5;
	v6 =	vand.u32 $0xFFFFFFF0, v6  }
0x80: {  	v5 =	vor.u32 v5, v6  }
0x81: {  	v6 =	vperm.xlane v5, v0;
	_ =	sdelay $0x1  }
0x82: {  	v5 =	vperm.xlane v5, v2;
	v6 =	vadd.s32 v1, v6;
	_ =	sdelay $0x1  }
0x83: {  	v5 =	vadd.s32 v1, v5;
	_ =	sdelay $0x1  }
0x84: {  	s29 =	rddreg [dreg:$0x18]  }
0x85: {  	[tilespmem:s29], [sflag:$0x1] =	stream.indirect_vreg.gather [hbm4b:s0+s3], $0x80, v6, vm0, $0xb8;
	[tilespmem:$0x10600] =	vst v63  }
0x86: {  	_ = 	snop  }
0x87: {  	[tilespmem:s7], [sflag:$0x1] =	stream.indirect_vreg.gather [hbm4b:s0+s3], $0x80, v5, vm0, $0xb8;
	[tilespmem:$0x10600] =	vst v63  }
0x88: {  	v5 =	vld [tilespmem:$0x90];
	_ =	sdelay $0x4  }
0x89: {  	v6 =	vshll.u32 v5, $0x1  }
0x8a: {  	v5 =	vand.u32 $0x7, v5;
	v6 =	vand.u32 $0xFFFFFFF0, v6  }
0x8b: {  	v5 =	vor.u32 v5, v6  }
0x8c: {  	v6 =	vperm.xlane v5, v0;
	_ =	sdelay $0x1  }
0x8d: {  	v5 =	vperm.xlane v5, v2;
	v6 =	vadd.s32 v1, v6;
	_ =	sdelay $0x1  }
0x8e: {  	v5 =	vadd.s32 v1, v5;
	_ =	sdelay $0x2  }
0x8f: {  	[tilespmem:s8], [sflag:$0x1] =	stream.indirect_vreg.gather [hbm4b:s0+s3], $0x80, v6, vm0, $0xb8;
	[tilespmem:$0x10600] =	vst v63  }
0x90: {  	_ = 	snop  }
0x91: {  	[tilespmem:s9], [sflag:$0x1] =	stream.indirect_vreg.gather [hbm4b:s0+s3], $0x80, v5, vm0, $0xb8;
	[tilespmem:$0x10600] =	vst v63  }
0x92: {  	v5 =	vld [tilespmem:$0xA0];
	_ =	sdelay $0x4  }
0x93: {  	v6 =	vshll.u32 v5, $0x1  }
0x94: {  	v5 =	vand.u32 $0x7, v5;
	v6 =	vand.u32 $0xFFFFFFF0, v6  }
0x95: {  	v5 =	vor.u32 v5, v6  }
0x96: {  	v6 =	vperm.xlane v5, v0;
	_ =	sdelay $0x1  }
0x97: {  	v5 =	vperm.xlane v5, v2;
	v6 =	vadd.s32 v1, v6;
	_ =	sdelay $0x1  }
0x98: {  	v5 =	vadd.s32 v1, v5;
	_ =	sdelay $0x2  }
0x99: {  	[tilespmem:s10], [sflag:$0x1] =	stream.indirect_vreg.gather [hbm4b:s0+s3], $0x80, v6, vm0, $0xb8;
	[tilespmem:$0x10600] =	vst v63  }
0x9a: {  	_ = 	snop  }
0x9b: {  	[tilespmem:s11], [sflag:$0x1] =	stream.indirect_vreg.gather [hbm4b:s0+s3], $0x80, v5, vm0, $0xb8;
	[tilespmem:$0x10600] =	vst v63  }
0x9c: {  	v5 =	vld [tilespmem:$0xB0];
	_ =	sdelay $0x4  }
0x9d: {  	v6 =	vshll.u32 v5, $0x1  }
0x9e: {  	v5 =	vand.u32 $0x7, v5;
	v6 =	vand.u32 $0xFFFFFFF0, v6  }
0x9f: {  	v5 =	vor.u32 v5, v6  }
0xa0: {  	v6 =	vperm.xlane v5, v0;
	_ =	sdelay $0x1  }
0xa1: {  	v5 =	vperm.xlane v5, v2;
	v6 =	vadd.s32 v1, v6;
	_ =	sdelay $0x1  }
0xa2: {  	v5 =	vadd.s32 v1, v5;
	_ =	sdelay $0x2  }
0xa3: {  	[tilespmem:s12], [sflag:$0x1] =	stream.indirect_vreg.gather [hbm4b:s0+s3], $0x80, v6, vm0, $0xb8;
	[tilespmem:$0x10600] =	vst v63  }
0xa4: {  	_ = 	snop  }
0xa5: {  	[tilespmem:s13], [sflag:$0x1] =	stream.indirect_vreg.gather [hbm4b:s0+s3], $0x80, v5, vm0, $0xb8;
	[tilespmem:$0x10600] =	vst v63  }
0xa6: {  	v5 =	vld [tilespmem:$0xC0];
	_ =	sdelay $0x4  }
0xa7: {  	v6 =	vshll.u32 v5, $0x1  }
0xa8: {  	v5 =	vand.u32 $0x7, v5;
	v6 =	vand.u32 $0xFFFFFFF0, v6  }
0xa9: {  	v5 =	vor.u32 v5, v6  }
0xaa: {  	v6 =	vperm.xlane v5, v0;
	_ =	sdelay $0x1  }
0xab: {  	v5 =	vperm.xlane v5, v2;
	v6 =	vadd.s32 v1, v6;
	_ =	sdelay $0x1  }
0xac: {  	v5 =	vadd.s32 v1, v5;
	_ =	sdelay $0x2  }
0xad: {  	[tilespmem:s14], [sflag:$0x1] =	stream.indirect_vreg.gather [hbm4b:s0+s3], $0x80, v6, vm0, $0xb8;
	[tilespmem:$0x10600] =	vst v63  }
0xae: {  	_ = 	snop  }
0xaf: {  	[tilespmem:s15], [sflag:$0x1] =	stream.indirect_vreg.gather [hbm4b:s0+s3], $0x80, v5, vm0, $0xb8;
	[tilespmem:$0x10600] =	vst v63  }
0xb0: {  	v5 =	vld [tilespmem:$0xD0];
	_ =	sdelay $0x4  }
0xb1: {  	v6 =	vshll.u32 v5, $0x1  }
0xb2: {  	v5 =	vand.u32 $0x7, v5;
	v6 =	vand.u32 $0xFFFFFFF0, v6  }
0xb3: {  	v5 =	vor.u32 v5, v6  }
0xb4: {  	v6 =	vperm.xlane v5, v0;
	_ =	sdelay $0x1  }
0xb5: {  	v5 =	vperm.xlane v5, v2;
	v6 =	vadd.s32 v1, v6;
	_ =	sdelay $0x1  }
0xb6: {  	v5 =	vadd.s32 v1, v5;
	_ =	sdelay $0x2  }
0xb7: {  	[tilespmem:s16], [sflag:$0x1] =	stream.indirect_vreg.gather [hbm4b:s0+s3], $0x80, v6, vm0, $0xb8;
	[tilespmem:$0x10600] =	vst v63  }
0xb8: {  	_ = 	snop  }
0xb9: {  	[tilespmem:s17], [sflag:$0x1] =	stream.indirect_vreg.gather [hbm4b:s0+s3], $0x80, v5, vm0, $0xb8;
	[tilespmem:$0x10600] =	vst v63  }
0xba: {  	v5 =	vld [tilespmem:$0xE0];
	_ =	sdelay $0x4  }
0xbb: {  	v6 =	vshll.u32 v5, $0x1  }
0xbc: {  	v5 =	vand.u32 $0x7, v5;
	v6 =	vand.u32 $0xFFFFFFF0, v6  }
0xbd: {  	v5 =	vor.u32 v5, v6  }
0xbe: {  	v6 =	vperm.xlane v5, v0;
	_ =	sdelay $0x1  }
0xbf: {  	v5 =	vperm.xlane v5, v2;
	v6 =	vadd.s32 v1, v6;
	_ =	sdelay $0x1  }
0xc0: {  	v5 =	vadd.s32 v1, v5;
	_ =	sdelay $0x2  }
0xc1: {  	[tilespmem:s18], [sflag:$0x1] =	stream.indirect_vreg.gather [hbm4b:s0+s3], $0x80, v6, vm0, $0xb8;
	[tilespmem:$0x10600] =	vst v63  }
0xc2: {  	_ = 	snop  }
0xc3: {  	[tilespmem:s19], [sflag:$0x1] =	stream.indirect_vreg.gather [hbm4b:s0+s3], $0x80, v5, vm0, $0xb8;
	[tilespmem:$0x10600] =	vst v63  }
0xc4: {  	v5 =	vld [tilespmem:$0xF0];
	_ =	sdelay $0x4  }
0xc5: {  	v6 =	vshll.u32 v5, $0x1  }
0xc6: {  	v5 =	vand.u32 $0x7, v5;
	v6 =	vand.u32 $0xFFFFFFF0, v6  }
0xc7: {  	v5 =	vor.u32 v5, v6  }
0xc8: {  	v6 =	vperm.xlane v5, v0;
	_ =	sdelay $0x1  }
0xc9: {  	v5 =	vperm.xlane v5, v2;
	v6 =	vadd.s32 v1, v6;
	_ =	sdelay $0x1  }
0xca: {  	v5 =	vadd.s32 v1, v5;
	_ =	sdelay $0x2  }
0xcb: {  	[tilespmem:s20], [sflag:$0x1] =	stream.indirect_vreg.gather [hbm4b:s0+s3], $0x80, v6, vm0, $0xb8;
	[tilespmem:$0x10600] =	vst v63  }
0xcc: {  	_ = 	snop  }
0xcd: {  	[tilespmem:s21], [sflag:$0x1] =	stream.indirect_vreg.gather [hbm4b:s0+s3], $0x80, v5, vm0, $0xb8;
	[tilespmem:$0x10600] =	vst v63  }
0xce: {  	[tilespmem:$0x10200] =	vst v3  }
0xcf: {  	[tilespmem:$0x10210] =	vst v3  }
0xd0: {  	[tilespmem:$0x10220] =	vst v3  }
0xd1: {  	[tilespmem:$0x10230] =	vst v3  }
0xd2: {  	[tilespmem:$0x10240] =	vst v3  }
0xd3: {  	[tilespmem:$0x10250] =	vst v3  }
0xd4: {  	[tilespmem:$0x10260] =	vst v3  }
0xd5: {  	[tilespmem:$0x10270] =	vst v3  }
0xd6: {  	[tilespmem:$0x10280] =	vst v3  }
0xd7: {  	[tilespmem:$0x10290] =	vst v3  }
0xd8: {  	[tilespmem:$0x102A0] =	vst v3  }
0xd9: {  	[tilespmem:$0x102B0] =	vst v3  }
0xda: {  	[tilespmem:$0x102C0] =	vst v3  }
0xdb: {  	[tilespmem:$0x102D0] =	vst v3  }
0xdc: {  	[tilespmem:$0x102E0] =	vst v3  }
0xdd: {  	[tilespmem:$0x102F0] =	vst v3  }
0xde: {  	[tilespmem:$0x10300] =	vst v3  }
0xdf: {  	[tilespmem:$0x10310] =	vst v3  }
0xe0: {  	[tilespmem:$0x10320] =	vst v3  }
0xe1: {  	[tilespmem:$0x10330] =	vst v3  }
0xe2: {  	[tilespmem:$0x10340] =	vst v3  }
0xe3: {  	[tilespmem:$0x10350] =	vst v3  }
0xe4: {  	[tilespmem:$0x10360] =	vst v3  }
0xe5: {  	[tilespmem:$0x10370] =	vst v3  }
0xe6: {  	[tilespmem:$0x10380] =	vst v3  }
0xe7: {  	[tilespmem:$0x10390] =	vst v3  }
0xe8: {  	[tilespmem:$0x103A0] =	vst v3  }
0xe9: {  	[tilespmem:$0x103B0] =	vst v3  }
0xea: {  	[tilespmem:$0x103C0] =	vst v3  }
0xeb: {  	[tilespmem:$0x103D0] =	vst v3  }
0xec: {  	[tilespmem:$0x103E0] =	vst v3  }
0xed: {  	[tilespmem:$0x103F0] =	vst v3  }
0xee: {  	[tilespmem:$0x10100] =	vst v4  }
0xef: {  	[tilespmem:$0x10110] =	vst v4  }
0xf0: {  	[tilespmem:$0x10120] =	vst v4  }
0xf1: {  	[tilespmem:$0x10130] =	vst v4  }
0xf2: {  	[tilespmem:$0x10140] =	vst v4  }
0xf3: {  	[tilespmem:$0x10150] =	vst v4  }
0xf4: {  	[tilespmem:$0x10160] =	vst v4  }
0xf5: {  	[tilespmem:$0x10170] =	vst v4  }
0xf6: {  	[tilespmem:$0x10180] =	vst v4  }
0xf7: {  	[tilespmem:$0x10190] =	vst v4  }
0xf8: {  	[tilespmem:$0x101A0] =	vst v4  }
0xf9: {  	[tilespmem:$0x101B0] =	vst v4  }
0xfa: {  	[tilespmem:$0x101C0] =	vst v4  }
0xfb: {  	[tilespmem:$0x101D0] =	vst v4  }
0xfc: {  	[tilespmem:$0x101E0] =	vst v4  }
0xfd: {  	s30 =	rddreg [dreg:$0x6];
	[tilespmem:$0x101F0] =	vst v4  }
0xfe: {  	[spmem:s30] =	stream.linear.scatter [tilespmem:s22], [sflag:$0x3], $0x200, $0x38;
	[tilespmem:$0x10600] =	vst v63  }
0xff: {  	_ =	swait.ge [sflag:s5], $0x200  }
0x100: {  	[sflag:s5] =	ssyncset.done $0x0  }
0x101: {  	[sflag:s5] =	ssyncadd.s32 $0xFFFFFE00  }
0x102: {  	[bflag:$0x0] =	sbarrier.arrive $0xFFFF  }
0x103: {  	[spmem:s2] =	stream.indirect.scatter.add.f32 [tilespmem:s23], [sflag:$0x3], $0x1, s3, s6, $0xb8;
	[tilespmem:$0x10600] =	vst v63  }
0x104: {  	_ =	swait.ge [sflag:s5], $0x100  }
0x105: {  	[sflag:s5] =	ssyncset.done $0x0  }
0x106: {  	[sflag:s5] =	ssyncadd.s32 $0xFFFFFF00  }
0x107: {  	_ =	swait.ge [sflag:s24], $0x10000  }
0x108: {  	[sflag:s24] =	ssyncset.done $0x0  }
0x109: {  	s28 =	sshrl.u32 @!p0 s2, $0x3;
	s31 =	rddreg [dreg:$0x7];
	[sflag:s24] =	ssyncadd.s32 $0xFFFF0000  }
0x10a: {  	[hbm4b:s31+s3] =	stream.linear.scatter [tilespmem:s6], [sflag:$0x2], $0x10000, $0x38;
	[tilespmem:$0x10600] =	vst v63  }
0x10b: {  	s1 =	simm.s32 @!p0 $0x1C03;
	s29 =	simm.s32 @!p0 $0x1;
	[bflag:$0x0] =	sbarrier.arrive $0xFFFF  }
0x10c: {  	s30 =	simm.s32 @!p0 $0x20;
	s31 =	simm.s32 @!p0 $0x10;
	s26 =	rddreg [dreg:$0x8]  }
0x10d: {  	[hbm:s26@s30], [sflag:s1] =	dma.strided @!p0 [spmem:s28@s31], $0x400, s29, $0x10   }
0x10e: {  	s4 =	sadd.s32 $0xFFFFFFFF, s4;
	s1 =	simm.s32 @!p0 $0x3  }
0x10f: {  	p1 =	sne.s32 s4, $0x0;
	_ =	swait.ge @!p0 [sflag:s1], $0x400  }
.Ltmp0:
0x110: {  	[sflag:s1] =	ssyncset.done @!p0 $0x0;
	(pc) =	sbr.rel @p1 .LBB2_1-.Ltmp0, $4  }
0x111: {  	[sflag:s1] =	ssyncadd.s32 @!p0 $0xFFFFFC00  }
0x112: {  	_ =	swait.ge [sflag:s25], $0x10000  }
0x113: {  	[sflag:s25] =	ssyncset.done $0x0  }
0x114: {  	[sflag:s25] =	ssyncadd.s32 $0xFFFF0000  }
0x115: {  	_ =	sfence.sel $0x180000  }
0x116: {  	[bflag:$0x0] =	sbarrier.arrive $0xFFFF  }
0x117: {  	_ =	strace $0x90000047  }
0x118: {  	[bflag:$0x2] =	sbarrier.arrive $0xFFFF  }
0x119: {  	s0 =	rddreg [dreg:$0x4]  }
0x11a: {  	s0 =	sadd.s32 @!p0 $0x100000, s0  }
0x11b: {  	[sflag:s0] =	ssyncadd.tile.s32 @!p0 $0x1;
	_ =	shalt  }
.Lfunc_end2:
_tile_overlayer_lowered:
.L_overlay_start_2:
0x11c: {  	(tag) =	ssettag $0x2  }
0x11d: {  	s0 =	rddreg [dreg:$0x0];
	s2 =	stileid.u32  }
0x11e: {  	s1 =	rddreg [dreg:$0x1];
	p0 =	sne.s32 s2, $0x0  }
0x11f: {  	s3 =	rddreg [dreg:$0x2];
	[bflag:$0x3] =	sbarrier.arrive $0xFFFF;
	s2 =	simm.s32 @!p0 $0x1C03  }
0x120: {  	[timem:s3], [sflag:s2] =	dma.local @!p0 [hbm:s0], s1  }
0x121: {  	s0 =	simm.s32 @!p0 $0x3  }
0x122: {  	_ =	swait.ge @!p0 [sflag:s0], s1  }
0x123: {  	s1 =	ssub.s32 @!p0 $0x0, s1;
	[sflag:s0] =	ssyncset.done @!p0 $0x0  }
0x124: {  	[sflag:s0] =	ssyncadd.s32 @!p0 s1  }
0x125: {  	[bflag:$0x3] =	sbarrier.arrive $0xFFFF  }
0x126: {  	_ =	shalt  }

</sc_bundles>
